<compile_context>
chip_gen: v7x
topology: tpu7x:2x2x1
jax: 0.10.2.dev20260603
libtpu: 0.0.44.dev20260713+nightly
codegen_flags: <defaults>
</compile_context>

<pallas_src>
import functools

import jax
import jax.numpy as jnp
from jax import lax
from jax.experimental import pallas as pl
from jax.experimental.pallas import tpu as pltpu
from jax.experimental.pallas import tpu_sc as plsc

GAMMA = 0.99

B, L, V, F = 4, 64, 1024, 64
ROWS = B * L
NLANE = 16
NW = 16
RPW = ROWS // NW
PAIR_W = 2 * F

_DNUMS = lax.GatherDimensionNumbers(
    offset_dims=(), collapsed_slice_dims=(0,), start_index_map=(0,))


def _gather16(vec, idx):
    return lax.gather(vec, idx[:, None], _DNUMS, (1,),
                      mode=lax.GatherScatterMode.PROMISE_IN_BOUNDS)


def _allsum16(v):
    lanes = lax.iota(jnp.int32, NLANE)
    for s in (1, 2, 4, 8):
        v = v + _gather16(v, lanes ^ s)
    return v


def _sc_body(psi_hbm, tgt_hbm, act_hbm, sl_hbm, feat_hbm, out_hbm,
             act_v, sl_v, pidx_v, tidx_v, fidx_v,
             psi_rows, tgt_rows, phi_rows, acc_v, iz_v, sums_v, out_v, shared,
             sem):
    c = lax.axis_index("c")
    s = lax.axis_index("s")

    @pl.when(c == 0)
    def _():
        lanes = lax.iota(jnp.int32, NLANE)
        base = s * RPW
        b = base // L

        pltpu.sync_copy(act_hbm.at[pl.ds(base, 2 * NLANE)], act_v)
        pltpu.sync_copy(sl_hbm, sl_v)

        a_cur = act_v[pl.ds(0, NLANE)]
        a_hi = act_v[pl.ds(NLANE, NLANE)]
        p_vec = lanes + base
        q_vec = jnp.minimum(p_vec + 1, ROWS - 1)
        ql = q_vec - base
        is_hi = jnp.minimum(jnp.maximum(ql - (NLANE - 1), 0), 1)
        g_lo = _gather16(a_cur, jnp.minimum(ql, NLANE - 1))
        g_hi = _gather16(a_hi, jnp.maximum(ql - NLANE, 0))
        a_nxt = g_lo + is_hi * (g_hi - g_lo)

        pidx_v[...] = p_vec * (V // 2) + jnp.right_shift(a_cur, 1)
        tidx_v[...] = q_vec * (V // 2) + jnp.right_shift(a_nxt, 1)
        fidx = jnp.minimum(lanes, B - 1) * (L + 1) + sl_v[...]
        fidx_v[...] = jnp.right_shift(fidx, 1)
        h_cur = (a_cur & 1).astype(jnp.float32)
        h_nxt = (a_nxt & 1).astype(jnp.float32)
        h_phi = (fidx & 1).astype(jnp.float32)

        cp = pltpu.async_copy(psi_hbm.at[pidx_v], psi_rows, sem)
        ct = pltpu.async_copy(tgt_hbm.at[tidx_v], tgt_rows, sem)
        cf = pltpu.async_copy(feat_hbm.at[fidx_v], phi_rows, sem)
        cp.wait()
        ct.wait()
        cf.wait()

        gamma = jnp.float32(GAMMA)
        one = jnp.float32(1.0)
        zero = jnp.float32(0.0)
        bb = jnp.full((NLANE,), b, jnp.int32)
        d0 = _gather16(sl_v[...], bb) - 1 - (base - b * L)
        hb = _gather16(h_phi, bb)
        phi_cs = []
        for cc in range(F // NLANE):
            off = cc * NLANE
            phi_l = phi_rows[b, pl.ds(off, NLANE)]
            phi_r = phi_rows[b, pl.ds(F + off, NLANE)]
            phi_cs.append(phi_l + hb * (phi_r - phi_l))

        acc = jnp.zeros((NLANE,), jnp.float32)
        for j in range(RPW):
            row = base + j
            t = jnp.bitwise_and(row, L - 1)
            jj = jnp.full((NLANE,), j, jnp.int32)
            h = _gather16(h_cur, jj)
            hn = _gather16(h_nxt, jj)
            m = one - jnp.minimum(jnp.abs((d0 - jj).astype(jnp.float32)), one)
            w_shift = jnp.where(t <= L - 3, gamma, zero)
            w_valid = jnp.where(t <= L - 2, one, zero)
            w_tgt = (one - m) * w_shift
            for cc in range(F // NLANE):
                off = cc * NLANE
                psi_l = psi_rows[j, pl.ds(off, NLANE)]
                psi_r = psi_rows[j, pl.ds(F + off, NLANE)]
                psi_c = psi_l + h * (psi_r - psi_l)
                tgt_l = tgt_rows[j, pl.ds(off, NLANE)]
                tgt_r = tgt_rows[j, pl.ds(F + off, NLANE)]
                tgt_c = tgt_l + hn * (tgt_r - tgt_l)
                diff = psi_c - (m * phi_cs[cc] + w_tgt * tgt_c)
                acc = acc + w_valid * (diff * diff)

        @pl.when(s == 0)
        def _():
            acc_v[0, ...] = jnp.zeros((NLANE,), jnp.float32)
            pltpu.sync_copy(acc_v, shared)
        plsc.subcore_barrier()
        acc_v[0, ...] = acc
        iz_v[...] = jnp.zeros((1,), jnp.int32)
        pltpu.sync_copy(acc_v, shared.at[iz_v], add=True)
        plsc.subcore_barrier()

        @pl.when(s == 0)
        def _():
            pltpu.sync_copy(shared, sums_v)
            total = _allsum16(sums_v[0, pl.ds(0, NLANE)])
            denom = _allsum16(sl_v[...].astype(jnp.float32))
            out_v[...] = total / denom
            pltpu.sync_copy(out_v, out_hbm)


_sarsa_sc = functools.partial(
    pl.kernel,
    mesh=plsc.VectorSubcoreMesh(core_axis_name="c", subcore_axis_name="s"),
    out_type=jax.ShapeDtypeStruct((NLANE,), jnp.float32),
    scratch_types=[
        pltpu.VMEM((2 * NLANE,), jnp.int32),
        pltpu.VMEM((NLANE,), jnp.int32),
        pltpu.VMEM((NLANE,), jnp.int32),
        pltpu.VMEM((NLANE,), jnp.int32),
        pltpu.VMEM((NLANE,), jnp.int32),
        pltpu.VMEM((RPW, PAIR_W), jnp.float32),
        pltpu.VMEM((RPW, PAIR_W), jnp.float32),
        pltpu.VMEM((NLANE, PAIR_W), jnp.float32),
        pltpu.VMEM((1, NLANE), jnp.float32),
        pltpu.VMEM((1,), jnp.int32),
        pltpu.VMEM((1, NLANE), jnp.float32),
        pltpu.VMEM((NLANE,), jnp.float32),
        pltpu.VMEM_SHARED((1, NLANE), jnp.float32),
        pltpu.SemaphoreType.DMA,
    ],
)(_sc_body)


def kernel(psi, target_psi, actions, features, seq_lens):
    psi_pairs = psi.reshape(B * L * V * F // PAIR_W, PAIR_W)
    tgt_pairs = target_psi.reshape(B * L * V * F // PAIR_W, PAIR_W)
    act = jnp.pad(actions.astype(jnp.int32), ((0, 0), (0, 1))).reshape(-1)
    act = jnp.pad(act, (0, NLANE))
    sl = jnp.zeros((NLANE,), jnp.int32).at[:B].set(seq_lens.astype(jnp.int32))
    feat_pairs = features.reshape(B * (L + 1) * F // PAIR_W, PAIR_W)
    out = _sarsa_sc(psi_pairs, tgt_pairs, act, sl, feat_pairs)
    return out[0]

# --- scband reference (transcript-rebuilt; emitter-appended) ---
"""Pipeline reference for scband-sarsa-22874995818997 (READ-ONLY COPY).

The authoritative reference and input builder live on the scoring server;
editing this copy changes nothing except your own understanding.
"""

import jax, jax.numpy as jnp
import numpy as np

GAMMA = 0.99
IGNORE_INDEX = -100


def setup_inputs(seed: int = 0) -> dict:
    key = jax.random.key(seed)
    k1, k2, k3, k4, k5 = jax.random.split(key, 5)
    B, L, V, F = 4, 64, 1024, 64
    psi = jax.random.normal(k1, (B, L, V, F), dtype=jnp.float32)
    target_psi = jax.random.normal(k2, (B, L, V, F), dtype=jnp.float32)
    actions = jax.random.randint(k3, (B, L - 1), 0, V)
    features = jax.random.normal(k4, (B, L + 1, F), dtype=jnp.float32)
    seq_lens = jax.random.randint(k5, (B,), 1, L - 1)
    return {"psi": psi, "target_psi": target_psi, "actions": actions, "features": features, "seq_lens": seq_lens}


def _sarsa_forward(psi, target_psi, features, actions, seq_lens):
    # phis: [B, L, F]
    phis = features[:, 1:, :]
    # slice psi to [B, L-1, V, F]
    psi_s = psi[:, :-1, :, :]
    B, Lm1, V, F = psi_s.shape
    # gather along vocab dim using actions: [B, L-1, 1, F]
    idx = jnp.broadcast_to(actions[:, :, None, None], (B, Lm1, 1, F))
    psi_g = jnp.take_along_axis(psi_s, idx, axis=2).squeeze(2)  # [B, L-1, F]
    # torch.gather on full target_psi with smaller index == gather on the sliced prefix
    tgt_g = jnp.take_along_axis(target_psi[:, :Lm1, :, :], idx, axis=2).squeeze(2)  # [B, L-1, F]
    psi_backup = jnp.zeros_like(psi_g)
    psi_backup = psi_backup.at[:, :-1, :].set(GAMMA * tgt_g[:, 1:, :])
    b_idx = jnp.arange(B)
    psi_backup = psi_backup.at[b_idx, seq_lens - 1, :].set(phis[b_idx, seq_lens - 1, :])
    psi_backup = jax.lax.stop_gradient(psi_backup)  # .detach()
    loss = jnp.sum((psi_g - psi_backup) ** 2, axis=-1)  # mse, reduction='none', sum over feature dim
    loss = jnp.where(actions == IGNORE_INDEX, 0.0, loss)  # _mask_loss
    loss = jnp.sum(loss)  # reduce=True
    return loss / jnp.sum(seq_lens).astype(loss.dtype)


def reference(psi, target_psi, actions, features, seq_lens):
    return _sarsa_forward(psi, target_psi, features, actions, seq_lens)

if __name__ == "__main__":
    import jax
    _d = setup_inputs()
    print(jax.jit(kernel)(*tuple(_d.values())))

</pallas_src>

<mosaic_0001>
#map = affine_map<(d0, d1) -> (0, 0)>
#map1 = affine_map<(d0, d1) -> (0)>
module attributes {stable_mosaic.version = 14 : i64} {
  func.func @_sc_body(%arg0: i32, %arg1: i32, %arg2: memref<131072x128xf32, #tpu.memory_space<hbm>>, %arg3: memref<131072x128xf32, #tpu.memory_space<hbm>>, %arg4: memref<272xi32, #tpu.memory_space<hbm>>, %arg5: memref<16xi32, #tpu.memory_space<hbm>>, %arg6: memref<130x128xf32, #tpu.memory_space<hbm>>, %arg7: memref<16xf32, #tpu.memory_space<hbm>>, %arg8: memref<32xi32, #tpu.memory_space<vmem>>, %arg9: memref<16xi32, #tpu.memory_space<vmem>>, %arg10: memref<16xi32, #tpu.memory_space<vmem>>, %arg11: memref<16xi32, #tpu.memory_space<vmem>>, %arg12: memref<16xi32, #tpu.memory_space<vmem>>, %arg13: memref<16x128xf32, #tpu.memory_space<vmem>>, %arg14: memref<16x128xf32, #tpu.memory_space<vmem>>, %arg15: memref<16x128xf32, #tpu.memory_space<vmem>>, %arg16: memref<1x16xf32, #tpu.memory_space<vmem>>, %arg17: memref<1xi32, #tpu.memory_space<vmem>>, %arg18: memref<1x16xf32, #tpu.memory_space<vmem>>, %arg19: memref<16xf32, #tpu.memory_space<vmem>>, %arg20: memref<1x16xf32, #tpu.memory_space<vmem_shared>>, %arg21: memref<!tpu.dma_semaphore, #tpu.memory_space<semaphore_mem>>) attributes {dimension_semantics = [#tpu.dimension_semantics<core_parallel>, #tpu.dimension_semantics<subcore_parallel>], iteration_bounds = array<i64: 2, 16>, scalar_prefetch = 0 : i64, scratch_operands = 14 : i64, tpu.core_type = #tpu.core_type<sc_vector_subcore>, window_params = [{transform_indices = #map}, {transform_indices = #map}, {transform_indices = #map1}, {transform_indices = #map1}, {transform_indices = #map}, {transform_indices = #map1}]} {
    %eq3A = arith.constant 0 : i32
    %eq3A_0 = arith.cmpi eq, %arg0, %eq3A : i32
    %convert_element_type3A = arith.extui %eq3A_0 : i1 to i32
    %cond3A = arith.constant 0 : i32
    %cond3A_1 = arith.cmpi ne, %convert_element_type3A, %cond3A : i32
    scf.if %cond3A_1 {
      %iota3A = tpu.iota {dimensions = array<i32: 0>} : vector<16xi32>
      %mul3A = arith.constant 16 : i32
      %mul3A_2 = arith.muli %arg1, %mul3A : i32
      %jit3A = arith.constant 64 : i32
      %div3A = arith.divsi %mul3A_2, %jit3A : i32
      %sign3A = arith.constant 0 : i32
      %sign3A_3 = arith.cmpi sgt, %mul3A_2, %sign3A : i32
      %sign3A_4 = arith.extui %sign3A_3 : i1 to i32
      %sign3A_5 = arith.constant 0 : i32
      %sign3A_6 = arith.cmpi slt, %mul3A_2, %sign3A_5 : i32
      %sign3A_7 = arith.extui %sign3A_6 : i1 to i32
      %sign3A_8 = arith.subi %sign3A_4, %sign3A_7 : i32
      %sign3A_9 = arith.constant 0 : i32
      %sign3A_10 = arith.cmpi sgt, %jit3A, %sign3A_9 : i32
      %sign3A_11 = arith.extui %sign3A_10 : i1 to i32
      %sign3A_12 = arith.constant 0 : i32
      %sign3A_13 = arith.cmpi slt, %jit3A, %sign3A_12 : i32
      %sign3A_14 = arith.extui %sign3A_13 : i1 to i32
      %sign3A_15 = arith.subi %sign3A_11, %sign3A_14 : i32
      %ne3A = arith.cmpi ne, %sign3A_8, %sign3A_15 : i32
      %rem3A = arith.remsi %mul3A_2, %jit3A : i32
      %ne3A_16 = arith.constant 0 : i32
      %ne3A_17 = arith.cmpi ne, %rem3A, %ne3A_16 : i32
      %and3A = arith.andi %ne3A, %ne3A_17 : i1
      %sub3A = arith.constant 1 : i32
      %sub3A_18 = arith.subi %div3A, %sub3A : i32
      %select_n3A = arith.select %and3A, %sub3A_18, %div3A : i32
      "tpu.region"() ({
        %run_scoped3A = tpu.sem_alloc : memref<!tpu.dma_semaphore, #tpu.memory_space<semaphore_mem>>
        %dma_start3A_2958 = tpu.memref_slice %arg4[%mul3A_2] : memref<272xi32, #tpu.memory_space<hbm>> -> memref<32xi32, #tpu.memory_space<hbm>>
        %dma_start3A_2959 = tpu.memref_slice %arg4[%mul3A_2] : memref<272xi32, #tpu.memory_space<hbm>> -> memref<32xi32, #tpu.memory_space<hbm>>
        tpu.enqueue_dma source(%dma_start3A_2959 : memref<32xi32, #tpu.memory_space<hbm>>) target(%arg8 : memref<32xi32, #tpu.memory_space<vmem>>) target_semaphore(%run_scoped3A : memref<!tpu.dma_semaphore, #tpu.memory_space<semaphore_mem>>)
        %dma_wait3A_2960 = tpu.memref_slice %arg4[%mul3A_2] : memref<272xi32, #tpu.memory_space<hbm>> -> memref<32xi32, #tpu.memory_space<hbm>>
        %dma_wait3A_2961 = tpu.memref_slice %arg4[%mul3A_2] : memref<272xi32, #tpu.memory_space<hbm>> -> memref<32xi32, #tpu.memory_space<hbm>>
        tpu.wait_dma2 semaphore(%run_scoped3A : memref<!tpu.dma_semaphore, #tpu.memory_space<semaphore_mem>>) src(%dma_wait3A_2961 : memref<32xi32, #tpu.memory_space<hbm>>) dst(%arg8 : memref<32xi32, #tpu.memory_space<vmem>>)
        tpu.yield
      }) : () -> ()
      "tpu.region"() ({
        %run_scoped3A = tpu.sem_alloc : memref<!tpu.dma_semaphore, #tpu.memory_space<semaphore_mem>>
        tpu.enqueue_dma source(%arg5 : memref<16xi32, #tpu.memory_space<hbm>>) target(%arg9 : memref<16xi32, #tpu.memory_space<vmem>>) target_semaphore(%run_scoped3A : memref<!tpu.dma_semaphore, #tpu.memory_space<semaphore_mem>>)
        tpu.wait_dma2 semaphore(%run_scoped3A : memref<!tpu.dma_semaphore, #tpu.memory_space<semaphore_mem>>) src(%arg5 : memref<16xi32, #tpu.memory_space<hbm>>) dst(%arg9 : memref<16xi32, #tpu.memory_space<vmem>>)
        tpu.yield
      }) : () -> ()
      %get3A = arith.constant 0 : index
      %get3A_19 = tpu.vector_load %arg8[%get3A] {strides = array<i32>} : memref<32xi32, #tpu.memory_space<vmem>>, vector<16xi32>,
      %get3A_20 = vector.shape_cast %get3A_19 : vector<16xi32> to vector<16xi32>
      %get3A_21 = arith.constant 16 : index
      %get3A_22 = tpu.vector_load %arg8[%get3A_21] {strides = array<i32>} : memref<32xi32, #tpu.memory_space<vmem>>, vector<16xi32>,
      %get3A_23 = vector.shape_cast %get3A_22 : vector<16xi32> to vector<16xi32>
      %add3A = vector.broadcast %mul3A_2 : i32 to vector<16xi32>
      %add3A_24 = arith.addi %iota3A, %add3A : vector<16xi32>
      %add3A_25 = arith.constant 1 : i32
      %add3A_26 = vector.broadcast %add3A_25 : i32 to vector<16xi32>
      %add3A_27 = arith.addi %add3A_24, %add3A_26 : vector<16xi32>
      %min3A = arith.constant 255 : i32
      %min3A_28 = vector.broadcast %min3A : i32 to vector<16xi32>
      %min3A_29 = arith.minsi %add3A_27, %min3A_28 : vector<16xi32>
      %sub3A_30 = vector.broadcast %mul3A_2 : i32 to vector<16xi32>
      %sub3A_31 = arith.subi %min3A_29, %sub3A_30 : vector<16xi32>
      %sub3A_32 = arith.constant 15 : i32
      %sub3A_33 = vector.broadcast %sub3A_32 : i32 to vector<16xi32>
      %sub3A_34 = arith.subi %sub3A_31, %sub3A_33 : vector<16xi32>
      %max3A = arith.constant 0 : i32
      %max3A_35 = vector.broadcast %max3A : i32 to vector<16xi32>
      %max3A_36 = arith.maxsi %sub3A_34, %max3A_35 : vector<16xi32>
      %min3A_37 = arith.constant 1 : i32
      %min3A_38 = vector.broadcast %min3A_37 : i32 to vector<16xi32>
      %min3A_39 = arith.minsi %max3A_36, %min3A_38 : vector<16xi32>
      %min3A_40 = arith.constant 15 : i32
      %min3A_41 = vector.broadcast %min3A_40 : i32 to vector<16xi32>
      %min3A_42 = arith.minsi %sub3A_31, %min3A_41 : vector<16xi32>
      %broadcast_in_dim3A = vector.shape_cast %min3A_42 : vector<16xi32> to vector<16x1xi32>
      %gather3A = vector.shape_cast %broadcast_in_dim3A : vector<16x1xi32> to vector<16xi32>
      %gather3A_43 = tpu.dynamic_gather %get3A_20[%gather3A] in [0] : vector<16xi32>, vector<16xi32> -> vector<16xi32>
      %sub3A_44 = arith.constant 16 : i32
      %sub3A_45 = vector.broadcast %sub3A_44 : i32 to vector<16xi32>
      %sub3A_46 = arith.subi %sub3A_31, %sub3A_45 : vector<16xi32>
      %max3A_47 = arith.constant 0 : i32
      %max3A_48 = vector.broadcast %max3A_47 : i32 to vector<16xi32>
      %max3A_49 = arith.maxsi %sub3A_46, %max3A_48 : vector<16xi32>
      %broadcast_in_dim3A_50 = vector.shape_cast %max3A_49 : vector<16xi32> to vector<16x1xi32>
      %gather3A_51 = vector.shape_cast %broadcast_in_dim3A_50 : vector<16x1xi32> to vector<16xi32>
      %gather3A_52 = tpu.dynamic_gather %get3A_23[%gather3A_51] in [0] : vector<16xi32>, vector<16xi32> -> vector<16xi32>
      %sub3A_53 = arith.subi %gather3A_52, %gather3A_43 : vector<16xi32>
      %mul3A_54 = arith.muli %min3A_39, %sub3A_53 : vector<16xi32>
      %add3A_55 = arith.addi %gather3A_43, %mul3A_54 : vector<16xi32>
      %mul3A_56 = arith.constant 512 : i32
      %mul3A_57 = vector.broadcast %mul3A_56 : i32 to vector<16xi32>
      %mul3A_58 = arith.muli %add3A_24, %mul3A_57 : vector<16xi32>
      %shift_right_arithmetic3A = arith.constant 1 : i32
      %shift_right_arithmetic3A_59 = vector.broadcast %shift_right_arithmetic3A : i32 to vector<16xi32>
      %shift_right_arithmetic3A_60 = arith.shrsi %get3A_20, %shift_right_arithmetic3A_59 : vector<16xi32>
      %add3A_61 = arith.addi %mul3A_58, %shift_right_arithmetic3A_60 : vector<16xi32>
      %swap3A = arith.constant 0 : index
      %swap3A_62 = tpu.vector_load %arg10[%swap3A] {strides = array<i32>} : memref<16xi32, #tpu.memory_space<vmem>>, vector<16xi32>,
      %swap3A_63 = vector.shape_cast %swap3A_62 : vector<16xi32> to vector<16xi32>
      %swap3A_64 = vector.shape_cast %add3A_61 : vector<16xi32> to vector<16xi32>
      tpu.vector_store %arg10[%swap3A], %swap3A_64 {strides = array<i32>} : memref<16xi32, #tpu.memory_space<vmem>>, vector<16xi32>,
      %mul3A_65 = arith.constant 512 : i32
      %mul3A_66 = vector.broadcast %mul3A_65 : i32 to vector<16xi32>
      %mul3A_67 = arith.muli %min3A_29, %mul3A_66 : vector<16xi32>
      %shift_right_arithmetic3A_68 = arith.constant 1 : i32
      %shift_right_arithmetic3A_69 = vector.broadcast %shift_right_arithmetic3A_68 : i32 to vector<16xi32>
      %shift_right_arithmetic3A_70 = arith.shrsi %add3A_55, %shift_right_arithmetic3A_69 : vector<16xi32>
      %add3A_71 = arith.addi %mul3A_67, %shift_right_arithmetic3A_70 : vector<16xi32>
      %swap3A_72 = arith.constant 0 : index
      %swap3A_73 = tpu.vector_load %arg11[%swap3A_72] {strides = array<i32>} : memref<16xi32, #tpu.memory_space<vmem>>, vector<16xi32>,
      %swap3A_74 = vector.shape_cast %swap3A_73 : vector<16xi32> to vector<16xi32>
      %swap3A_75 = vector.shape_cast %add3A_71 : vector<16xi32> to vector<16xi32>
      tpu.vector_store %arg11[%swap3A_72], %swap3A_75 {strides = array<i32>} : memref<16xi32, #tpu.memory_space<vmem>>, vector<16xi32>,
      %min3A_76 = arith.constant 3 : i32
      %min3A_77 = vector.broadcast %min3A_76 : i32 to vector<16xi32>
      %min3A_78 = arith.minsi %iota3A, %min3A_77 : vector<16xi32>
      %mul3A_79 = arith.constant 65 : i32
      %mul3A_80 = vector.broadcast %mul3A_79 : i32 to vector<16xi32>
      %mul3A_81 = arith.muli %min3A_78, %mul3A_80 : vector<16xi32>
      %get3A_82 = arith.constant 0 : index
      %get3A_83 = tpu.vector_load %arg9[%get3A_82] {strides = array<i32>} : memref<16xi32, #tpu.memory_space<vmem>>, vector<16xi32>,
      %get3A_84 = vector.shape_cast %get3A_83 : vector<16xi32> to vector<16xi32>
      %add3A_85 = arith.addi %mul3A_81, %get3A_84 : vector<16xi32>
      %shift_right_arithmetic3A_86 = arith.constant 1 : i32
      %shift_right_arithmetic3A_87 = vector.broadcast %shift_right_arithmetic3A_86 : i32 to vector<16xi32>
      %shift_right_arithmetic3A_88 = arith.shrsi %add3A_85, %shift_right_arithmetic3A_87 : vector<16xi32>
      %swap3A_89 = arith.constant 0 : index
      %swap3A_90 = tpu.vector_load %arg12[%swap3A_89] {strides = array<i32>} : memref<16xi32, #tpu.memory_space<vmem>>, vector<16xi32>,
      %swap3A_91 = vector.shape_cast %swap3A_90 : vector<16xi32> to vector<16xi32>
      %swap3A_92 = vector.shape_cast %shift_right_arithmetic3A_88 : vector<16xi32> to vector<16xi32>
      tpu.vector_store %arg12[%swap3A_89], %swap3A_92 {strides = array<i32>} : memref<16xi32, #tpu.memory_space<vmem>>, vector<16xi32>,
      %and3A_93 = arith.constant 1 : i32
      %and3A_94 = vector.broadcast %and3A_93 : i32 to vector<16xi32>
      %and3A_95 = arith.andi %get3A_20, %and3A_94 : vector<16xi32>
      %convert_element_type3A_96 = arith.sitofp %and3A_95 : vector<16xi32> to vector<16xf32>
      %and3A_97 = arith.constant 1 : i32
      %and3A_98 = vector.broadcast %and3A_97 : i32 to vector<16xi32>
      %and3A_99 = arith.andi %add3A_55, %and3A_98 : vector<16xi32>
      %convert_element_type3A_100 = arith.sitofp %and3A_99 : vector<16xi32> to vector<16xf32>
      %and3A_101 = arith.constant 1 : i32
      %and3A_102 = vector.broadcast %and3A_101 : i32 to vector<16xi32>
      %and3A_103 = arith.andi %add3A_85, %and3A_102 : vector<16xi32>
      %convert_element_type3A_104 = arith.sitofp %and3A_103 : vector<16xi32> to vector<16xf32>
      %dma_start3A = arith.constant 0 : i32
      %dma_start3A_105 = arith.constant 0 : i32
      %dma_start3A_106 = tpu.memref_slice %arg2[%dma_start3A, %dma_start3A_105] : memref<131072x128xf32, #tpu.memory_space<hbm>> -> memref<131072x128xf32, #tpu.memory_space<hbm>>
      tpu.enqueue_indirect_dma source(%dma_start3A_106 : memref<131072x128xf32, #tpu.memory_space<hbm>>) target(%arg13 : memref<16x128xf32, #tpu.memory_space<vmem>>) offsets(%arg10 : memref<16xi32, #tpu.memory_space<vmem>>) semaphore(%arg21 : memref<!tpu.dma_semaphore, #tpu.memory_space<semaphore_mem>>)
      %dma_start3A_107 = arith.constant 0 : i32
      %dma_start3A_108 = arith.constant 0 : i32
      %dma_start3A_109 = tpu.memref_slice %arg3[%dma_start3A_107, %dma_start3A_108] : memref<131072x128xf32, #tpu.memory_space<hbm>> -> memref<131072x128xf32, #tpu.memory_space<hbm>>
      tpu.enqueue_indirect_dma source(%dma_start3A_109 : memref<131072x128xf32, #tpu.memory_space<hbm>>) target(%arg14 : memref<16x128xf32, #tpu.memory_space<vmem>>) offsets(%arg11 : memref<16xi32, #tpu.memory_space<vmem>>) semaphore(%arg21 : memref<!tpu.dma_semaphore, #tpu.memory_space<semaphore_mem>>)
      %dma_start3A_110 = arith.constant 0 : i32
      %dma_start3A_111 = arith.constant 0 : i32
      %dma_start3A_112 = tpu.memref_slice %arg6[%dma_start3A_110, %dma_start3A_111] : memref<130x128xf32, #tpu.memory_space<hbm>> -> memref<130x128xf32, #tpu.memory_space<hbm>>
      tpu.enqueue_indirect_dma source(%dma_start3A_112 : memref<130x128xf32, #tpu.memory_space<hbm>>) target(%arg15 : memref<16x128xf32, #tpu.memory_space<vmem>>) offsets(%arg12 : memref<16xi32, #tpu.memory_space<vmem>>) semaphore(%arg21 : memref<!tpu.dma_semaphore, #tpu.memory_space<semaphore_mem>>)
      %dma_wait3A = arith.constant 0 : i32
      %dma_wait3A_113 = arith.constant 0 : i32
      %dma_wait3A_114 = tpu.memref_slice %arg2[%dma_wait3A, %dma_wait3A_113] : memref<131072x128xf32, #tpu.memory_space<hbm>> -> memref<131072x128xf32, #tpu.memory_space<hbm>>
      tpu.wait_indirect_dma semaphore(%arg21 : memref<!tpu.dma_semaphore, #tpu.memory_space<semaphore_mem>>) src(%dma_wait3A_114 : memref<131072x128xf32, #tpu.memory_space<hbm>>) dst(%arg13 : memref<16x128xf32, #tpu.memory_space<vmem>>)
      %dma_wait3A_115 = arith.constant 0 : i32
      %dma_wait3A_116 = arith.constant 0 : i32
      %dma_wait3A_117 = tpu.memref_slice %arg3[%dma_wait3A_115, %dma_wait3A_116] : memref<131072x128xf32, #tpu.memory_space<hbm>> -> memref<131072x128xf32, #tpu.memory_space<hbm>>
      tpu.wait_indirect_dma semaphore(%arg21 : memref<!tpu.dma_semaphore, #tpu.memory_space<semaphore_mem>>) src(%dma_wait3A_117 : memref<131072x128xf32, #tpu.memory_space<hbm>>) dst(%arg14 : memref<16x128xf32, #tpu.memory_space<vmem>>)
      %dma_wait3A_118 = arith.constant 0 : i32
      %dma_wait3A_119 = arith.constant 0 : i32
      %dma_wait3A_120 = tpu.memref_slice %arg6[%dma_wait3A_118, %dma_wait3A_119] : memref<130x128xf32, #tpu.memory_space<hbm>> -> memref<130x128xf32, #tpu.memory_space<hbm>>
      tpu.wait_indirect_dma semaphore(%arg21 : memref<!tpu.dma_semaphore, #tpu.memory_space<semaphore_mem>>) src(%dma_wait3A_120 : memref<130x128xf32, #tpu.memory_space<hbm>>) dst(%arg15 : memref<16x128xf32, #tpu.memory_space<vmem>>)
      %broadcast_in_dim3A_121 = vector.broadcast %select_n3A : i32 to vector<16xi32>
      %get3A_122 = arith.constant 0 : index
      %get3A_123 = tpu.vector_load %arg9[%get3A_122] {strides = array<i32>} : memref<16xi32, #tpu.memory_space<vmem>>, vector<16xi32>,
      %get3A_124 = vector.shape_cast %get3A_123 : vector<16xi32> to vector<16xi32>
      %broadcast_in_dim3A_125 = vector.shape_cast %broadcast_in_dim3A_121 : vector<16xi32> to vector<16x1xi32>
      %gather3A_126 = vector.shape_cast %broadcast_in_dim3A_125 : vector<16x1xi32> to vector<16xi32>
      %gather3A_127 = tpu.dynamic_gather %get3A_124[%gather3A_126] in [0] : vector<16xi32>, vector<16xi32> -> vector<16xi32>
      %sub3A_128 = arith.constant 1 : i32
      %sub3A_129 = vector.broadcast %sub3A_128 : i32 to vector<16xi32>
      %sub3A_130 = arith.subi %gather3A_127, %sub3A_129 : vector<16xi32>
      %mul3A_131 = arith.constant 64 : i32
      %mul3A_132 = arith.muli %select_n3A, %mul3A_131 : i32
      %sub3A_133 = arith.subi %mul3A_2, %mul3A_132 : i32
      %sub3A_134 = vector.broadcast %sub3A_133 : i32 to vector<16xi32>
      %sub3A_135 = arith.subi %sub3A_130, %sub3A_134 : vector<16xi32>
      %broadcast_in_dim3A_136 = vector.shape_cast %broadcast_in_dim3A_121 : vector<16xi32> to vector<16x1xi32>
      %gather3A_137 = vector.shape_cast %broadcast_in_dim3A_136 : vector<16x1xi32> to vector<16xi32>
      %gather3A_138 = tpu.dynamic_gather %convert_element_type3A_104[%gather3A_137] in [0] : vector<16xf32>, vector<16xi32> -> vector<16xf32>
      %get3A_139 = arith.index_cast %select_n3A : i32 to index
      %get3A_140 = arith.constant 0 : index
      %get3A_141 = tpu.vector_load %arg15[%get3A_139, %get3A_140] {strides = array<i32>} : memref<16x128xf32, #tpu.memory_space<vmem>>, vector<1x16xf32>,
      %get3A_142 = vector.shape_cast %get3A_141 : vector<1x16xf32> to vector<16xf32>
      %get3A_143 = arith.index_cast %select_n3A : i32 to index
      %get3A_144 = arith.constant 64 : index
      %get3A_145 = tpu.vector_load %arg15[%get3A_143, %get3A_144] {strides = array<i32>} : memref<16x128xf32, #tpu.memory_space<vmem>>, vector<1x16xf32>,
      %get3A_146 = vector.shape_cast %get3A_145 : vector<1x16xf32> to vector<16xf32>
      %sub3A_147 = arith.subf %get3A_146, %get3A_142 : vector<16xf32>
      %mul3A_148 = arith.mulf %gather3A_138, %sub3A_147 : vector<16xf32>
      %add3A_149 = arith.addf %get3A_142, %mul3A_148 : vector<16xf32>
      %get3A_150 = arith.index_cast %select_n3A : i32 to index
      %get3A_151 = arith.constant 16 : index
      %get3A_152 = tpu.vector_load %arg15[%get3A_150, %get3A_151] {strides = array<i32>} : memref<16x128xf32, #tpu.memory_space<vmem>>, vector<1x16xf32>,
      %get3A_153 = vector.shape_cast %get3A_152 : vector<1x16xf32> to vector<16xf32>
      %get3A_154 = arith.index_cast %select_n3A : i32 to index
      %get3A_155 = arith.constant 80 : index
      %get3A_156 = tpu.vector_load %arg15[%get3A_154, %get3A_155] {strides = array<i32>} : memref<16x128xf32, #tpu.memory_space<vmem>>, vector<1x16xf32>,
      %get3A_157 = vector.shape_cast %get3A_156 : vector<1x16xf32> to vector<16xf32>
      %sub3A_158 = arith.subf %get3A_157, %get3A_153 : vector<16xf32>
      %mul3A_159 = arith.mulf %gather3A_138, %sub3A_158 : vector<16xf32>
      %add3A_160 = arith.addf %get3A_153, %mul3A_159 : vector<16xf32>
      %get3A_161 = arith.index_cast %select_n3A : i32 to index
      %get3A_162 = arith.constant 32 : index
      %get3A_163 = tpu.vector_load %arg15[%get3A_161, %get3A_162] {strides = array<i32>} : memref<16x128xf32, #tpu.memory_space<vmem>>, vector<1x16xf32>,
      %get3A_164 = vector.shape_cast %get3A_163 : vector<1x16xf32> to vector<16xf32>
      %get3A_165 = arith.index_cast %select_n3A : i32 to index
      %get3A_166 = arith.constant 96 : index
      %get3A_167 = tpu.vector_load %arg15[%get3A_165, %get3A_166] {strides = array<i32>} : memref<16x128xf32, #tpu.memory_space<vmem>>, vector<1x16xf32>,
      %get3A_168 = vector.shape_cast %get3A_167 : vector<1x16xf32> to vector<16xf32>
      %sub3A_169 = arith.subf %get3A_168, %get3A_164 : vector<16xf32>
      %mul3A_170 = arith.mulf %gather3A_138, %sub3A_169 : vector<16xf32>
      %add3A_171 = arith.addf %get3A_164, %mul3A_170 : vector<16xf32>
      %get3A_172 = arith.index_cast %select_n3A : i32 to index
      %get3A_173 = arith.constant 48 : index
      %get3A_174 = tpu.vector_load %arg15[%get3A_172, %get3A_173] {strides = array<i32>} : memref<16x128xf32, #tpu.memory_space<vmem>>, vector<1x16xf32>,
      %get3A_175 = vector.shape_cast %get3A_174 : vector<1x16xf32> to vector<16xf32>
      %get3A_176 = arith.index_cast %select_n3A : i32 to index
      %get3A_177 = arith.constant 112 : index
      %get3A_178 = tpu.vector_load %arg15[%get3A_176, %get3A_177] {strides = array<i32>} : memref<16x128xf32, #tpu.memory_space<vmem>>, vector<1x16xf32>,
      %get3A_179 = vector.shape_cast %get3A_178 : vector<1x16xf32> to vector<16xf32>
      %sub3A_180 = arith.subf %get3A_179, %get3A_175 : vector<16xf32>
      %mul3A_181 = arith.mulf %gather3A_138, %sub3A_180 : vector<16xf32>
      %add3A_182 = arith.addf %get3A_175, %mul3A_181 : vector<16xf32>
      %broadcast_in_dim3A_183 = arith.constant 0.000000e+00 : f32
      %broadcast_in_dim3A_184 = vector.broadcast %broadcast_in_dim3A_183 : f32 to vector<16xf32>
      %add3A_185 = arith.constant 0 : i32
      %add3A_186 = arith.addi %mul3A_2, %add3A_185 : i32
      %and3A_187 = arith.constant 63 : i32
      %and3A_188 = arith.andi %add3A_186, %and3A_187 : i32
      %broadcast_in_dim3A_189 = arith.constant 0 : i32
      %broadcast_in_dim3A_190 = vector.broadcast %broadcast_in_dim3A_189 : i32 to vector<16xi32>
      %broadcast_in_dim3A_191 = vector.shape_cast %broadcast_in_dim3A_190 : vector<16xi32> to vector<16x1xi32>
      %gather3A_192 = vector.shape_cast %broadcast_in_dim3A_191 : vector<16x1xi32> to vector<16xi32>
      %gather3A_193 = tpu.dynamic_gather %convert_element_type3A_96[%gather3A_192] in [0] : vector<16xf32>, vector<16xi32> -> vector<16xf32>
      %broadcast_in_dim3A_194 = vector.shape_cast %broadcast_in_dim3A_190 : vector<16xi32> to vector<16x1xi32>
      %gather3A_195 = vector.shape_cast %broadcast_in_dim3A_194 : vector<16x1xi32> to vector<16xi32>
      %gather3A_196 = tpu.dynamic_gather %convert_element_type3A_100[%gather3A_195] in [0] : vector<16xf32>, vector<16xi32> -> vector<16xf32>
      %sub3A_197 = arith.subi %sub3A_135, %broadcast_in_dim3A_190 : vector<16xi32>
      %convert_element_type3A_198 = arith.sitofp %sub3A_197 : vector<16xi32> to vector<16xf32>
      %abs3A = math.absf %convert_element_type3A_198 : vector<16xf32>
      %min3A_199 = arith.constant 1.000000e+00 : f32
      %min3A_200 = vector.broadcast %min3A_199 : f32 to vector<16xf32>
      %min3A_201 = arith.minimumf %abs3A, %min3A_200 : vector<16xf32>
      %sub3A_202 = arith.constant 1.000000e+00 : f32
      %sub3A_203 = vector.broadcast %sub3A_202 : f32 to vector<16xf32>
      %sub3A_204 = arith.subf %sub3A_203, %min3A_201 : vector<16xf32>
      %le3A = arith.constant 61 : i32
      %le3A_205 = arith.cmpi sle, %and3A_188, %le3A : i32
      %jit3A_206 = arith.constant 9.900000e-01 : f32
      %jit3A_207 = arith.constant 0.000000e+00 : f32
      %select_n3A_208 = arith.select %le3A_205, %jit3A_206, %jit3A_207 : f32
      %le3A_209 = arith.constant 62 : i32
      %le3A_210 = arith.cmpi sle, %and3A_188, %le3A_209 : i32
      %jit3A_211 = arith.constant 1.000000e+00 : f32
      %jit3A_212 = arith.constant 0.000000e+00 : f32
      %select_n3A_213 = arith.select %le3A_210, %jit3A_211, %jit3A_212 : f32
      %sub3A_214 = arith.constant 1.000000e+00 : f32
      %sub3A_215 = vector.broadcast %sub3A_214 : f32 to vector<16xf32>
      %sub3A_216 = arith.subf %sub3A_215, %sub3A_204 : vector<16xf32>
      %mul3A_217 = vector.broadcast %select_n3A_208 : f32 to vector<16xf32>
      %mul3A_218 = arith.mulf %sub3A_216, %mul3A_217 : vector<16xf32>
      %get3A_219 = arith.constant 0 : i32
      %get3A_220 = arith.index_cast %get3A_219 : i32 to index
      %get3A_221 = arith.constant 0 : index
      %get3A_222 = tpu.vector_load %arg13[%get3A_220, %get3A_221] {strides = array<i32>} : memref<16x128xf32, #tpu.memory_space<vmem>>, vector<1x16xf32>,
      %get3A_223 = vector.shape_cast %get3A_222 : vector<1x16xf32> to vector<16xf32>
      %get3A_224 = arith.constant 0 : i32
      %get3A_225 = arith.index_cast %get3A_224 : i32 to index
      %get3A_226 = arith.constant 64 : index
      %get3A_227 = tpu.vector_load %arg13[%get3A_225, %get3A_226] {strides = array<i32>} : memref<16x128xf32, #tpu.memory_space<vmem>>, vector<1x16xf32>,
      %get3A_228 = vector.shape_cast %get3A_227 : vector<1x16xf32> to vector<16xf32>
      %sub3A_229 = arith.subf %get3A_228, %get3A_223 : vector<16xf32>
      %mul3A_230 = arith.mulf %gather3A_193, %sub3A_229 : vector<16xf32>
      %add3A_231 = arith.addf %get3A_223, %mul3A_230 : vector<16xf32>
      %get3A_232 = arith.constant 0 : i32
      %get3A_233 = arith.index_cast %get3A_232 : i32 to index
      %get3A_234 = arith.constant 0 : index
      %get3A_235 = tpu.vector_load %arg14[%get3A_233, %get3A_234] {strides = array<i32>} : memref<16x128xf32, #tpu.memory_space<vmem>>, vector<1x16xf32>,
      %get3A_236 = vector.shape_cast %get3A_235 : vector<1x16xf32> to vector<16xf32>
      %get3A_237 = arith.constant 0 : i32
      %get3A_238 = arith.index_cast %get3A_237 : i32 to index
      %get3A_239 = arith.constant 64 : index
      %get3A_240 = tpu.vector_load %arg14[%get3A_238, %get3A_239] {strides = array<i32>} : memref<16x128xf32, #tpu.memory_space<vmem>>, vector<1x16xf32>,
      %get3A_241 = vector.shape_cast %get3A_240 : vector<1x16xf32> to vector<16xf32>
      %sub3A_242 = arith.subf %get3A_241, %get3A_236 : vector<16xf32>
      %mul3A_243 = arith.mulf %gather3A_196, %sub3A_242 : vector<16xf32>
      %add3A_244 = arith.addf %get3A_236, %mul3A_243 : vector<16xf32>
      %mul3A_245 = arith.mulf %sub3A_204, %add3A_149 : vector<16xf32>
      %mul3A_246 = arith.mulf %mul3A_218, %add3A_244 : vector<16xf32>
      %add3A_247 = arith.addf %mul3A_245, %mul3A_246 : vector<16xf32>
      %sub3A_248 = arith.subf %add3A_231, %add3A_247 : vector<16xf32>
      %mul3A_249 = arith.mulf %sub3A_248, %sub3A_248 : vector<16xf32>
      %mul3A_250 = vector.broadcast %select_n3A_213 : f32 to vector<16xf32>
      %mul3A_251 = arith.mulf %mul3A_250, %mul3A_249 : vector<16xf32>
      %add3A_252 = arith.addf %broadcast_in_dim3A_184, %mul3A_251 : vector<16xf32>
      %get3A_253 = arith.constant 0 : i32
      %get3A_254 = arith.index_cast %get3A_253 : i32 to index
      %get3A_255 = arith.constant 16 : index
      %get3A_256 = tpu.vector_load %arg13[%get3A_254, %get3A_255] {strides = array<i32>} : memref<16x128xf32, #tpu.memory_space<vmem>>, vector<1x16xf32>,
      %get3A_257 = vector.shape_cast %get3A_256 : vector<1x16xf32> to vector<16xf32>
      %get3A_258 = arith.constant 0 : i32
      %get3A_259 = arith.index_cast %get3A_258 : i32 to index
      %get3A_260 = arith.constant 80 : index
      %get3A_261 = tpu.vector_load %arg13[%get3A_259, %get3A_260] {strides = array<i32>} : memref<16x128xf32, #tpu.memory_space<vmem>>, vector<1x16xf32>,
      %get3A_262 = vector.shape_cast %get3A_261 : vector<1x16xf32> to vector<16xf32>
      %sub3A_263 = arith.subf %get3A_262, %get3A_257 : vector<16xf32>
      %mul3A_264 = arith.mulf %gather3A_193, %sub3A_263 : vector<16xf32>
      %add3A_265 = arith.addf %get3A_257, %mul3A_264 : vector<16xf32>
      %get3A_266 = arith.constant 0 : i32
      %get3A_267 = arith.index_cast %get3A_266 : i32 to index
      %get3A_268 = arith.constant 16 : index
      %get3A_269 = tpu.vector_load %arg14[%get3A_267, %get3A_268] {strides = array<i32>} : memref<16x128xf32, #tpu.memory_space<vmem>>, vector<1x16xf32>,
      %get3A_270 = vector.shape_cast %get3A_269 : vector<1x16xf32> to vector<16xf32>
      %get3A_271 = arith.constant 0 : i32
      %get3A_272 = arith.index_cast %get3A_271 : i32 to index
      %get3A_273 = arith.constant 80 : index
      %get3A_274 = tpu.vector_load %arg14[%get3A_272, %get3A_273] {strides = array<i32>} : memref<16x128xf32, #tpu.memory_space<vmem>>, vector<1x16xf32>,
      %get3A_275 = vector.shape_cast %get3A_274 : vector<1x16xf32> to vector<16xf32>
      %sub3A_276 = arith.subf %get3A_275, %get3A_270 : vector<16xf32>
      %mul3A_277 = arith.mulf %gather3A_196, %sub3A_276 : vector<16xf32>
      %add3A_278 = arith.addf %get3A_270, %mul3A_277 : vector<16xf32>
      %mul3A_279 = arith.mulf %sub3A_204, %add3A_160 : vector<16xf32>
      %mul3A_280 = arith.mulf %mul3A_218, %add3A_278 : vector<16xf32>
      %add3A_281 = arith.addf %mul3A_279, %mul3A_280 : vector<16xf32>
      %sub3A_282 = arith.subf %add3A_265, %add3A_281 : vector<16xf32>
      %mul3A_283 = arith.mulf %sub3A_282, %sub3A_282 : vector<16xf32>
      %mul3A_284 = vector.broadcast %select_n3A_213 : f32 to vector<16xf32>
      %mul3A_285 = arith.mulf %mul3A_284, %mul3A_283 : vector<16xf32>
      %add3A_286 = arith.addf %add3A_252, %mul3A_285 : vector<16xf32>
      %get3A_287 = arith.constant 0 : i32
      %get3A_288 = arith.index_cast %get3A_287 : i32 to index
      %get3A_289 = arith.constant 32 : index
      %get3A_290 = tpu.vector_load %arg13[%get3A_288, %get3A_289] {strides = array<i32>} : memref<16x128xf32, #tpu.memory_space<vmem>>, vector<1x16xf32>,
      %get3A_291 = vector.shape_cast %get3A_290 : vector<1x16xf32> to vector<16xf32>
      %get3A_292 = arith.constant 0 : i32
      %get3A_293 = arith.index_cast %get3A_292 : i32 to index
      %get3A_294 = arith.constant 96 : index
      %get3A_295 = tpu.vector_load %arg13[%get3A_293, %get3A_294] {strides = array<i32>} : memref<16x128xf32, #tpu.memory_space<vmem>>, vector<1x16xf32>,
      %get3A_296 = vector.shape_cast %get3A_295 : vector<1x16xf32> to vector<16xf32>
      %sub3A_297 = arith.subf %get3A_296, %get3A_291 : vector<16xf32>
      %mul3A_298 = arith.mulf %gather3A_193, %sub3A_297 : vector<16xf32>
      %add3A_299 = arith.addf %get3A_291, %mul3A_298 : vector<16xf32>
      %get3A_300 = arith.constant 0 : i32
      %get3A_301 = arith.index_cast %get3A_300 : i32 to index
      %get3A_302 = arith.constant 32 : index
      %get3A_303 = tpu.vector_load %arg14[%get3A_301, %get3A_302] {strides = array<i32>} : memref<16x128xf32, #tpu.memory_space<vmem>>, vector<1x16xf32>,
      %get3A_304 = vector.shape_cast %get3A_303 : vector<1x16xf32> to vector<16xf32>
      %get3A_305 = arith.constant 0 : i32
      %get3A_306 = arith.index_cast %get3A_305 : i32 to index
      %get3A_307 = arith.constant 96 : index
      %get3A_308 = tpu.vector_load %arg14[%get3A_306, %get3A_307] {strides = array<i32>} : memref<16x128xf32, #tpu.memory_space<vmem>>, vector<1x16xf32>,
      %get3A_309 = vector.shape_cast %get3A_308 : vector<1x16xf32> to vector<16xf32>
      %sub3A_310 = arith.subf %get3A_309, %get3A_304 : vector<16xf32>
      %mul3A_311 = arith.mulf %gather3A_196, %sub3A_310 : vector<16xf32>
      %add3A_312 = arith.addf %get3A_304, %mul3A_311 : vector<16xf32>
      %mul3A_313 = arith.mulf %sub3A_204, %add3A_171 : vector<16xf32>
      %mul3A_314 = arith.mulf %mul3A_218, %add3A_312 : vector<16xf32>
      %add3A_315 = arith.addf %mul3A_313, %mul3A_314 : vector<16xf32>
      %sub3A_316 = arith.subf %add3A_299, %add3A_315 : vector<16xf32>
      %mul3A_317 = arith.mulf %sub3A_316, %sub3A_316 : vector<16xf32>
      %mul3A_318 = vector.broadcast %select_n3A_213 : f32 to vector<16xf32>
      %mul3A_319 = arith.mulf %mul3A_318, %mul3A_317 : vector<16xf32>
      %add3A_320 = arith.addf %add3A_286, %mul3A_319 : vector<16xf32>
      %get3A_321 = arith.constant 0 : i32
      %get3A_322 = arith.index_cast %get3A_321 : i32 to index
      %get3A_323 = arith.constant 48 : index
      %get3A_324 = tpu.vector_load %arg13[%get3A_322, %get3A_323] {strides = array<i32>} : memref<16x128xf32, #tpu.memory_space<vmem>>, vector<1x16xf32>,
      %get3A_325 = vector.shape_cast %get3A_324 : vector<1x16xf32> to vector<16xf32>
      %get3A_326 = arith.constant 0 : i32
      %get3A_327 = arith.index_cast %get3A_326 : i32 to index
      %get3A_328 = arith.constant 112 : index
      %get3A_329 = tpu.vector_load %arg13[%get3A_327, %get3A_328] {strides = array<i32>} : memref<16x128xf32, #tpu.memory_space<vmem>>, vector<1x16xf32>,
      %get3A_330 = vector.shape_cast %get3A_329 : vector<1x16xf32> to vector<16xf32>
      %sub3A_331 = arith.subf %get3A_330, %get3A_325 : vector<16xf32>
      %mul3A_332 = arith.mulf %gather3A_193, %sub3A_331 : vector<16xf32>
      %add3A_333 = arith.addf %get3A_325, %mul3A_332 : vector<16xf32>
      %get3A_334 = arith.constant 0 : i32
      %get3A_335 = arith.index_cast %get3A_334 : i32 to index
      %get3A_336 = arith.constant 48 : index
      %get3A_337 = tpu.vector_load %arg14[%get3A_335, %get3A_336] {strides = array<i32>} : memref<16x128xf32, #tpu.memory_space<vmem>>, vector<1x16xf32>,
      %get3A_338 = vector.shape_cast %get3A_337 : vector<1x16xf32> to vector<16xf32>
      %get3A_339 = arith.constant 0 : i32
      %get3A_340 = arith.index_cast %get3A_339 : i32 to index
      %get3A_341 = arith.constant 112 : index
      %get3A_342 = tpu.vector_load %arg14[%get3A_340, %get3A_341] {strides = array<i32>} : memref<16x128xf32, #tpu.memory_space<vmem>>, vector<1x16xf32>,
      %get3A_343 = vector.shape_cast %get3A_342 : vector<1x16xf32> to vector<16xf32>
      %sub3A_344 = arith.subf %get3A_343, %get3A_338 : vector<16xf32>
      %mul3A_345 = arith.mulf %gather3A_196, %sub3A_344 : vector<16xf32>
      %add3A_346 = arith.addf %get3A_338, %mul3A_345 : vector<16xf32>
      %mul3A_347 = arith.mulf %sub3A_204, %add3A_182 : vector<16xf32>
      %mul3A_348 = arith.mulf %mul3A_218, %add3A_346 : vector<16xf32>
      %add3A_349 = arith.addf %mul3A_347, %mul3A_348 : vector<16xf32>
      %sub3A_350 = arith.subf %add3A_333, %add3A_349 : vector<16xf32>
      %mul3A_351 = arith.mulf %sub3A_350, %sub3A_350 : vector<16xf32>
      %mul3A_352 = vector.broadcast %select_n3A_213 : f32 to vector<16xf32>
      %mul3A_353 = arith.mulf %mul3A_352, %mul3A_351 : vector<16xf32>
      %add3A_354 = arith.addf %add3A_320, %mul3A_353 : vector<16xf32>
      %add3A_355 = arith.constant 1 : i32
      %add3A_356 = arith.addi %mul3A_2, %add3A_355 : i32
      %and3A_357 = arith.constant 63 : i32
      %and3A_358 = arith.andi %add3A_356, %and3A_357 : i32
      %broadcast_in_dim3A_359 = arith.constant 1 : i32
      %broadcast_in_dim3A_360 = vector.broadcast %broadcast_in_dim3A_359 : i32 to vector<16xi32>
      %broadcast_in_dim3A_361 = vector.shape_cast %broadcast_in_dim3A_360 : vector<16xi32> to vector<16x1xi32>
      %gather3A_362 = vector.shape_cast %broadcast_in_dim3A_361 : vector<16x1xi32> to vector<16xi32>
      %gather3A_363 = tpu.dynamic_gather %convert_element_type3A_96[%gather3A_362] in [0] : vector<16xf32>, vector<16xi32> -> vector<16xf32>
      %broadcast_in_dim3A_364 = vector.shape_cast %broadcast_in_dim3A_360 : vector<16xi32> to vector<16x1xi32>
      %gather3A_365 = vector.shape_cast %broadcast_in_dim3A_364 : vector<16x1xi32> to vector<16xi32>
      %gather3A_366 = tpu.dynamic_gather %convert_element_type3A_100[%gather3A_365] in [0] : vector<16xf32>, vector<16xi32> -> vector<16xf32>
      %sub3A_367 = arith.subi %sub3A_135, %broadcast_in_dim3A_360 : vector<16xi32>
      %convert_element_type3A_368 = arith.sitofp %sub3A_367 : vector<16xi32> to vector<16xf32>
      %abs3A_369 = math.absf %convert_element_type3A_368 : vector<16xf32>
      %min3A_370 = arith.constant 1.000000e+00 : f32
      %min3A_371 = vector.broadcast %min3A_370 : f32 to vector<16xf32>
      %min3A_372 = arith.minimumf %abs3A_369, %min3A_371 : vector<16xf32>
      %sub3A_373 = arith.constant 1.000000e+00 : f32
      %sub3A_374 = vector.broadcast %sub3A_373 : f32 to vector<16xf32>
      %sub3A_375 = arith.subf %sub3A_374, %min3A_372 : vector<16xf32>
      %le3A_376 = arith.constant 61 : i32
      %le3A_377 = arith.cmpi sle, %and3A_358, %le3A_376 : i32
      %jit3A_378 = arith.constant 9.900000e-01 : f32
      %jit3A_379 = arith.constant 0.000000e+00 : f32
      %select_n3A_380 = arith.select %le3A_377, %jit3A_378, %jit3A_379 : f32
      %le3A_381 = arith.constant 62 : i32
      %le3A_382 = arith.cmpi sle, %and3A_358, %le3A_381 : i32
      %jit3A_383 = arith.constant 1.000000e+00 : f32
      %jit3A_384 = arith.constant 0.000000e+00 : f32
      %select_n3A_385 = arith.select %le3A_382, %jit3A_383, %jit3A_384 : f32
      %sub3A_386 = arith.constant 1.000000e+00 : f32
      %sub3A_387 = vector.broadcast %sub3A_386 : f32 to vector<16xf32>
      %sub3A_388 = arith.subf %sub3A_387, %sub3A_375 : vector<16xf32>
      %mul3A_389 = vector.broadcast %select_n3A_380 : f32 to vector<16xf32>
      %mul3A_390 = arith.mulf %sub3A_388, %mul3A_389 : vector<16xf32>
      %get3A_391 = arith.constant 1 : i32
      %get3A_392 = arith.index_cast %get3A_391 : i32 to index
      %get3A_393 = arith.constant 0 : index
      %get3A_394 = tpu.vector_load %arg13[%get3A_392, %get3A_393] {strides = array<i32>} : memref<16x128xf32, #tpu.memory_space<vmem>>, vector<1x16xf32>,
      %get3A_395 = vector.shape_cast %get3A_394 : vector<1x16xf32> to vector<16xf32>
      %get3A_396 = arith.constant 1 : i32
      %get3A_397 = arith.index_cast %get3A_396 : i32 to index
      %get3A_398 = arith.constant 64 : index
      %get3A_399 = tpu.vector_load %arg13[%get3A_397, %get3A_398] {strides = array<i32>} : memref<16x128xf32, #tpu.memory_space<vmem>>, vector<1x16xf32>,
      %get3A_400 = vector.shape_cast %get3A_399 : vector<1x16xf32> to vector<16xf32>
      %sub3A_401 = arith.subf %get3A_400, %get3A_395 : vector<16xf32>
      %mul3A_402 = arith.mulf %gather3A_363, %sub3A_401 : vector<16xf32>
      %add3A_403 = arith.addf %get3A_395, %mul3A_402 : vector<16xf32>
      %get3A_404 = arith.constant 1 : i32
      %get3A_405 = arith.index_cast %get3A_404 : i32 to index
      %get3A_406 = arith.constant 0 : index
      %get3A_407 = tpu.vector_load %arg14[%get3A_405, %get3A_406] {strides = array<i32>} : memref<16x128xf32, #tpu.memory_space<vmem>>, vector<1x16xf32>,
      %get3A_408 = vector.shape_cast %get3A_407 : vector<1x16xf32> to vector<16xf32>
      %get3A_409 = arith.constant 1 : i32
      %get3A_410 = arith.index_cast %get3A_409 : i32 to index
      %get3A_411 = arith.constant 64 : index
      %get3A_412 = tpu.vector_load %arg14[%get3A_410, %get3A_411] {strides = array<i32>} : memref<16x128xf32, #tpu.memory_space<vmem>>, vector<1x16xf32>,
      %get3A_413 = vector.shape_cast %get3A_412 : vector<1x16xf32> to vector<16xf32>
      %sub3A_414 = arith.subf %get3A_413, %get3A_408 : vector<16xf32>
      %mul3A_415 = arith.mulf %gather3A_366, %sub3A_414 : vector<16xf32>
      %add3A_416 = arith.addf %get3A_408, %mul3A_415 : vector<16xf32>
      %mul3A_417 = arith.mulf %sub3A_375, %add3A_149 : vector<16xf32>
      %mul3A_418 = arith.mulf %mul3A_390, %add3A_416 : vector<16xf32>
      %add3A_419 = arith.addf %mul3A_417, %mul3A_418 : vector<16xf32>
      %sub3A_420 = arith.subf %add3A_403, %add3A_419 : vector<16xf32>
      %mul3A_421 = arith.mulf %sub3A_420, %sub3A_420 : vector<16xf32>
      %mul3A_422 = vector.broadcast %select_n3A_385 : f32 to vector<16xf32>
      %mul3A_423 = arith.mulf %mul3A_422, %mul3A_421 : vector<16xf32>
      %add3A_424 = arith.addf %add3A_354, %mul3A_423 : vector<16xf32>
      %get3A_425 = arith.constant 1 : i32
      %get3A_426 = arith.index_cast %get3A_425 : i32 to index
      %get3A_427 = arith.constant 16 : index
      %get3A_428 = tpu.vector_load %arg13[%get3A_426, %get3A_427] {strides = array<i32>} : memref<16x128xf32, #tpu.memory_space<vmem>>, vector<1x16xf32>,
      %get3A_429 = vector.shape_cast %get3A_428 : vector<1x16xf32> to vector<16xf32>
      %get3A_430 = arith.constant 1 : i32
      %get3A_431 = arith.index_cast %get3A_430 : i32 to index
      %get3A_432 = arith.constant 80 : index
      %get3A_433 = tpu.vector_load %arg13[%get3A_431, %get3A_432] {strides = array<i32>} : memref<16x128xf32, #tpu.memory_space<vmem>>, vector<1x16xf32>,
      %get3A_434 = vector.shape_cast %get3A_433 : vector<1x16xf32> to vector<16xf32>
      %sub3A_435 = arith.subf %get3A_434, %get3A_429 : vector<16xf32>
      %mul3A_436 = arith.mulf %gather3A_363, %sub3A_435 : vector<16xf32>
      %add3A_437 = arith.addf %get3A_429, %mul3A_436 : vector<16xf32>
      %get3A_438 = arith.constant 1 : i32
      %get3A_439 = arith.index_cast %get3A_438 : i32 to index
      %get3A_440 = arith.constant 16 : index
      %get3A_441 = tpu.vector_load %arg14[%get3A_439, %get3A_440] {strides = array<i32>} : memref<16x128xf32, #tpu.memory_space<vmem>>, vector<1x16xf32>,
      %get3A_442 = vector.shape_cast %get3A_441 : vector<1x16xf32> to vector<16xf32>
      %get3A_443 = arith.constant 1 : i32
      %get3A_444 = arith.index_cast %get3A_443 : i32 to index
      %get3A_445 = arith.constant 80 : index
      %get3A_446 = tpu.vector_load %arg14[%get3A_444, %get3A_445] {strides = array<i32>} : memref<16x128xf32, #tpu.memory_space<vmem>>, vector<1x16xf32>,
      %get3A_447 = vector.shape_cast %get3A_446 : vector<1x16xf32> to vector<16xf32>
      %sub3A_448 = arith.subf %get3A_447, %get3A_442 : vector<16xf32>
      %mul3A_449 = arith.mulf %gather3A_366, %sub3A_448 : vector<16xf32>
      %add3A_450 = arith.addf %get3A_442, %mul3A_449 : vector<16xf32>
      %mul3A_451 = arith.mulf %sub3A_375, %add3A_160 : vector<16xf32>
      %mul3A_452 = arith.mulf %mul3A_390, %add3A_450 : vector<16xf32>
      %add3A_453 = arith.addf %mul3A_451, %mul3A_452 : vector<16xf32>
      %sub3A_454 = arith.subf %add3A_437, %add3A_453 : vector<16xf32>
      %mul3A_455 = arith.mulf %sub3A_454, %sub3A_454 : vector<16xf32>
      %mul3A_456 = vector.broadcast %select_n3A_385 : f32 to vector<16xf32>
      %mul3A_457 = arith.mulf %mul3A_456, %mul3A_455 : vector<16xf32>
      %add3A_458 = arith.addf %add3A_424, %mul3A_457 : vector<16xf32>
      %get3A_459 = arith.constant 1 : i32
      %get3A_460 = arith.index_cast %get3A_459 : i32 to index
      %get3A_461 = arith.constant 32 : index
      %get3A_462 = tpu.vector_load %arg13[%get3A_460, %get3A_461] {strides = array<i32>} : memref<16x128xf32, #tpu.memory_space<vmem>>, vector<1x16xf32>,
      %get3A_463 = vector.shape_cast %get3A_462 : vector<1x16xf32> to vector<16xf32>
      %get3A_464 = arith.constant 1 : i32
      %get3A_465 = arith.index_cast %get3A_464 : i32 to index
      %get3A_466 = arith.constant 96 : index
      %get3A_467 = tpu.vector_load %arg13[%get3A_465, %get3A_466] {strides = array<i32>} : memref<16x128xf32, #tpu.memory_space<vmem>>, vector<1x16xf32>,
      %get3A_468 = vector.shape_cast %get3A_467 : vector<1x16xf32> to vector<16xf32>
      %sub3A_469 = arith.subf %get3A_468, %get3A_463 : vector<16xf32>
      %mul3A_470 = arith.mulf %gather3A_363, %sub3A_469 : vector<16xf32>
      %add3A_471 = arith.addf %get3A_463, %mul3A_470 : vector<16xf32>
      %get3A_472 = arith.constant 1 : i32
      %get3A_473 = arith.index_cast %get3A_472 : i32 to index
      %get3A_474 = arith.constant 32 : index
      %get3A_475 = tpu.vector_load %arg14[%get3A_473, %get3A_474] {strides = array<i32>} : memref<16x128xf32, #tpu.memory_space<vmem>>, vector<1x16xf32>,
      %get3A_476 = vector.shape_cast %get3A_475 : vector<1x16xf32> to vector<16xf32>
      %get3A_477 = arith.constant 1 : i32
      %get3A_478 = arith.index_cast %get3A_477 : i32 to index
      %get3A_479 = arith.constant 96 : index
      %get3A_480 = tpu.vector_load %arg14[%get3A_478, %get3A_479] {strides = array<i32>} : memref<16x128xf32, #tpu.memory_space<vmem>>, vector<1x16xf32>,
      %get3A_481 = vector.shape_cast %get3A_480 : vector<1x16xf32> to vector<16xf32>
      %sub3A_482 = arith.subf %get3A_481, %get3A_476 : vector<16xf32>
      %mul3A_483 = arith.mulf %gather3A_366, %sub3A_482 : vector<16xf32>
      %add3A_484 = arith.addf %get3A_476, %mul3A_483 : vector<16xf32>
      %mul3A_485 = arith.mulf %sub3A_375, %add3A_171 : vector<16xf32>
      %mul3A_486 = arith.mulf %mul3A_390, %add3A_484 : vector<16xf32>
      %add3A_487 = arith.addf %mul3A_485, %mul3A_486 : vector<16xf32>
      %sub3A_488 = arith.subf %add3A_471, %add3A_487 : vector<16xf32>
      %mul3A_489 = arith.mulf %sub3A_488, %sub3A_488 : vector<16xf32>
      %mul3A_490 = vector.broadcast %select_n3A_385 : f32 to vector<16xf32>
      %mul3A_491 = arith.mulf %mul3A_490, %mul3A_489 : vector<16xf32>
      %add3A_492 = arith.addf %add3A_458, %mul3A_491 : vector<16xf32>
      %get3A_493 = arith.constant 1 : i32
      %get3A_494 = arith.index_cast %get3A_493 : i32 to index
      %get3A_495 = arith.constant 48 : index
      %get3A_496 = tpu.vector_load %arg13[%get3A_494, %get3A_495] {strides = array<i32>} : memref<16x128xf32, #tpu.memory_space<vmem>>, vector<1x16xf32>,
      %get3A_497 = vector.shape_cast %get3A_496 : vector<1x16xf32> to vector<16xf32>
      %get3A_498 = arith.constant 1 : i32
      %get3A_499 = arith.index_cast %get3A_498 : i32 to index
      %get3A_500 = arith.constant 112 : index
      %get3A_501 = tpu.vector_load %arg13[%get3A_499, %get3A_500] {strides = array<i32>} : memref<16x128xf32, #tpu.memory_space<vmem>>, vector<1x16xf32>,
      %get3A_502 = vector.shape_cast %get3A_501 : vector<1x16xf32> to vector<16xf32>
      %sub3A_503 = arith.subf %get3A_502, %get3A_497 : vector<16xf32>
      %mul3A_504 = arith.mulf %gather3A_363, %sub3A_503 : vector<16xf32>
      %add3A_505 = arith.addf %get3A_497, %mul3A_504 : vector<16xf32>
      %get3A_506 = arith.constant 1 : i32
      %get3A_507 = arith.index_cast %get3A_506 : i32 to index
      %get3A_508 = arith.constant 48 : index
      %get3A_509 = tpu.vector_load %arg14[%get3A_507, %get3A_508] {strides = array<i32>} : memref<16x128xf32, #tpu.memory_space<vmem>>, vector<1x16xf32>,
      %get3A_510 = vector.shape_cast %get3A_509 : vector<1x16xf32> to vector<16xf32>
      %get3A_511 = arith.constant 1 : i32
      %get3A_512 = arith.index_cast %get3A_511 : i32 to index
      %get3A_513 = arith.constant 112 : index
      %get3A_514 = tpu.vector_load %arg14[%get3A_512, %get3A_513] {strides = array<i32>} : memref<16x128xf32, #tpu.memory_space<vmem>>, vector<1x16xf32>,
      %get3A_515 = vector.shape_cast %get3A_514 : vector<1x16xf32> to vector<16xf32>
      %sub3A_516 = arith.subf %get3A_515, %get3A_510 : vector<16xf32>
      %mul3A_517 = arith.mulf %gather3A_366, %sub3A_516 : vector<16xf32>
      %add3A_518 = arith.addf %get3A_510, %mul3A_517 : vector<16xf32>
      %mul3A_519 = arith.mulf %sub3A_375, %add3A_182 : vector<16xf32>
      %mul3A_520 = arith.mulf %mul3A_390, %add3A_518 : vector<16xf32>
      %add3A_521 = arith.addf %mul3A_519, %mul3A_520 : vector<16xf32>
      %sub3A_522 = arith.subf %add3A_505, %add3A_521 : vector<16xf32>
      %mul3A_523 = arith.mulf %sub3A_522, %sub3A_522 : vector<16xf32>
      %mul3A_524 = vector.broadcast %select_n3A_385 : f32 to vector<16xf32>
      %mul3A_525 = arith.mulf %mul3A_524, %mul3A_523 : vector<16xf32>
      %add3A_526 = arith.addf %add3A_492, %mul3A_525 : vector<16xf32>
      %add3A_527 = arith.constant 2 : i32
      %add3A_528 = arith.addi %mul3A_2, %add3A_527 : i32
      %and3A_529 = arith.constant 63 : i32
      %and3A_530 = arith.andi %add3A_528, %and3A_529 : i32
      %broadcast_in_dim3A_531 = arith.constant 2 : i32
      %broadcast_in_dim3A_532 = vector.broadcast %broadcast_in_dim3A_531 : i32 to vector<16xi32>
      %broadcast_in_dim3A_533 = vector.shape_cast %broadcast_in_dim3A_532 : vector<16xi32> to vector<16x1xi32>
      %gather3A_534 = vector.shape_cast %broadcast_in_dim3A_533 : vector<16x1xi32> to vector<16xi32>
      %gather3A_535 = tpu.dynamic_gather %convert_element_type3A_96[%gather3A_534] in [0] : vector<16xf32>, vector<16xi32> -> vector<16xf32>
      %broadcast_in_dim3A_536 = vector.shape_cast %broadcast_in_dim3A_532 : vector<16xi32> to vector<16x1xi32>
      %gather3A_537 = vector.shape_cast %broadcast_in_dim3A_536 : vector<16x1xi32> to vector<16xi32>
      %gather3A_538 = tpu.dynamic_gather %convert_element_type3A_100[%gather3A_537] in [0] : vector<16xf32>, vector<16xi32> -> vector<16xf32>
      %sub3A_539 = arith.subi %sub3A_135, %broadcast_in_dim3A_532 : vector<16xi32>
      %convert_element_type3A_540 = arith.sitofp %sub3A_539 : vector<16xi32> to vector<16xf32>
      %abs3A_541 = math.absf %convert_element_type3A_540 : vector<16xf32>
      %min3A_542 = arith.constant 1.000000e+00 : f32
      %min3A_543 = vector.broadcast %min3A_542 : f32 to vector<16xf32>
      %min3A_544 = arith.minimumf %abs3A_541, %min3A_543 : vector<16xf32>
      %sub3A_545 = arith.constant 1.000000e+00 : f32
      %sub3A_546 = vector.broadcast %sub3A_545 : f32 to vector<16xf32>
      %sub3A_547 = arith.subf %sub3A_546, %min3A_544 : vector<16xf32>
      %le3A_548 = arith.constant 61 : i32
      %le3A_549 = arith.cmpi sle, %and3A_530, %le3A_548 : i32
      %jit3A_550 = arith.constant 9.900000e-01 : f32
      %jit3A_551 = arith.constant 0.000000e+00 : f32
      %select_n3A_552 = arith.select %le3A_549, %jit3A_550, %jit3A_551 : f32
      %le3A_553 = arith.constant 62 : i32
      %le3A_554 = arith.cmpi sle, %and3A_530, %le3A_553 : i32
      %jit3A_555 = arith.constant 1.000000e+00 : f32
      %jit3A_556 = arith.constant 0.000000e+00 : f32
      %select_n3A_557 = arith.select %le3A_554, %jit3A_555, %jit3A_556 : f32
      %sub3A_558 = arith.constant 1.000000e+00 : f32
      %sub3A_559 = vector.broadcast %sub3A_558 : f32 to vector<16xf32>
      %sub3A_560 = arith.subf %sub3A_559, %sub3A_547 : vector<16xf32>
      %mul3A_561 = vector.broadcast %select_n3A_552 : f32 to vector<16xf32>
      %mul3A_562 = arith.mulf %sub3A_560, %mul3A_561 : vector<16xf32>
      %get3A_563 = arith.constant 2 : i32
      %get3A_564 = arith.index_cast %get3A_563 : i32 to index
      %get3A_565 = arith.constant 0 : index
      %get3A_566 = tpu.vector_load %arg13[%get3A_564, %get3A_565] {strides = array<i32>} : memref<16x128xf32, #tpu.memory_space<vmem>>, vector<1x16xf32>,
      %get3A_567 = vector.shape_cast %get3A_566 : vector<1x16xf32> to vector<16xf32>
      %get3A_568 = arith.constant 2 : i32
      %get3A_569 = arith.index_cast %get3A_568 : i32 to index
      %get3A_570 = arith.constant 64 : index
      %get3A_571 = tpu.vector_load %arg13[%get3A_569, %get3A_570] {strides = array<i32>} : memref<16x128xf32, #tpu.memory_space<vmem>>, vector<1x16xf32>,
      %get3A_572 = vector.shape_cast %get3A_571 : vector<1x16xf32> to vector<16xf32>
      %sub3A_573 = arith.subf %get3A_572, %get3A_567 : vector<16xf32>
      %mul3A_574 = arith.mulf %gather3A_535, %sub3A_573 : vector<16xf32>
      %add3A_575 = arith.addf %get3A_567, %mul3A_574 : vector<16xf32>
      %get3A_576 = arith.constant 2 : i32
      %get3A_577 = arith.index_cast %get3A_576 : i32 to index
      %get3A_578 = arith.constant 0 : index
      %get3A_579 = tpu.vector_load %arg14[%get3A_577, %get3A_578] {strides = array<i32>} : memref<16x128xf32, #tpu.memory_space<vmem>>, vector<1x16xf32>,
      %get3A_580 = vector.shape_cast %get3A_579 : vector<1x16xf32> to vector<16xf32>
      %get3A_581 = arith.constant 2 : i32
      %get3A_582 = arith.index_cast %get3A_581 : i32 to index
      %get3A_583 = arith.constant 64 : index
      %get3A_584 = tpu.vector_load %arg14[%get3A_582, %get3A_583] {strides = array<i32>} : memref<16x128xf32, #tpu.memory_space<vmem>>, vector<1x16xf32>,
      %get3A_585 = vector.shape_cast %get3A_584 : vector<1x16xf32> to vector<16xf32>
      %sub3A_586 = arith.subf %get3A_585, %get3A_580 : vector<16xf32>
      %mul3A_587 = arith.mulf %gather3A_538, %sub3A_586 : vector<16xf32>
      %add3A_588 = arith.addf %get3A_580, %mul3A_587 : vector<16xf32>
      %mul3A_589 = arith.mulf %sub3A_547, %add3A_149 : vector<16xf32>
      %mul3A_590 = arith.mulf %mul3A_562, %add3A_588 : vector<16xf32>
      %add3A_591 = arith.addf %mul3A_589, %mul3A_590 : vector<16xf32>
      %sub3A_592 = arith.subf %add3A_575, %add3A_591 : vector<16xf32>
      %mul3A_593 = arith.mulf %sub3A_592, %sub3A_592 : vector<16xf32>
      %mul3A_594 = vector.broadcast %select_n3A_557 : f32 to vector<16xf32>
      %mul3A_595 = arith.mulf %mul3A_594, %mul3A_593 : vector<16xf32>
      %add3A_596 = arith.addf %add3A_526, %mul3A_595 : vector<16xf32>
      %get3A_597 = arith.constant 2 : i32
      %get3A_598 = arith.index_cast %get3A_597 : i32 to index
      %get3A_599 = arith.constant 16 : index
      %get3A_600 = tpu.vector_load %arg13[%get3A_598, %get3A_599] {strides = array<i32>} : memref<16x128xf32, #tpu.memory_space<vmem>>, vector<1x16xf32>,
      %get3A_601 = vector.shape_cast %get3A_600 : vector<1x16xf32> to vector<16xf32>
      %get3A_602 = arith.constant 2 : i32
      %get3A_603 = arith.index_cast %get3A_602 : i32 to index
      %get3A_604 = arith.constant 80 : index
      %get3A_605 = tpu.vector_load %arg13[%get3A_603, %get3A_604] {strides = array<i32>} : memref<16x128xf32, #tpu.memory_space<vmem>>, vector<1x16xf32>,
      %get3A_606 = vector.shape_cast %get3A_605 : vector<1x16xf32> to vector<16xf32>
      %sub3A_607 = arith.subf %get3A_606, %get3A_601 : vector<16xf32>
      %mul3A_608 = arith.mulf %gather3A_535, %sub3A_607 : vector<16xf32>
      %add3A_609 = arith.addf %get3A_601, %mul3A_608 : vector<16xf32>
      %get3A_610 = arith.constant 2 : i32
      %get3A_611 = arith.index_cast %get3A_610 : i32 to index
      %get3A_612 = arith.constant 16 : index
      %get3A_613 = tpu.vector_load %arg14[%get3A_611, %get3A_612] {strides = array<i32>} : memref<16x128xf32, #tpu.memory_space<vmem>>, vector<1x16xf32>,
      %get3A_614 = vector.shape_cast %get3A_613 : vector<1x16xf32> to vector<16xf32>
      %get3A_615 = arith.constant 2 : i32
      %get3A_616 = arith.index_cast %get3A_615 : i32 to index
      %get3A_617 = arith.constant 80 : index
      %get3A_618 = tpu.vector_load %arg14[%get3A_616, %get3A_617] {strides = array<i32>} : memref<16x128xf32, #tpu.memory_space<vmem>>, vector<1x16xf32>,
      %get3A_619 = vector.shape_cast %get3A_618 : vector<1x16xf32> to vector<16xf32>
      %sub3A_620 = arith.subf %get3A_619, %get3A_614 : vector<16xf32>
      %mul3A_621 = arith.mulf %gather3A_538, %sub3A_620 : vector<16xf32>
      %add3A_622 = arith.addf %get3A_614, %mul3A_621 : vector<16xf32>
      %mul3A_623 = arith.mulf %sub3A_547, %add3A_160 : vector<16xf32>
      %mul3A_624 = arith.mulf %mul3A_562, %add3A_622 : vector<16xf32>
      %add3A_625 = arith.addf %mul3A_623, %mul3A_624 : vector<16xf32>
      %sub3A_626 = arith.subf %add3A_609, %add3A_625 : vector<16xf32>
      %mul3A_627 = arith.mulf %sub3A_626, %sub3A_626 : vector<16xf32>
      %mul3A_628 = vector.broadcast %select_n3A_557 : f32 to vector<16xf32>
      %mul3A_629 = arith.mulf %mul3A_628, %mul3A_627 : vector<16xf32>
      %add3A_630 = arith.addf %add3A_596, %mul3A_629 : vector<16xf32>
      %get3A_631 = arith.constant 2 : i32
      %get3A_632 = arith.index_cast %get3A_631 : i32 to index
      %get3A_633 = arith.constant 32 : index
      %get3A_634 = tpu.vector_load %arg13[%get3A_632, %get3A_633] {strides = array<i32>} : memref<16x128xf32, #tpu.memory_space<vmem>>, vector<1x16xf32>,
      %get3A_635 = vector.shape_cast %get3A_634 : vector<1x16xf32> to vector<16xf32>
      %get3A_636 = arith.constant 2 : i32
      %get3A_637 = arith.index_cast %get3A_636 : i32 to index
      %get3A_638 = arith.constant 96 : index
      %get3A_639 = tpu.vector_load %arg13[%get3A_637, %get3A_638] {strides = array<i32>} : memref<16x128xf32, #tpu.memory_space<vmem>>, vector<1x16xf32>,
      %get3A_640 = vector.shape_cast %get3A_639 : vector<1x16xf32> to vector<16xf32>
      %sub3A_641 = arith.subf %get3A_640, %get3A_635 : vector<16xf32>
      %mul3A_642 = arith.mulf %gather3A_535, %sub3A_641 : vector<16xf32>
      %add3A_643 = arith.addf %get3A_635, %mul3A_642 : vector<16xf32>
      %get3A_644 = arith.constant 2 : i32
      %get3A_645 = arith.index_cast %get3A_644 : i32 to index
      %get3A_646 = arith.constant 32 : index
      %get3A_647 = tpu.vector_load %arg14[%get3A_645, %get3A_646] {strides = array<i32>} : memref<16x128xf32, #tpu.memory_space<vmem>>, vector<1x16xf32>,
      %get3A_648 = vector.shape_cast %get3A_647 : vector<1x16xf32> to vector<16xf32>
      %get3A_649 = arith.constant 2 : i32
      %get3A_650 = arith.index_cast %get3A_649 : i32 to index
      %get3A_651 = arith.constant 96 : index
      %get3A_652 = tpu.vector_load %arg14[%get3A_650, %get3A_651] {strides = array<i32>} : memref<16x128xf32, #tpu.memory_space<vmem>>, vector<1x16xf32>,
      %get3A_653 = vector.shape_cast %get3A_652 : vector<1x16xf32> to vector<16xf32>
      %sub3A_654 = arith.subf %get3A_653, %get3A_648 : vector<16xf32>
      %mul3A_655 = arith.mulf %gather3A_538, %sub3A_654 : vector<16xf32>
      %add3A_656 = arith.addf %get3A_648, %mul3A_655 : vector<16xf32>
      %mul3A_657 = arith.mulf %sub3A_547, %add3A_171 : vector<16xf32>
      %mul3A_658 = arith.mulf %mul3A_562, %add3A_656 : vector<16xf32>
      %add3A_659 = arith.addf %mul3A_657, %mul3A_658 : vector<16xf32>
      %sub3A_660 = arith.subf %add3A_643, %add3A_659 : vector<16xf32>
      %mul3A_661 = arith.mulf %sub3A_660, %sub3A_660 : vector<16xf32>
      %mul3A_662 = vector.broadcast %select_n3A_557 : f32 to vector<16xf32>
      %mul3A_663 = arith.mulf %mul3A_662, %mul3A_661 : vector<16xf32>
      %add3A_664 = arith.addf %add3A_630, %mul3A_663 : vector<16xf32>
      %get3A_665 = arith.constant 2 : i32
      %get3A_666 = arith.index_cast %get3A_665 : i32 to index
      %get3A_667 = arith.constant 48 : index
      %get3A_668 = tpu.vector_load %arg13[%get3A_666, %get3A_667] {strides = array<i32>} : memref<16x128xf32, #tpu.memory_space<vmem>>, vector<1x16xf32>,
      %get3A_669 = vector.shape_cast %get3A_668 : vector<1x16xf32> to vector<16xf32>
      %get3A_670 = arith.constant 2 : i32
      %get3A_671 = arith.index_cast %get3A_670 : i32 to index
      %get3A_672 = arith.constant 112 : index
      %get3A_673 = tpu.vector_load %arg13[%get3A_671, %get3A_672] {strides = array<i32>} : memref<16x128xf32, #tpu.memory_space<vmem>>, vector<1x16xf32>,
      %get3A_674 = vector.shape_cast %get3A_673 : vector<1x16xf32> to vector<16xf32>
      %sub3A_675 = arith.subf %get3A_674, %get3A_669 : vector<16xf32>
      %mul3A_676 = arith.mulf %gather3A_535, %sub3A_675 : vector<16xf32>
      %add3A_677 = arith.addf %get3A_669, %mul3A_676 : vector<16xf32>
      %get3A_678 = arith.constant 2 : i32
      %get3A_679 = arith.index_cast %get3A_678 : i32 to index
      %get3A_680 = arith.constant 48 : index
      %get3A_681 = tpu.vector_load %arg14[%get3A_679, %get3A_680] {strides = array<i32>} : memref<16x128xf32, #tpu.memory_space<vmem>>, vector<1x16xf32>,
      %get3A_682 = vector.shape_cast %get3A_681 : vector<1x16xf32> to vector<16xf32>
      %get3A_683 = arith.constant 2 : i32
      %get3A_684 = arith.index_cast %get3A_683 : i32 to index
      %get3A_685 = arith.constant 112 : index
      %get3A_686 = tpu.vector_load %arg14[%get3A_684, %get3A_685] {strides = array<i32>} : memref<16x128xf32, #tpu.memory_space<vmem>>, vector<1x16xf32>,
      %get3A_687 = vector.shape_cast %get3A_686 : vector<1x16xf32> to vector<16xf32>
      %sub3A_688 = arith.subf %get3A_687, %get3A_682 : vector<16xf32>
      %mul3A_689 = arith.mulf %gather3A_538, %sub3A_688 : vector<16xf32>
      %add3A_690 = arith.addf %get3A_682, %mul3A_689 : vector<16xf32>
      %mul3A_691 = arith.mulf %sub3A_547, %add3A_182 : vector<16xf32>
      %mul3A_692 = arith.mulf %mul3A_562, %add3A_690 : vector<16xf32>
      %add3A_693 = arith.addf %mul3A_691, %mul3A_692 : vector<16xf32>
      %sub3A_694 = arith.subf %add3A_677, %add3A_693 : vector<16xf32>
      %mul3A_695 = arith.mulf %sub3A_694, %sub3A_694 : vector<16xf32>
      %mul3A_696 = vector.broadcast %select_n3A_557 : f32 to vector<16xf32>
      %mul3A_697 = arith.mulf %mul3A_696, %mul3A_695 : vector<16xf32>
      %add3A_698 = arith.addf %add3A_664, %mul3A_697 : vector<16xf32>
      %add3A_699 = arith.constant 3 : i32
      %add3A_700 = arith.addi %mul3A_2, %add3A_699 : i32
      %and3A_701 = arith.constant 63 : i32
      %and3A_702 = arith.andi %add3A_700, %and3A_701 : i32
      %broadcast_in_dim3A_703 = arith.constant 3 : i32
      %broadcast_in_dim3A_704 = vector.broadcast %broadcast_in_dim3A_703 : i32 to vector<16xi32>
      %broadcast_in_dim3A_705 = vector.shape_cast %broadcast_in_dim3A_704 : vector<16xi32> to vector<16x1xi32>
      %gather3A_706 = vector.shape_cast %broadcast_in_dim3A_705 : vector<16x1xi32> to vector<16xi32>
      %gather3A_707 = tpu.dynamic_gather %convert_element_type3A_96[%gather3A_706] in [0] : vector<16xf32>, vector<16xi32> -> vector<16xf32>
      %broadcast_in_dim3A_708 = vector.shape_cast %broadcast_in_dim3A_704 : vector<16xi32> to vector<16x1xi32>
      %gather3A_709 = vector.shape_cast %broadcast_in_dim3A_708 : vector<16x1xi32> to vector<16xi32>
      %gather3A_710 = tpu.dynamic_gather %convert_element_type3A_100[%gather3A_709] in [0] : vector<16xf32>, vector<16xi32> -> vector<16xf32>
      %sub3A_711 = arith.subi %sub3A_135, %broadcast_in_dim3A_704 : vector<16xi32>
      %convert_element_type3A_712 = arith.sitofp %sub3A_711 : vector<16xi32> to vector<16xf32>
      %abs3A_713 = math.absf %convert_element_type3A_712 : vector<16xf32>
      %min3A_714 = arith.constant 1.000000e+00 : f32
      %min3A_715 = vector.broadcast %min3A_714 : f32 to vector<16xf32>
      %min3A_716 = arith.minimumf %abs3A_713, %min3A_715 : vector<16xf32>
      %sub3A_717 = arith.constant 1.000000e+00 : f32
      %sub3A_718 = vector.broadcast %sub3A_717 : f32 to vector<16xf32>
      %sub3A_719 = arith.subf %sub3A_718, %min3A_716 : vector<16xf32>
      %le3A_720 = arith.constant 61 : i32
      %le3A_721 = arith.cmpi sle, %and3A_702, %le3A_720 : i32
      %jit3A_722 = arith.constant 9.900000e-01 : f32
      %jit3A_723 = arith.constant 0.000000e+00 : f32
      %select_n3A_724 = arith.select %le3A_721, %jit3A_722, %jit3A_723 : f32
      %le3A_725 = arith.constant 62 : i32
      %le3A_726 = arith.cmpi sle, %and3A_702, %le3A_725 : i32
      %jit3A_727 = arith.constant 1.000000e+00 : f32
      %jit3A_728 = arith.constant 0.000000e+00 : f32
      %select_n3A_729 = arith.select %le3A_726, %jit3A_727, %jit3A_728 : f32
      %sub3A_730 = arith.constant 1.000000e+00 : f32
      %sub3A_731 = vector.broadcast %sub3A_730 : f32 to vector<16xf32>
      %sub3A_732 = arith.subf %sub3A_731, %sub3A_719 : vector<16xf32>
      %mul3A_733 = vector.broadcast %select_n3A_724 : f32 to vector<16xf32>
      %mul3A_734 = arith.mulf %sub3A_732, %mul3A_733 : vector<16xf32>
      %get3A_735 = arith.constant 3 : i32
      %get3A_736 = arith.index_cast %get3A_735 : i32 to index
      %get3A_737 = arith.constant 0 : index
      %get3A_738 = tpu.vector_load %arg13[%get3A_736, %get3A_737] {strides = array<i32>} : memref<16x128xf32, #tpu.memory_space<vmem>>, vector<1x16xf32>,
      %get3A_739 = vector.shape_cast %get3A_738 : vector<1x16xf32> to vector<16xf32>
      %get3A_740 = arith.constant 3 : i32
      %get3A_741 = arith.index_cast %get3A_740 : i32 to index
      %get3A_742 = arith.constant 64 : index
      %get3A_743 = tpu.vector_load %arg13[%get3A_741, %get3A_742] {strides = array<i32>} : memref<16x128xf32, #tpu.memory_space<vmem>>, vector<1x16xf32>,
      %get3A_744 = vector.shape_cast %get3A_743 : vector<1x16xf32> to vector<16xf32>
      %sub3A_745 = arith.subf %get3A_744, %get3A_739 : vector<16xf32>
      %mul3A_746 = arith.mulf %gather3A_707, %sub3A_745 : vector<16xf32>
      %add3A_747 = arith.addf %get3A_739, %mul3A_746 : vector<16xf32>
      %get3A_748 = arith.constant 3 : i32
      %get3A_749 = arith.index_cast %get3A_748 : i32 to index
      %get3A_750 = arith.constant 0 : index
      %get3A_751 = tpu.vector_load %arg14[%get3A_749, %get3A_750] {strides = array<i32>} : memref<16x128xf32, #tpu.memory_space<vmem>>, vector<1x16xf32>,
      %get3A_752 = vector.shape_cast %get3A_751 : vector<1x16xf32> to vector<16xf32>
      %get3A_753 = arith.constant 3 : i32
      %get3A_754 = arith.index_cast %get3A_753 : i32 to index
      %get3A_755 = arith.constant 64 : index
      %get3A_756 = tpu.vector_load %arg14[%get3A_754, %get3A_755] {strides = array<i32>} : memref<16x128xf32, #tpu.memory_space<vmem>>, vector<1x16xf32>,
      %get3A_757 = vector.shape_cast %get3A_756 : vector<1x16xf32> to vector<16xf32>
      %sub3A_758 = arith.subf %get3A_757, %get3A_752 : vector<16xf32>
      %mul3A_759 = arith.mulf %gather3A_710, %sub3A_758 : vector<16xf32>
      %add3A_760 = arith.addf %get3A_752, %mul3A_759 : vector<16xf32>
      %mul3A_761 = arith.mulf %sub3A_719, %add3A_149 : vector<16xf32>
      %mul3A_762 = arith.mulf %mul3A_734, %add3A_760 : vector<16xf32>
      %add3A_763 = arith.addf %mul3A_761, %mul3A_762 : vector<16xf32>
      %sub3A_764 = arith.subf %add3A_747, %add3A_763 : vector<16xf32>
      %mul3A_765 = arith.mulf %sub3A_764, %sub3A_764 : vector<16xf32>
      %mul3A_766 = vector.broadcast %select_n3A_729 : f32 to vector<16xf32>
      %mul3A_767 = arith.mulf %mul3A_766, %mul3A_765 : vector<16xf32>
      %add3A_768 = arith.addf %add3A_698, %mul3A_767 : vector<16xf32>
      %get3A_769 = arith.constant 3 : i32
      %get3A_770 = arith.index_cast %get3A_769 : i32 to index
      %get3A_771 = arith.constant 16 : index
      %get3A_772 = tpu.vector_load %arg13[%get3A_770, %get3A_771] {strides = array<i32>} : memref<16x128xf32, #tpu.memory_space<vmem>>, vector<1x16xf32>,
      %get3A_773 = vector.shape_cast %get3A_772 : vector<1x16xf32> to vector<16xf32>
      %get3A_774 = arith.constant 3 : i32
      %get3A_775 = arith.index_cast %get3A_774 : i32 to index
      %get3A_776 = arith.constant 80 : index
      %get3A_777 = tpu.vector_load %arg13[%get3A_775, %get3A_776] {strides = array<i32>} : memref<16x128xf32, #tpu.memory_space<vmem>>, vector<1x16xf32>,
      %get3A_778 = vector.shape_cast %get3A_777 : vector<1x16xf32> to vector<16xf32>
      %sub3A_779 = arith.subf %get3A_778, %get3A_773 : vector<16xf32>
      %mul3A_780 = arith.mulf %gather3A_707, %sub3A_779 : vector<16xf32>
      %add3A_781 = arith.addf %get3A_773, %mul3A_780 : vector<16xf32>
      %get3A_782 = arith.constant 3 : i32
      %get3A_783 = arith.index_cast %get3A_782 : i32 to index
      %get3A_784 = arith.constant 16 : index
      %get3A_785 = tpu.vector_load %arg14[%get3A_783, %get3A_784] {strides = array<i32>} : memref<16x128xf32, #tpu.memory_space<vmem>>, vector<1x16xf32>,
      %get3A_786 = vector.shape_cast %get3A_785 : vector<1x16xf32> to vector<16xf32>
      %get3A_787 = arith.constant 3 : i32
      %get3A_788 = arith.index_cast %get3A_787 : i32 to index
      %get3A_789 = arith.constant 80 : index
      %get3A_790 = tpu.vector_load %arg14[%get3A_788, %get3A_789] {strides = array<i32>} : memref<16x128xf32, #tpu.memory_space<vmem>>, vector<1x16xf32>,
      %get3A_791 = vector.shape_cast %get3A_790 : vector<1x16xf32> to vector<16xf32>
      %sub3A_792 = arith.subf %get3A_791, %get3A_786 : vector<16xf32>
      %mul3A_793 = arith.mulf %gather3A_710, %sub3A_792 : vector<16xf32>
      %add3A_794 = arith.addf %get3A_786, %mul3A_793 : vector<16xf32>
      %mul3A_795 = arith.mulf %sub3A_719, %add3A_160 : vector<16xf32>
      %mul3A_796 = arith.mulf %mul3A_734, %add3A_794 : vector<16xf32>
      %add3A_797 = arith.addf %mul3A_795, %mul3A_796 : vector<16xf32>
      %sub3A_798 = arith.subf %add3A_781, %add3A_797 : vector<16xf32>
      %mul3A_799 = arith.mulf %sub3A_798, %sub3A_798 : vector<16xf32>
      %mul3A_800 = vector.broadcast %select_n3A_729 : f32 to vector<16xf32>
      %mul3A_801 = arith.mulf %mul3A_800, %mul3A_799 : vector<16xf32>
      %add3A_802 = arith.addf %add3A_768, %mul3A_801 : vector<16xf32>
      %get3A_803 = arith.constant 3 : i32
      %get3A_804 = arith.index_cast %get3A_803 : i32 to index
      %get3A_805 = arith.constant 32 : index
      %get3A_806 = tpu.vector_load %arg13[%get3A_804, %get3A_805] {strides = array<i32>} : memref<16x128xf32, #tpu.memory_space<vmem>>, vector<1x16xf32>,
      %get3A_807 = vector.shape_cast %get3A_806 : vector<1x16xf32> to vector<16xf32>
      %get3A_808 = arith.constant 3 : i32
      %get3A_809 = arith.index_cast %get3A_808 : i32 to index
      %get3A_810 = arith.constant 96 : index
      %get3A_811 = tpu.vector_load %arg13[%get3A_809, %get3A_810] {strides = array<i32>} : memref<16x128xf32, #tpu.memory_space<vmem>>, vector<1x16xf32>,
      %get3A_812 = vector.shape_cast %get3A_811 : vector<1x16xf32> to vector<16xf32>
      %sub3A_813 = arith.subf %get3A_812, %get3A_807 : vector<16xf32>
      %mul3A_814 = arith.mulf %gather3A_707, %sub3A_813 : vector<16xf32>
      %add3A_815 = arith.addf %get3A_807, %mul3A_814 : vector<16xf32>
      %get3A_816 = arith.constant 3 : i32
      %get3A_817 = arith.index_cast %get3A_816 : i32 to index
      %get3A_818 = arith.constant 32 : index
      %get3A_819 = tpu.vector_load %arg14[%get3A_817, %get3A_818] {strides = array<i32>} : memref<16x128xf32, #tpu.memory_space<vmem>>, vector<1x16xf32>,
      %get3A_820 = vector.shape_cast %get3A_819 : vector<1x16xf32> to vector<16xf32>
      %get3A_821 = arith.constant 3 : i32
      %get3A_822 = arith.index_cast %get3A_821 : i32 to index
      %get3A_823 = arith.constant 96 : index
      %get3A_824 = tpu.vector_load %arg14[%get3A_822, %get3A_823] {strides = array<i32>} : memref<16x128xf32, #tpu.memory_space<vmem>>, vector<1x16xf32>,
      %get3A_825 = vector.shape_cast %get3A_824 : vector<1x16xf32> to vector<16xf32>
      %sub3A_826 = arith.subf %get3A_825, %get3A_820 : vector<16xf32>
      %mul3A_827 = arith.mulf %gather3A_710, %sub3A_826 : vector<16xf32>
      %add3A_828 = arith.addf %get3A_820, %mul3A_827 : vector<16xf32>
      %mul3A_829 = arith.mulf %sub3A_719, %add3A_171 : vector<16xf32>
      %mul3A_830 = arith.mulf %mul3A_734, %add3A_828 : vector<16xf32>
      %add3A_831 = arith.addf %mul3A_829, %mul3A_830 : vector<16xf32>
      %sub3A_832 = arith.subf %add3A_815, %add3A_831 : vector<16xf32>
      %mul3A_833 = arith.mulf %sub3A_832, %sub3A_832 : vector<16xf32>
      %mul3A_834 = vector.broadcast %select_n3A_729 : f32 to vector<16xf32>
      %mul3A_835 = arith.mulf %mul3A_834, %mul3A_833 : vector<16xf32>
      %add3A_836 = arith.addf %add3A_802, %mul3A_835 : vector<16xf32>
      %get3A_837 = arith.constant 3 : i32
      %get3A_838 = arith.index_cast %get3A_837 : i32 to index
      %get3A_839 = arith.constant 48 : index
      %get3A_840 = tpu.vector_load %arg13[%get3A_838, %get3A_839] {strides = array<i32>} : memref<16x128xf32, #tpu.memory_space<vmem>>, vector<1x16xf32>,
      %get3A_841 = vector.shape_cast %get3A_840 : vector<1x16xf32> to vector<16xf32>
      %get3A_842 = arith.constant 3 : i32
      %get3A_843 = arith.index_cast %get3A_842 : i32 to index
      %get3A_844 = arith.constant 112 : index
      %get3A_845 = tpu.vector_load %arg13[%get3A_843, %get3A_844] {strides = array<i32>} : memref<16x128xf32, #tpu.memory_space<vmem>>, vector<1x16xf32>,
      %get3A_846 = vector.shape_cast %get3A_845 : vector<1x16xf32> to vector<16xf32>
      %sub3A_847 = arith.subf %get3A_846, %get3A_841 : vector<16xf32>
      %mul3A_848 = arith.mulf %gather3A_707, %sub3A_847 : vector<16xf32>
      %add3A_849 = arith.addf %get3A_841, %mul3A_848 : vector<16xf32>
      %get3A_850 = arith.constant 3 : i32
      %get3A_851 = arith.index_cast %get3A_850 : i32 to index
      %get3A_852 = arith.constant 48 : index
      %get3A_853 = tpu.vector_load %arg14[%get3A_851, %get3A_852] {strides = array<i32>} : memref<16x128xf32, #tpu.memory_space<vmem>>, vector<1x16xf32>,
      %get3A_854 = vector.shape_cast %get3A_853 : vector<1x16xf32> to vector<16xf32>
      %get3A_855 = arith.constant 3 : i32
      %get3A_856 = arith.index_cast %get3A_855 : i32 to index
      %get3A_857 = arith.constant 112 : index
      %get3A_858 = tpu.vector_load %arg14[%get3A_856, %get3A_857] {strides = array<i32>} : memref<16x128xf32, #tpu.memory_space<vmem>>, vector<1x16xf32>,
      %get3A_859 = vector.shape_cast %get3A_858 : vector<1x16xf32> to vector<16xf32>
      %sub3A_860 = arith.subf %get3A_859, %get3A_854 : vector<16xf32>
      %mul3A_861 = arith.mulf %gather3A_710, %sub3A_860 : vector<16xf32>
      %add3A_862 = arith.addf %get3A_854, %mul3A_861 : vector<16xf32>
      %mul3A_863 = arith.mulf %sub3A_719, %add3A_182 : vector<16xf32>
      %mul3A_864 = arith.mulf %mul3A_734, %add3A_862 : vector<16xf32>
      %add3A_865 = arith.addf %mul3A_863, %mul3A_864 : vector<16xf32>
      %sub3A_866 = arith.subf %add3A_849, %add3A_865 : vector<16xf32>
      %mul3A_867 = arith.mulf %sub3A_866, %sub3A_866 : vector<16xf32>
      %mul3A_868 = vector.broadcast %select_n3A_729 : f32 to vector<16xf32>
      %mul3A_869 = arith.mulf %mul3A_868, %mul3A_867 : vector<16xf32>
      %add3A_870 = arith.addf %add3A_836, %mul3A_869 : vector<16xf32>
      %add3A_871 = arith.constant 4 : i32
      %add3A_872 = arith.addi %mul3A_2, %add3A_871 : i32
      %and3A_873 = arith.constant 63 : i32
      %and3A_874 = arith.andi %add3A_872, %and3A_873 : i32
      %broadcast_in_dim3A_875 = arith.constant 4 : i32
      %broadcast_in_dim3A_876 = vector.broadcast %broadcast_in_dim3A_875 : i32 to vector<16xi32>
      %broadcast_in_dim3A_877 = vector.shape_cast %broadcast_in_dim3A_876 : vector<16xi32> to vector<16x1xi32>
      %gather3A_878 = vector.shape_cast %broadcast_in_dim3A_877 : vector<16x1xi32> to vector<16xi32>
      %gather3A_879 = tpu.dynamic_gather %convert_element_type3A_96[%gather3A_878] in [0] : vector<16xf32>, vector<16xi32> -> vector<16xf32>
      %broadcast_in_dim3A_880 = vector.shape_cast %broadcast_in_dim3A_876 : vector<16xi32> to vector<16x1xi32>
      %gather3A_881 = vector.shape_cast %broadcast_in_dim3A_880 : vector<16x1xi32> to vector<16xi32>
      %gather3A_882 = tpu.dynamic_gather %convert_element_type3A_100[%gather3A_881] in [0] : vector<16xf32>, vector<16xi32> -> vector<16xf32>
      %sub3A_883 = arith.subi %sub3A_135, %broadcast_in_dim3A_876 : vector<16xi32>
      %convert_element_type3A_884 = arith.sitofp %sub3A_883 : vector<16xi32> to vector<16xf32>
      %abs3A_885 = math.absf %convert_element_type3A_884 : vector<16xf32>
      %min3A_886 = arith.constant 1.000000e+00 : f32
      %min3A_887 = vector.broadcast %min3A_886 : f32 to vector<16xf32>
      %min3A_888 = arith.minimumf %abs3A_885, %min3A_887 : vector<16xf32>
      %sub3A_889 = arith.constant 1.000000e+00 : f32
      %sub3A_890 = vector.broadcast %sub3A_889 : f32 to vector<16xf32>
      %sub3A_891 = arith.subf %sub3A_890, %min3A_888 : vector<16xf32>
      %le3A_892 = arith.constant 61 : i32
      %le3A_893 = arith.cmpi sle, %and3A_874, %le3A_892 : i32
      %jit3A_894 = arith.constant 9.900000e-01 : f32
      %jit3A_895 = arith.constant 0.000000e+00 : f32
      %select_n3A_896 = arith.select %le3A_893, %jit3A_894, %jit3A_895 : f32
      %le3A_897 = arith.constant 62 : i32
      %le3A_898 = arith.cmpi sle, %and3A_874, %le3A_897 : i32
      %jit3A_899 = arith.constant 1.000000e+00 : f32
      %jit3A_900 = arith.constant 0.000000e+00 : f32
      %select_n3A_901 = arith.select %le3A_898, %jit3A_899, %jit3A_900 : f32
      %sub3A_902 = arith.constant 1.000000e+00 : f32
      %sub3A_903 = vector.broadcast %sub3A_902 : f32 to vector<16xf32>
      %sub3A_904 = arith.subf %sub3A_903, %sub3A_891 : vector<16xf32>
      %mul3A_905 = vector.broadcast %select_n3A_896 : f32 to vector<16xf32>
      %mul3A_906 = arith.mulf %sub3A_904, %mul3A_905 : vector<16xf32>
      %get3A_907 = arith.constant 4 : i32
      %get3A_908 = arith.index_cast %get3A_907 : i32 to index
      %get3A_909 = arith.constant 0 : index
      %get3A_910 = tpu.vector_load %arg13[%get3A_908, %get3A_909] {strides = array<i32>} : memref<16x128xf32, #tpu.memory_space<vmem>>, vector<1x16xf32>,
      %get3A_911 = vector.shape_cast %get3A_910 : vector<1x16xf32> to vector<16xf32>
      %get3A_912 = arith.constant 4 : i32
      %get3A_913 = arith.index_cast %get3A_912 : i32 to index
      %get3A_914 = arith.constant 64 : index
      %get3A_915 = tpu.vector_load %arg13[%get3A_913, %get3A_914] {strides = array<i32>} : memref<16x128xf32, #tpu.memory_space<vmem>>, vector<1x16xf32>,
      %get3A_916 = vector.shape_cast %get3A_915 : vector<1x16xf32> to vector<16xf32>
      %sub3A_917 = arith.subf %get3A_916, %get3A_911 : vector<16xf32>
      %mul3A_918 = arith.mulf %gather3A_879, %sub3A_917 : vector<16xf32>
      %add3A_919 = arith.addf %get3A_911, %mul3A_918 : vector<16xf32>
      %get3A_920 = arith.constant 4 : i32
      %get3A_921 = arith.index_cast %get3A_920 : i32 to index
      %get3A_922 = arith.constant 0 : index
      %get3A_923 = tpu.vector_load %arg14[%get3A_921, %get3A_922] {strides = array<i32>} : memref<16x128xf32, #tpu.memory_space<vmem>>, vector<1x16xf32>,
      %get3A_924 = vector.shape_cast %get3A_923 : vector<1x16xf32> to vector<16xf32>
      %get3A_925 = arith.constant 4 : i32
      %get3A_926 = arith.index_cast %get3A_925 : i32 to index
      %get3A_927 = arith.constant 64 : index
      %get3A_928 = tpu.vector_load %arg14[%get3A_926, %get3A_927] {strides = array<i32>} : memref<16x128xf32, #tpu.memory_space<vmem>>, vector<1x16xf32>,
      %get3A_929 = vector.shape_cast %get3A_928 : vector<1x16xf32> to vector<16xf32>
      %sub3A_930 = arith.subf %get3A_929, %get3A_924 : vector<16xf32>
      %mul3A_931 = arith.mulf %gather3A_882, %sub3A_930 : vector<16xf32>
      %add3A_932 = arith.addf %get3A_924, %mul3A_931 : vector<16xf32>
      %mul3A_933 = arith.mulf %sub3A_891, %add3A_149 : vector<16xf32>
      %mul3A_934 = arith.mulf %mul3A_906, %add3A_932 : vector<16xf32>
      %add3A_935 = arith.addf %mul3A_933, %mul3A_934 : vector<16xf32>
      %sub3A_936 = arith.subf %add3A_919, %add3A_935 : vector<16xf32>
      %mul3A_937 = arith.mulf %sub3A_936, %sub3A_936 : vector<16xf32>
      %mul3A_938 = vector.broadcast %select_n3A_901 : f32 to vector<16xf32>
      %mul3A_939 = arith.mulf %mul3A_938, %mul3A_937 : vector<16xf32>
      %add3A_940 = arith.addf %add3A_870, %mul3A_939 : vector<16xf32>
      %get3A_941 = arith.constant 4 : i32
      %get3A_942 = arith.index_cast %get3A_941 : i32 to index
      %get3A_943 = arith.constant 16 : index
      %get3A_944 = tpu.vector_load %arg13[%get3A_942, %get3A_943] {strides = array<i32>} : memref<16x128xf32, #tpu.memory_space<vmem>>, vector<1x16xf32>,
      %get3A_945 = vector.shape_cast %get3A_944 : vector<1x16xf32> to vector<16xf32>
      %get3A_946 = arith.constant 4 : i32
      %get3A_947 = arith.index_cast %get3A_946 : i32 to index
      %get3A_948 = arith.constant 80 : index
      %get3A_949 = tpu.vector_load %arg13[%get3A_947, %get3A_948] {strides = array<i32>} : memref<16x128xf32, #tpu.memory_space<vmem>>, vector<1x16xf32>,
      %get3A_950 = vector.shape_cast %get3A_949 : vector<1x16xf32> to vector<16xf32>
      %sub3A_951 = arith.subf %get3A_950, %get3A_945 : vector<16xf32>
      %mul3A_952 = arith.mulf %gather3A_879, %sub3A_951 : vector<16xf32>
      %add3A_953 = arith.addf %get3A_945, %mul3A_952 : vector<16xf32>
      %get3A_954 = arith.constant 4 : i32
      %get3A_955 = arith.index_cast %get3A_954 : i32 to index
      %get3A_956 = arith.constant 16 : index
      %get3A_957 = tpu.vector_load %arg14[%get3A_955, %get3A_956] {strides = array<i32>} : memref<16x128xf32, #tpu.memory_space<vmem>>, vector<1x16xf32>,
      %get3A_958 = vector.shape_cast %get3A_957 : vector<1x16xf32> to vector<16xf32>
      %get3A_959 = arith.constant 4 : i32
      %get3A_960 = arith.index_cast %get3A_959 : i32 to index
      %get3A_961 = arith.constant 80 : index
      %get3A_962 = tpu.vector_load %arg14[%get3A_960, %get3A_961] {strides = array<i32>} : memref<16x128xf32, #tpu.memory_space<vmem>>, vector<1x16xf32>,
      %get3A_963 = vector.shape_cast %get3A_962 : vector<1x16xf32> to vector<16xf32>
      %sub3A_964 = arith.subf %get3A_963, %get3A_958 : vector<16xf32>
      %mul3A_965 = arith.mulf %gather3A_882, %sub3A_964 : vector<16xf32>
      %add3A_966 = arith.addf %get3A_958, %mul3A_965 : vector<16xf32>
      %mul3A_967 = arith.mulf %sub3A_891, %add3A_160 : vector<16xf32>
      %mul3A_968 = arith.mulf %mul3A_906, %add3A_966 : vector<16xf32>
      %add3A_969 = arith.addf %mul3A_967, %mul3A_968 : vector<16xf32>
      %sub3A_970 = arith.subf %add3A_953, %add3A_969 : vector<16xf32>
      %mul3A_971 = arith.mulf %sub3A_970, %sub3A_970 : vector<16xf32>
      %mul3A_972 = vector.broadcast %select_n3A_901 : f32 to vector<16xf32>
      %mul3A_973 = arith.mulf %mul3A_972, %mul3A_971 : vector<16xf32>
      %add3A_974 = arith.addf %add3A_940, %mul3A_973 : vector<16xf32>
      %get3A_975 = arith.constant 4 : i32
      %get3A_976 = arith.index_cast %get3A_975 : i32 to index
      %get3A_977 = arith.constant 32 : index
      %get3A_978 = tpu.vector_load %arg13[%get3A_976, %get3A_977] {strides = array<i32>} : memref<16x128xf32, #tpu.memory_space<vmem>>, vector<1x16xf32>,
      %get3A_979 = vector.shape_cast %get3A_978 : vector<1x16xf32> to vector<16xf32>
      %get3A_980 = arith.constant 4 : i32
      %get3A_981 = arith.index_cast %get3A_980 : i32 to index
      %get3A_982 = arith.constant 96 : index
      %get3A_983 = tpu.vector_load %arg13[%get3A_981, %get3A_982] {strides = array<i32>} : memref<16x128xf32, #tpu.memory_space<vmem>>, vector<1x16xf32>,
      %get3A_984 = vector.shape_cast %get3A_983 : vector<1x16xf32> to vector<16xf32>
      %sub3A_985 = arith.subf %get3A_984, %get3A_979 : vector<16xf32>
      %mul3A_986 = arith.mulf %gather3A_879, %sub3A_985 : vector<16xf32>
      %add3A_987 = arith.addf %get3A_979, %mul3A_986 : vector<16xf32>
      %get3A_988 = arith.constant 4 : i32
      %get3A_989 = arith.index_cast %get3A_988 : i32 to index
      %get3A_990 = arith.constant 32 : index
      %get3A_991 = tpu.vector_load %arg14[%get3A_989, %get3A_990] {strides = array<i32>} : memref<16x128xf32, #tpu.memory_space<vmem>>, vector<1x16xf32>,
      %get3A_992 = vector.shape_cast %get3A_991 : vector<1x16xf32> to vector<16xf32>
      %get3A_993 = arith.constant 4 : i32
      %get3A_994 = arith.index_cast %get3A_993 : i32 to index
      %get3A_995 = arith.constant 96 : index
      %get3A_996 = tpu.vector_load %arg14[%get3A_994, %get3A_995] {strides = array<i32>} : memref<16x128xf32, #tpu.memory_space<vmem>>, vector<1x16xf32>,
      %get3A_997 = vector.shape_cast %get3A_996 : vector<1x16xf32> to vector<16xf32>
      %sub3A_998 = arith.subf %get3A_997, %get3A_992 : vector<16xf32>
      %mul3A_999 = arith.mulf %gather3A_882, %sub3A_998 : vector<16xf32>
      %add3A_1000 = arith.addf %get3A_992, %mul3A_999 : vector<16xf32>
      %mul3A_1001 = arith.mulf %sub3A_891, %add3A_171 : vector<16xf32>
      %mul3A_1002 = arith.mulf %mul3A_906, %add3A_1000 : vector<16xf32>
      %add3A_1003 = arith.addf %mul3A_1001, %mul3A_1002 : vector<16xf32>
      %sub3A_1004 = arith.subf %add3A_987, %add3A_1003 : vector<16xf32>
      %mul3A_1005 = arith.mulf %sub3A_1004, %sub3A_1004 : vector<16xf32>
      %mul3A_1006 = vector.broadcast %select_n3A_901 : f32 to vector<16xf32>
      %mul3A_1007 = arith.mulf %mul3A_1006, %mul3A_1005 : vector<16xf32>
      %add3A_1008 = arith.addf %add3A_974, %mul3A_1007 : vector<16xf32>
      %get3A_1009 = arith.constant 4 : i32
      %get3A_1010 = arith.index_cast %get3A_1009 : i32 to index
      %get3A_1011 = arith.constant 48 : index
      %get3A_1012 = tpu.vector_load %arg13[%get3A_1010, %get3A_1011] {strides = array<i32>} : memref<16x128xf32, #tpu.memory_space<vmem>>, vector<1x16xf32>,
      %get3A_1013 = vector.shape_cast %get3A_1012 : vector<1x16xf32> to vector<16xf32>
      %get3A_1014 = arith.constant 4 : i32
      %get3A_1015 = arith.index_cast %get3A_1014 : i32 to index
      %get3A_1016 = arith.constant 112 : index
      %get3A_1017 = tpu.vector_load %arg13[%get3A_1015, %get3A_1016] {strides = array<i32>} : memref<16x128xf32, #tpu.memory_space<vmem>>, vector<1x16xf32>,
      %get3A_1018 = vector.shape_cast %get3A_1017 : vector<1x16xf32> to vector<16xf32>
      %sub3A_1019 = arith.subf %get3A_1018, %get3A_1013 : vector<16xf32>
      %mul3A_1020 = arith.mulf %gather3A_879, %sub3A_1019 : vector<16xf32>
      %add3A_1021 = arith.addf %get3A_1013, %mul3A_1020 : vector<16xf32>
      %get3A_1022 = arith.constant 4 : i32
      %get3A_1023 = arith.index_cast %get3A_1022 : i32 to index
      %get3A_1024 = arith.constant 48 : index
      %get3A_1025 = tpu.vector_load %arg14[%get3A_1023, %get3A_1024] {strides = array<i32>} : memref<16x128xf32, #tpu.memory_space<vmem>>, vector<1x16xf32>,
      %get3A_1026 = vector.shape_cast %get3A_1025 : vector<1x16xf32> to vector<16xf32>
      %get3A_1027 = arith.constant 4 : i32
      %get3A_1028 = arith.index_cast %get3A_1027 : i32 to index
      %get3A_1029 = arith.constant 112 : index
      %get3A_1030 = tpu.vector_load %arg14[%get3A_1028, %get3A_1029] {strides = array<i32>} : memref<16x128xf32, #tpu.memory_space<vmem>>, vector<1x16xf32>,
      %get3A_1031 = vector.shape_cast %get3A_1030 : vector<1x16xf32> to vector<16xf32>
      %sub3A_1032 = arith.subf %get3A_1031, %get3A_1026 : vector<16xf32>
      %mul3A_1033 = arith.mulf %gather3A_882, %sub3A_1032 : vector<16xf32>
      %add3A_1034 = arith.addf %get3A_1026, %mul3A_1033 : vector<16xf32>
      %mul3A_1035 = arith.mulf %sub3A_891, %add3A_182 : vector<16xf32>
      %mul3A_1036 = arith.mulf %mul3A_906, %add3A_1034 : vector<16xf32>
      %add3A_1037 = arith.addf %mul3A_1035, %mul3A_1036 : vector<16xf32>
      %sub3A_1038 = arith.subf %add3A_1021, %add3A_1037 : vector<16xf32>
      %mul3A_1039 = arith.mulf %sub3A_1038, %sub3A_1038 : vector<16xf32>
      %mul3A_1040 = vector.broadcast %select_n3A_901 : f32 to vector<16xf32>
      %mul3A_1041 = arith.mulf %mul3A_1040, %mul3A_1039 : vector<16xf32>
      %add3A_1042 = arith.addf %add3A_1008, %mul3A_1041 : vector<16xf32>
      %add3A_1043 = arith.constant 5 : i32
      %add3A_1044 = arith.addi %mul3A_2, %add3A_1043 : i32
      %and3A_1045 = arith.constant 63 : i32
      %and3A_1046 = arith.andi %add3A_1044, %and3A_1045 : i32
      %broadcast_in_dim3A_1047 = arith.constant 5 : i32
      %broadcast_in_dim3A_1048 = vector.broadcast %broadcast_in_dim3A_1047 : i32 to vector<16xi32>
      %broadcast_in_dim3A_1049 = vector.shape_cast %broadcast_in_dim3A_1048 : vector<16xi32> to vector<16x1xi32>
      %gather3A_1050 = vector.shape_cast %broadcast_in_dim3A_1049 : vector<16x1xi32> to vector<16xi32>
      %gather3A_1051 = tpu.dynamic_gather %convert_element_type3A_96[%gather3A_1050] in [0] : vector<16xf32>, vector<16xi32> -> vector<16xf32>
      %broadcast_in_dim3A_1052 = vector.shape_cast %broadcast_in_dim3A_1048 : vector<16xi32> to vector<16x1xi32>
      %gather3A_1053 = vector.shape_cast %broadcast_in_dim3A_1052 : vector<16x1xi32> to vector<16xi32>
      %gather3A_1054 = tpu.dynamic_gather %convert_element_type3A_100[%gather3A_1053] in [0] : vector<16xf32>, vector<16xi32> -> vector<16xf32>
      %sub3A_1055 = arith.subi %sub3A_135, %broadcast_in_dim3A_1048 : vector<16xi32>
      %convert_element_type3A_1056 = arith.sitofp %sub3A_1055 : vector<16xi32> to vector<16xf32>
      %abs3A_1057 = math.absf %convert_element_type3A_1056 : vector<16xf32>
      %min3A_1058 = arith.constant 1.000000e+00 : f32
      %min3A_1059 = vector.broadcast %min3A_1058 : f32 to vector<16xf32>
      %min3A_1060 = arith.minimumf %abs3A_1057, %min3A_1059 : vector<16xf32>
      %sub3A_1061 = arith.constant 1.000000e+00 : f32
      %sub3A_1062 = vector.broadcast %sub3A_1061 : f32 to vector<16xf32>
      %sub3A_1063 = arith.subf %sub3A_1062, %min3A_1060 : vector<16xf32>
      %le3A_1064 = arith.constant 61 : i32
      %le3A_1065 = arith.cmpi sle, %and3A_1046, %le3A_1064 : i32
      %jit3A_1066 = arith.constant 9.900000e-01 : f32
      %jit3A_1067 = arith.constant 0.000000e+00 : f32
      %select_n3A_1068 = arith.select %le3A_1065, %jit3A_1066, %jit3A_1067 : f32
      %le3A_1069 = arith.constant 62 : i32
      %le3A_1070 = arith.cmpi sle, %and3A_1046, %le3A_1069 : i32
      %jit3A_1071 = arith.constant 1.000000e+00 : f32
      %jit3A_1072 = arith.constant 0.000000e+00 : f32
      %select_n3A_1073 = arith.select %le3A_1070, %jit3A_1071, %jit3A_1072 : f32
      %sub3A_1074 = arith.constant 1.000000e+00 : f32
      %sub3A_1075 = vector.broadcast %sub3A_1074 : f32 to vector<16xf32>
      %sub3A_1076 = arith.subf %sub3A_1075, %sub3A_1063 : vector<16xf32>
      %mul3A_1077 = vector.broadcast %select_n3A_1068 : f32 to vector<16xf32>
      %mul3A_1078 = arith.mulf %sub3A_1076, %mul3A_1077 : vector<16xf32>
      %get3A_1079 = arith.constant 5 : i32
      %get3A_1080 = arith.index_cast %get3A_1079 : i32 to index
      %get3A_1081 = arith.constant 0 : index
      %get3A_1082 = tpu.vector_load %arg13[%get3A_1080, %get3A_1081] {strides = array<i32>} : memref<16x128xf32, #tpu.memory_space<vmem>>, vector<1x16xf32>,
      %get3A_1083 = vector.shape_cast %get3A_1082 : vector<1x16xf32> to vector<16xf32>
      %get3A_1084 = arith.constant 5 : i32
      %get3A_1085 = arith.index_cast %get3A_1084 : i32 to index
      %get3A_1086 = arith.constant 64 : index
      %get3A_1087 = tpu.vector_load %arg13[%get3A_1085, %get3A_1086] {strides = array<i32>} : memref<16x128xf32, #tpu.memory_space<vmem>>, vector<1x16xf32>,
      %get3A_1088 = vector.shape_cast %get3A_1087 : vector<1x16xf32> to vector<16xf32>
      %sub3A_1089 = arith.subf %get3A_1088, %get3A_1083 : vector<16xf32>
      %mul3A_1090 = arith.mulf %gather3A_1051, %sub3A_1089 : vector<16xf32>
      %add3A_1091 = arith.addf %get3A_1083, %mul3A_1090 : vector<16xf32>
      %get3A_1092 = arith.constant 5 : i32
      %get3A_1093 = arith.index_cast %get3A_1092 : i32 to index
      %get3A_1094 = arith.constant 0 : index
      %get3A_1095 = tpu.vector_load %arg14[%get3A_1093, %get3A_1094] {strides = array<i32>} : memref<16x128xf32, #tpu.memory_space<vmem>>, vector<1x16xf32>,
      %get3A_1096 = vector.shape_cast %get3A_1095 : vector<1x16xf32> to vector<16xf32>
      %get3A_1097 = arith.constant 5 : i32
      %get3A_1098 = arith.index_cast %get3A_1097 : i32 to index
      %get3A_1099 = arith.constant 64 : index
      %get3A_1100 = tpu.vector_load %arg14[%get3A_1098, %get3A_1099] {strides = array<i32>} : memref<16x128xf32, #tpu.memory_space<vmem>>, vector<1x16xf32>,
      %get3A_1101 = vector.shape_cast %get3A_1100 : vector<1x16xf32> to vector<16xf32>
      %sub3A_1102 = arith.subf %get3A_1101, %get3A_1096 : vector<16xf32>
      %mul3A_1103 = arith.mulf %gather3A_1054, %sub3A_1102 : vector<16xf32>
      %add3A_1104 = arith.addf %get3A_1096, %mul3A_1103 : vector<16xf32>
      %mul3A_1105 = arith.mulf %sub3A_1063, %add3A_149 : vector<16xf32>
      %mul3A_1106 = arith.mulf %mul3A_1078, %add3A_1104 : vector<16xf32>
      %add3A_1107 = arith.addf %mul3A_1105, %mul3A_1106 : vector<16xf32>
      %sub3A_1108 = arith.subf %add3A_1091, %add3A_1107 : vector<16xf32>
      %mul3A_1109 = arith.mulf %sub3A_1108, %sub3A_1108 : vector<16xf32>
      %mul3A_1110 = vector.broadcast %select_n3A_1073 : f32 to vector<16xf32>
      %mul3A_1111 = arith.mulf %mul3A_1110, %mul3A_1109 : vector<16xf32>
      %add3A_1112 = arith.addf %add3A_1042, %mul3A_1111 : vector<16xf32>
      %get3A_1113 = arith.constant 5 : i32
      %get3A_1114 = arith.index_cast %get3A_1113 : i32 to index
      %get3A_1115 = arith.constant 16 : index
      %get3A_1116 = tpu.vector_load %arg13[%get3A_1114, %get3A_1115] {strides = array<i32>} : memref<16x128xf32, #tpu.memory_space<vmem>>, vector<1x16xf32>,
      %get3A_1117 = vector.shape_cast %get3A_1116 : vector<1x16xf32> to vector<16xf32>
      %get3A_1118 = arith.constant 5 : i32
      %get3A_1119 = arith.index_cast %get3A_1118 : i32 to index
      %get3A_1120 = arith.constant 80 : index
      %get3A_1121 = tpu.vector_load %arg13[%get3A_1119, %get3A_1120] {strides = array<i32>} : memref<16x128xf32, #tpu.memory_space<vmem>>, vector<1x16xf32>,
      %get3A_1122 = vector.shape_cast %get3A_1121 : vector<1x16xf32> to vector<16xf32>
      %sub3A_1123 = arith.subf %get3A_1122, %get3A_1117 : vector<16xf32>
      %mul3A_1124 = arith.mulf %gather3A_1051, %sub3A_1123 : vector<16xf32>
      %add3A_1125 = arith.addf %get3A_1117, %mul3A_1124 : vector<16xf32>
      %get3A_1126 = arith.constant 5 : i32
      %get3A_1127 = arith.index_cast %get3A_1126 : i32 to index
      %get3A_1128 = arith.constant 16 : index
      %get3A_1129 = tpu.vector_load %arg14[%get3A_1127, %get3A_1128] {strides = array<i32>} : memref<16x128xf32, #tpu.memory_space<vmem>>, vector<1x16xf32>,
      %get3A_1130 = vector.shape_cast %get3A_1129 : vector<1x16xf32> to vector<16xf32>
      %get3A_1131 = arith.constant 5 : i32
      %get3A_1132 = arith.index_cast %get3A_1131 : i32 to index
      %get3A_1133 = arith.constant 80 : index
      %get3A_1134 = tpu.vector_load %arg14[%get3A_1132, %get3A_1133] {strides = array<i32>} : memref<16x128xf32, #tpu.memory_space<vmem>>, vector<1x16xf32>,
      %get3A_1135 = vector.shape_cast %get3A_1134 : vector<1x16xf32> to vector<16xf32>
      %sub3A_1136 = arith.subf %get3A_1135, %get3A_1130 : vector<16xf32>
      %mul3A_1137 = arith.mulf %gather3A_1054, %sub3A_1136 : vector<16xf32>
      %add3A_1138 = arith.addf %get3A_1130, %mul3A_1137 : vector<16xf32>
      %mul3A_1139 = arith.mulf %sub3A_1063, %add3A_160 : vector<16xf32>
      %mul3A_1140 = arith.mulf %mul3A_1078, %add3A_1138 : vector<16xf32>
      %add3A_1141 = arith.addf %mul3A_1139, %mul3A_1140 : vector<16xf32>
      %sub3A_1142 = arith.subf %add3A_1125, %add3A_1141 : vector<16xf32>
      %mul3A_1143 = arith.mulf %sub3A_1142, %sub3A_1142 : vector<16xf32>
      %mul3A_1144 = vector.broadcast %select_n3A_1073 : f32 to vector<16xf32>
      %mul3A_1145 = arith.mulf %mul3A_1144, %mul3A_1143 : vector<16xf32>
      %add3A_1146 = arith.addf %add3A_1112, %mul3A_1145 : vector<16xf32>
      %get3A_1147 = arith.constant 5 : i32
      %get3A_1148 = arith.index_cast %get3A_1147 : i32 to index
      %get3A_1149 = arith.constant 32 : index
      %get3A_1150 = tpu.vector_load %arg13[%get3A_1148, %get3A_1149] {strides = array<i32>} : memref<16x128xf32, #tpu.memory_space<vmem>>, vector<1x16xf32>,
      %get3A_1151 = vector.shape_cast %get3A_1150 : vector<1x16xf32> to vector<16xf32>
      %get3A_1152 = arith.constant 5 : i32
      %get3A_1153 = arith.index_cast %get3A_1152 : i32 to index
      %get3A_1154 = arith.constant 96 : index
      %get3A_1155 = tpu.vector_load %arg13[%get3A_1153, %get3A_1154] {strides = array<i32>} : memref<16x128xf32, #tpu.memory_space<vmem>>, vector<1x16xf32>,
      %get3A_1156 = vector.shape_cast %get3A_1155 : vector<1x16xf32> to vector<16xf32>
      %sub3A_1157 = arith.subf %get3A_1156, %get3A_1151 : vector<16xf32>
      %mul3A_1158 = arith.mulf %gather3A_1051, %sub3A_1157 : vector<16xf32>
      %add3A_1159 = arith.addf %get3A_1151, %mul3A_1158 : vector<16xf32>
      %get3A_1160 = arith.constant 5 : i32
      %get3A_1161 = arith.index_cast %get3A_1160 : i32 to index
      %get3A_1162 = arith.constant 32 : index
      %get3A_1163 = tpu.vector_load %arg14[%get3A_1161, %get3A_1162] {strides = array<i32>} : memref<16x128xf32, #tpu.memory_space<vmem>>, vector<1x16xf32>,
      %get3A_1164 = vector.shape_cast %get3A_1163 : vector<1x16xf32> to vector<16xf32>
      %get3A_1165 = arith.constant 5 : i32
      %get3A_1166 = arith.index_cast %get3A_1165 : i32 to index
      %get3A_1167 = arith.constant 96 : index
      %get3A_1168 = tpu.vector_load %arg14[%get3A_1166, %get3A_1167] {strides = array<i32>} : memref<16x128xf32, #tpu.memory_space<vmem>>, vector<1x16xf32>,
      %get3A_1169 = vector.shape_cast %get3A_1168 : vector<1x16xf32> to vector<16xf32>
      %sub3A_1170 = arith.subf %get3A_1169, %get3A_1164 : vector<16xf32>
      %mul3A_1171 = arith.mulf %gather3A_1054, %sub3A_1170 : vector<16xf32>
      %add3A_1172 = arith.addf %get3A_1164, %mul3A_1171 : vector<16xf32>
      %mul3A_1173 = arith.mulf %sub3A_1063, %add3A_171 : vector<16xf32>
      %mul3A_1174 = arith.mulf %mul3A_1078, %add3A_1172 : vector<16xf32>
      %add3A_1175 = arith.addf %mul3A_1173, %mul3A_1174 : vector<16xf32>
      %sub3A_1176 = arith.subf %add3A_1159, %add3A_1175 : vector<16xf32>
      %mul3A_1177 = arith.mulf %sub3A_1176, %sub3A_1176 : vector<16xf32>
      %mul3A_1178 = vector.broadcast %select_n3A_1073 : f32 to vector<16xf32>
      %mul3A_1179 = arith.mulf %mul3A_1178, %mul3A_1177 : vector<16xf32>
      %add3A_1180 = arith.addf %add3A_1146, %mul3A_1179 : vector<16xf32>
      %get3A_1181 = arith.constant 5 : i32
      %get3A_1182 = arith.index_cast %get3A_1181 : i32 to index
      %get3A_1183 = arith.constant 48 : index
      %get3A_1184 = tpu.vector_load %arg13[%get3A_1182, %get3A_1183] {strides = array<i32>} : memref<16x128xf32, #tpu.memory_space<vmem>>, vector<1x16xf32>,
      %get3A_1185 = vector.shape_cast %get3A_1184 : vector<1x16xf32> to vector<16xf32>
      %get3A_1186 = arith.constant 5 : i32
      %get3A_1187 = arith.index_cast %get3A_1186 : i32 to index
      %get3A_1188 = arith.constant 112 : index
      %get3A_1189 = tpu.vector_load %arg13[%get3A_1187, %get3A_1188] {strides = array<i32>} : memref<16x128xf32, #tpu.memory_space<vmem>>, vector<1x16xf32>,
      %get3A_1190 = vector.shape_cast %get3A_1189 : vector<1x16xf32> to vector<16xf32>
      %sub3A_1191 = arith.subf %get3A_1190, %get3A_1185 : vector<16xf32>
      %mul3A_1192 = arith.mulf %gather3A_1051, %sub3A_1191 : vector<16xf32>
      %add3A_1193 = arith.addf %get3A_1185, %mul3A_1192 : vector<16xf32>
      %get3A_1194 = arith.constant 5 : i32
      %get3A_1195 = arith.index_cast %get3A_1194 : i32 to index
      %get3A_1196 = arith.constant 48 : index
      %get3A_1197 = tpu.vector_load %arg14[%get3A_1195, %get3A_1196] {strides = array<i32>} : memref<16x128xf32, #tpu.memory_space<vmem>>, vector<1x16xf32>,
      %get3A_1198 = vector.shape_cast %get3A_1197 : vector<1x16xf32> to vector<16xf32>
      %get3A_1199 = arith.constant 5 : i32
      %get3A_1200 = arith.index_cast %get3A_1199 : i32 to index
      %get3A_1201 = arith.constant 112 : index
      %get3A_1202 = tpu.vector_load %arg14[%get3A_1200, %get3A_1201] {strides = array<i32>} : memref<16x128xf32, #tpu.memory_space<vmem>>, vector<1x16xf32>,
      %get3A_1203 = vector.shape_cast %get3A_1202 : vector<1x16xf32> to vector<16xf32>
      %sub3A_1204 = arith.subf %get3A_1203, %get3A_1198 : vector<16xf32>
      %mul3A_1205 = arith.mulf %gather3A_1054, %sub3A_1204 : vector<16xf32>
      %add3A_1206 = arith.addf %get3A_1198, %mul3A_1205 : vector<16xf32>
      %mul3A_1207 = arith.mulf %sub3A_1063, %add3A_182 : vector<16xf32>
      %mul3A_1208 = arith.mulf %mul3A_1078, %add3A_1206 : vector<16xf32>
      %add3A_1209 = arith.addf %mul3A_1207, %mul3A_1208 : vector<16xf32>
      %sub3A_1210 = arith.subf %add3A_1193, %add3A_1209 : vector<16xf32>
      %mul3A_1211 = arith.mulf %sub3A_1210, %sub3A_1210 : vector<16xf32>
      %mul3A_1212 = vector.broadcast %select_n3A_1073 : f32 to vector<16xf32>
      %mul3A_1213 = arith.mulf %mul3A_1212, %mul3A_1211 : vector<16xf32>
      %add3A_1214 = arith.addf %add3A_1180, %mul3A_1213 : vector<16xf32>
      %add3A_1215 = arith.constant 6 : i32
      %add3A_1216 = arith.addi %mul3A_2, %add3A_1215 : i32
      %and3A_1217 = arith.constant 63 : i32
      %and3A_1218 = arith.andi %add3A_1216, %and3A_1217 : i32
      %broadcast_in_dim3A_1219 = arith.constant 6 : i32
      %broadcast_in_dim3A_1220 = vector.broadcast %broadcast_in_dim3A_1219 : i32 to vector<16xi32>
      %broadcast_in_dim3A_1221 = vector.shape_cast %broadcast_in_dim3A_1220 : vector<16xi32> to vector<16x1xi32>
      %gather3A_1222 = vector.shape_cast %broadcast_in_dim3A_1221 : vector<16x1xi32> to vector<16xi32>
      %gather3A_1223 = tpu.dynamic_gather %convert_element_type3A_96[%gather3A_1222] in [0] : vector<16xf32>, vector<16xi32> -> vector<16xf32>
      %broadcast_in_dim3A_1224 = vector.shape_cast %broadcast_in_dim3A_1220 : vector<16xi32> to vector<16x1xi32>
      %gather3A_1225 = vector.shape_cast %broadcast_in_dim3A_1224 : vector<16x1xi32> to vector<16xi32>
      %gather3A_1226 = tpu.dynamic_gather %convert_element_type3A_100[%gather3A_1225] in [0] : vector<16xf32>, vector<16xi32> -> vector<16xf32>
      %sub3A_1227 = arith.subi %sub3A_135, %broadcast_in_dim3A_1220 : vector<16xi32>
      %convert_element_type3A_1228 = arith.sitofp %sub3A_1227 : vector<16xi32> to vector<16xf32>
      %abs3A_1229 = math.absf %convert_element_type3A_1228 : vector<16xf32>
      %min3A_1230 = arith.constant 1.000000e+00 : f32
      %min3A_1231 = vector.broadcast %min3A_1230 : f32 to vector<16xf32>
      %min3A_1232 = arith.minimumf %abs3A_1229, %min3A_1231 : vector<16xf32>
      %sub3A_1233 = arith.constant 1.000000e+00 : f32
      %sub3A_1234 = vector.broadcast %sub3A_1233 : f32 to vector<16xf32>
      %sub3A_1235 = arith.subf %sub3A_1234, %min3A_1232 : vector<16xf32>
      %le3A_1236 = arith.constant 61 : i32
      %le3A_1237 = arith.cmpi sle, %and3A_1218, %le3A_1236 : i32
      %jit3A_1238 = arith.constant 9.900000e-01 : f32
      %jit3A_1239 = arith.constant 0.000000e+00 : f32
      %select_n3A_1240 = arith.select %le3A_1237, %jit3A_1238, %jit3A_1239 : f32
      %le3A_1241 = arith.constant 62 : i32
      %le3A_1242 = arith.cmpi sle, %and3A_1218, %le3A_1241 : i32
      %jit3A_1243 = arith.constant 1.000000e+00 : f32
      %jit3A_1244 = arith.constant 0.000000e+00 : f32
      %select_n3A_1245 = arith.select %le3A_1242, %jit3A_1243, %jit3A_1244 : f32
      %sub3A_1246 = arith.constant 1.000000e+00 : f32
      %sub3A_1247 = vector.broadcast %sub3A_1246 : f32 to vector<16xf32>
      %sub3A_1248 = arith.subf %sub3A_1247, %sub3A_1235 : vector<16xf32>
      %mul3A_1249 = vector.broadcast %select_n3A_1240 : f32 to vector<16xf32>
      %mul3A_1250 = arith.mulf %sub3A_1248, %mul3A_1249 : vector<16xf32>
      %get3A_1251 = arith.constant 6 : i32
      %get3A_1252 = arith.index_cast %get3A_1251 : i32 to index
      %get3A_1253 = arith.constant 0 : index
      %get3A_1254 = tpu.vector_load %arg13[%get3A_1252, %get3A_1253] {strides = array<i32>} : memref<16x128xf32, #tpu.memory_space<vmem>>, vector<1x16xf32>,
      %get3A_1255 = vector.shape_cast %get3A_1254 : vector<1x16xf32> to vector<16xf32>
      %get3A_1256 = arith.constant 6 : i32
      %get3A_1257 = arith.index_cast %get3A_1256 : i32 to index
      %get3A_1258 = arith.constant 64 : index
      %get3A_1259 = tpu.vector_load %arg13[%get3A_1257, %get3A_1258] {strides = array<i32>} : memref<16x128xf32, #tpu.memory_space<vmem>>, vector<1x16xf32>,
      %get3A_1260 = vector.shape_cast %get3A_1259 : vector<1x16xf32> to vector<16xf32>
      %sub3A_1261 = arith.subf %get3A_1260, %get3A_1255 : vector<16xf32>
      %mul3A_1262 = arith.mulf %gather3A_1223, %sub3A_1261 : vector<16xf32>
      %add3A_1263 = arith.addf %get3A_1255, %mul3A_1262 : vector<16xf32>
      %get3A_1264 = arith.constant 6 : i32
      %get3A_1265 = arith.index_cast %get3A_1264 : i32 to index
      %get3A_1266 = arith.constant 0 : index
      %get3A_1267 = tpu.vector_load %arg14[%get3A_1265, %get3A_1266] {strides = array<i32>} : memref<16x128xf32, #tpu.memory_space<vmem>>, vector<1x16xf32>,
      %get3A_1268 = vector.shape_cast %get3A_1267 : vector<1x16xf32> to vector<16xf32>
      %get3A_1269 = arith.constant 6 : i32
      %get3A_1270 = arith.index_cast %get3A_1269 : i32 to index
      %get3A_1271 = arith.constant 64 : index
      %get3A_1272 = tpu.vector_load %arg14[%get3A_1270, %get3A_1271] {strides = array<i32>} : memref<16x128xf32, #tpu.memory_space<vmem>>, vector<1x16xf32>,
      %get3A_1273 = vector.shape_cast %get3A_1272 : vector<1x16xf32> to vector<16xf32>
      %sub3A_1274 = arith.subf %get3A_1273, %get3A_1268 : vector<16xf32>
      %mul3A_1275 = arith.mulf %gather3A_1226, %sub3A_1274 : vector<16xf32>
      %add3A_1276 = arith.addf %get3A_1268, %mul3A_1275 : vector<16xf32>
      %mul3A_1277 = arith.mulf %sub3A_1235, %add3A_149 : vector<16xf32>
      %mul3A_1278 = arith.mulf %mul3A_1250, %add3A_1276 : vector<16xf32>
      %add3A_1279 = arith.addf %mul3A_1277, %mul3A_1278 : vector<16xf32>
      %sub3A_1280 = arith.subf %add3A_1263, %add3A_1279 : vector<16xf32>
      %mul3A_1281 = arith.mulf %sub3A_1280, %sub3A_1280 : vector<16xf32>
      %mul3A_1282 = vector.broadcast %select_n3A_1245 : f32 to vector<16xf32>
      %mul3A_1283 = arith.mulf %mul3A_1282, %mul3A_1281 : vector<16xf32>
      %add3A_1284 = arith.addf %add3A_1214, %mul3A_1283 : vector<16xf32>
      %get3A_1285 = arith.constant 6 : i32
      %get3A_1286 = arith.index_cast %get3A_1285 : i32 to index
      %get3A_1287 = arith.constant 16 : index
      %get3A_1288 = tpu.vector_load %arg13[%get3A_1286, %get3A_1287] {strides = array<i32>} : memref<16x128xf32, #tpu.memory_space<vmem>>, vector<1x16xf32>,
      %get3A_1289 = vector.shape_cast %get3A_1288 : vector<1x16xf32> to vector<16xf32>
      %get3A_1290 = arith.constant 6 : i32
      %get3A_1291 = arith.index_cast %get3A_1290 : i32 to index
      %get3A_1292 = arith.constant 80 : index
      %get3A_1293 = tpu.vector_load %arg13[%get3A_1291, %get3A_1292] {strides = array<i32>} : memref<16x128xf32, #tpu.memory_space<vmem>>, vector<1x16xf32>,
      %get3A_1294 = vector.shape_cast %get3A_1293 : vector<1x16xf32> to vector<16xf32>
      %sub3A_1295 = arith.subf %get3A_1294, %get3A_1289 : vector<16xf32>
      %mul3A_1296 = arith.mulf %gather3A_1223, %sub3A_1295 : vector<16xf32>
      %add3A_1297 = arith.addf %get3A_1289, %mul3A_1296 : vector<16xf32>
      %get3A_1298 = arith.constant 6 : i32
      %get3A_1299 = arith.index_cast %get3A_1298 : i32 to index
      %get3A_1300 = arith.constant 16 : index
      %get3A_1301 = tpu.vector_load %arg14[%get3A_1299, %get3A_1300] {strides = array<i32>} : memref<16x128xf32, #tpu.memory_space<vmem>>, vector<1x16xf32>,
      %get3A_1302 = vector.shape_cast %get3A_1301 : vector<1x16xf32> to vector<16xf32>
      %get3A_1303 = arith.constant 6 : i32
      %get3A_1304 = arith.index_cast %get3A_1303 : i32 to index
      %get3A_1305 = arith.constant 80 : index
      %get3A_1306 = tpu.vector_load %arg14[%get3A_1304, %get3A_1305] {strides = array<i32>} : memref<16x128xf32, #tpu.memory_space<vmem>>, vector<1x16xf32>,
      %get3A_1307 = vector.shape_cast %get3A_1306 : vector<1x16xf32> to vector<16xf32>
      %sub3A_1308 = arith.subf %get3A_1307, %get3A_1302 : vector<16xf32>
      %mul3A_1309 = arith.mulf %gather3A_1226, %sub3A_1308 : vector<16xf32>
      %add3A_1310 = arith.addf %get3A_1302, %mul3A_1309 : vector<16xf32>
      %mul3A_1311 = arith.mulf %sub3A_1235, %add3A_160 : vector<16xf32>
      %mul3A_1312 = arith.mulf %mul3A_1250, %add3A_1310 : vector<16xf32>
      %add3A_1313 = arith.addf %mul3A_1311, %mul3A_1312 : vector<16xf32>
      %sub3A_1314 = arith.subf %add3A_1297, %add3A_1313 : vector<16xf32>
      %mul3A_1315 = arith.mulf %sub3A_1314, %sub3A_1314 : vector<16xf32>
      %mul3A_1316 = vector.broadcast %select_n3A_1245 : f32 to vector<16xf32>
      %mul3A_1317 = arith.mulf %mul3A_1316, %mul3A_1315 : vector<16xf32>
      %add3A_1318 = arith.addf %add3A_1284, %mul3A_1317 : vector<16xf32>
      %get3A_1319 = arith.constant 6 : i32
      %get3A_1320 = arith.index_cast %get3A_1319 : i32 to index
      %get3A_1321 = arith.constant 32 : index
      %get3A_1322 = tpu.vector_load %arg13[%get3A_1320, %get3A_1321] {strides = array<i32>} : memref<16x128xf32, #tpu.memory_space<vmem>>, vector<1x16xf32>,
      %get3A_1323 = vector.shape_cast %get3A_1322 : vector<1x16xf32> to vector<16xf32>
      %get3A_1324 = arith.constant 6 : i32
      %get3A_1325 = arith.index_cast %get3A_1324 : i32 to index
      %get3A_1326 = arith.constant 96 : index
      %get3A_1327 = tpu.vector_load %arg13[%get3A_1325, %get3A_1326] {strides = array<i32>} : memref<16x128xf32, #tpu.memory_space<vmem>>, vector<1x16xf32>,
      %get3A_1328 = vector.shape_cast %get3A_1327 : vector<1x16xf32> to vector<16xf32>
      %sub3A_1329 = arith.subf %get3A_1328, %get3A_1323 : vector<16xf32>
      %mul3A_1330 = arith.mulf %gather3A_1223, %sub3A_1329 : vector<16xf32>
      %add3A_1331 = arith.addf %get3A_1323, %mul3A_1330 : vector<16xf32>
      %get3A_1332 = arith.constant 6 : i32
      %get3A_1333 = arith.index_cast %get3A_1332 : i32 to index
      %get3A_1334 = arith.constant 32 : index
      %get3A_1335 = tpu.vector_load %arg14[%get3A_1333, %get3A_1334] {strides = array<i32>} : memref<16x128xf32, #tpu.memory_space<vmem>>, vector<1x16xf32>,
      %get3A_1336 = vector.shape_cast %get3A_1335 : vector<1x16xf32> to vector<16xf32>
      %get3A_1337 = arith.constant 6 : i32
      %get3A_1338 = arith.index_cast %get3A_1337 : i32 to index
      %get3A_1339 = arith.constant 96 : index
      %get3A_1340 = tpu.vector_load %arg14[%get3A_1338, %get3A_1339] {strides = array<i32>} : memref<16x128xf32, #tpu.memory_space<vmem>>, vector<1x16xf32>,
      %get3A_1341 = vector.shape_cast %get3A_1340 : vector<1x16xf32> to vector<16xf32>
      %sub3A_1342 = arith.subf %get3A_1341, %get3A_1336 : vector<16xf32>
      %mul3A_1343 = arith.mulf %gather3A_1226, %sub3A_1342 : vector<16xf32>
      %add3A_1344 = arith.addf %get3A_1336, %mul3A_1343 : vector<16xf32>
      %mul3A_1345 = arith.mulf %sub3A_1235, %add3A_171 : vector<16xf32>
      %mul3A_1346 = arith.mulf %mul3A_1250, %add3A_1344 : vector<16xf32>
      %add3A_1347 = arith.addf %mul3A_1345, %mul3A_1346 : vector<16xf32>
      %sub3A_1348 = arith.subf %add3A_1331, %add3A_1347 : vector<16xf32>
      %mul3A_1349 = arith.mulf %sub3A_1348, %sub3A_1348 : vector<16xf32>
      %mul3A_1350 = vector.broadcast %select_n3A_1245 : f32 to vector<16xf32>
      %mul3A_1351 = arith.mulf %mul3A_1350, %mul3A_1349 : vector<16xf32>
      %add3A_1352 = arith.addf %add3A_1318, %mul3A_1351 : vector<16xf32>
      %get3A_1353 = arith.constant 6 : i32
      %get3A_1354 = arith.index_cast %get3A_1353 : i32 to index
      %get3A_1355 = arith.constant 48 : index
      %get3A_1356 = tpu.vector_load %arg13[%get3A_1354, %get3A_1355] {strides = array<i32>} : memref<16x128xf32, #tpu.memory_space<vmem>>, vector<1x16xf32>,
      %get3A_1357 = vector.shape_cast %get3A_1356 : vector<1x16xf32> to vector<16xf32>
      %get3A_1358 = arith.constant 6 : i32
      %get3A_1359 = arith.index_cast %get3A_1358 : i32 to index
      %get3A_1360 = arith.constant 112 : index
      %get3A_1361 = tpu.vector_load %arg13[%get3A_1359, %get3A_1360] {strides = array<i32>} : memref<16x128xf32, #tpu.memory_space<vmem>>, vector<1x16xf32>,
      %get3A_1362 = vector.shape_cast %get3A_1361 : vector<1x16xf32> to vector<16xf32>
      %sub3A_1363 = arith.subf %get3A_1362, %get3A_1357 : vector<16xf32>
      %mul3A_1364 = arith.mulf %gather3A_1223, %sub3A_1363 : vector<16xf32>
      %add3A_1365 = arith.addf %get3A_1357, %mul3A_1364 : vector<16xf32>
      %get3A_1366 = arith.constant 6 : i32
      %get3A_1367 = arith.index_cast %get3A_1366 : i32 to index
      %get3A_1368 = arith.constant 48 : index
      %get3A_1369 = tpu.vector_load %arg14[%get3A_1367, %get3A_1368] {strides = array<i32>} : memref<16x128xf32, #tpu.memory_space<vmem>>, vector<1x16xf32>,
      %get3A_1370 = vector.shape_cast %get3A_1369 : vector<1x16xf32> to vector<16xf32>
      %get3A_1371 = arith.constant 6 : i32
      %get3A_1372 = arith.index_cast %get3A_1371 : i32 to index
      %get3A_1373 = arith.constant 112 : index
      %get3A_1374 = tpu.vector_load %arg14[%get3A_1372, %get3A_1373] {strides = array<i32>} : memref<16x128xf32, #tpu.memory_space<vmem>>, vector<1x16xf32>,
      %get3A_1375 = vector.shape_cast %get3A_1374 : vector<1x16xf32> to vector<16xf32>
      %sub3A_1376 = arith.subf %get3A_1375, %get3A_1370 : vector<16xf32>
      %mul3A_1377 = arith.mulf %gather3A_1226, %sub3A_1376 : vector<16xf32>
      %add3A_1378 = arith.addf %get3A_1370, %mul3A_1377 : vector<16xf32>
      %mul3A_1379 = arith.mulf %sub3A_1235, %add3A_182 : vector<16xf32>
      %mul3A_1380 = arith.mulf %mul3A_1250, %add3A_1378 : vector<16xf32>
      %add3A_1381 = arith.addf %mul3A_1379, %mul3A_1380 : vector<16xf32>
      %sub3A_1382 = arith.subf %add3A_1365, %add3A_1381 : vector<16xf32>
      %mul3A_1383 = arith.mulf %sub3A_1382, %sub3A_1382 : vector<16xf32>
      %mul3A_1384 = vector.broadcast %select_n3A_1245 : f32 to vector<16xf32>
      %mul3A_1385 = arith.mulf %mul3A_1384, %mul3A_1383 : vector<16xf32>
      %add3A_1386 = arith.addf %add3A_1352, %mul3A_1385 : vector<16xf32>
      %add3A_1387 = arith.constant 7 : i32
      %add3A_1388 = arith.addi %mul3A_2, %add3A_1387 : i32
      %and3A_1389 = arith.constant 63 : i32
      %and3A_1390 = arith.andi %add3A_1388, %and3A_1389 : i32
      %broadcast_in_dim3A_1391 = arith.constant 7 : i32
      %broadcast_in_dim3A_1392 = vector.broadcast %broadcast_in_dim3A_1391 : i32 to vector<16xi32>
      %broadcast_in_dim3A_1393 = vector.shape_cast %broadcast_in_dim3A_1392 : vector<16xi32> to vector<16x1xi32>
      %gather3A_1394 = vector.shape_cast %broadcast_in_dim3A_1393 : vector<16x1xi32> to vector<16xi32>
      %gather3A_1395 = tpu.dynamic_gather %convert_element_type3A_96[%gather3A_1394] in [0] : vector<16xf32>, vector<16xi32> -> vector<16xf32>
      %broadcast_in_dim3A_1396 = vector.shape_cast %broadcast_in_dim3A_1392 : vector<16xi32> to vector<16x1xi32>
      %gather3A_1397 = vector.shape_cast %broadcast_in_dim3A_1396 : vector<16x1xi32> to vector<16xi32>
      %gather3A_1398 = tpu.dynamic_gather %convert_element_type3A_100[%gather3A_1397] in [0] : vector<16xf32>, vector<16xi32> -> vector<16xf32>
      %sub3A_1399 = arith.subi %sub3A_135, %broadcast_in_dim3A_1392 : vector<16xi32>
      %convert_element_type3A_1400 = arith.sitofp %sub3A_1399 : vector<16xi32> to vector<16xf32>
      %abs3A_1401 = math.absf %convert_element_type3A_1400 : vector<16xf32>
      %min3A_1402 = arith.constant 1.000000e+00 : f32
      %min3A_1403 = vector.broadcast %min3A_1402 : f32 to vector<16xf32>
      %min3A_1404 = arith.minimumf %abs3A_1401, %min3A_1403 : vector<16xf32>
      %sub3A_1405 = arith.constant 1.000000e+00 : f32
      %sub3A_1406 = vector.broadcast %sub3A_1405 : f32 to vector<16xf32>
      %sub3A_1407 = arith.subf %sub3A_1406, %min3A_1404 : vector<16xf32>
      %le3A_1408 = arith.constant 61 : i32
      %le3A_1409 = arith.cmpi sle, %and3A_1390, %le3A_1408 : i32
      %jit3A_1410 = arith.constant 9.900000e-01 : f32
      %jit3A_1411 = arith.constant 0.000000e+00 : f32
      %select_n3A_1412 = arith.select %le3A_1409, %jit3A_1410, %jit3A_1411 : f32
      %le3A_1413 = arith.constant 62 : i32
      %le3A_1414 = arith.cmpi sle, %and3A_1390, %le3A_1413 : i32
      %jit3A_1415 = arith.constant 1.000000e+00 : f32
      %jit3A_1416 = arith.constant 0.000000e+00 : f32
      %select_n3A_1417 = arith.select %le3A_1414, %jit3A_1415, %jit3A_1416 : f32
      %sub3A_1418 = arith.constant 1.000000e+00 : f32
      %sub3A_1419 = vector.broadcast %sub3A_1418 : f32 to vector<16xf32>
      %sub3A_1420 = arith.subf %sub3A_1419, %sub3A_1407 : vector<16xf32>
      %mul3A_1421 = vector.broadcast %select_n3A_1412 : f32 to vector<16xf32>
      %mul3A_1422 = arith.mulf %sub3A_1420, %mul3A_1421 : vector<16xf32>
      %get3A_1423 = arith.constant 7 : i32
      %get3A_1424 = arith.index_cast %get3A_1423 : i32 to index
      %get3A_1425 = arith.constant 0 : index
      %get3A_1426 = tpu.vector_load %arg13[%get3A_1424, %get3A_1425] {strides = array<i32>} : memref<16x128xf32, #tpu.memory_space<vmem>>, vector<1x16xf32>,
      %get3A_1427 = vector.shape_cast %get3A_1426 : vector<1x16xf32> to vector<16xf32>
      %get3A_1428 = arith.constant 7 : i32
      %get3A_1429 = arith.index_cast %get3A_1428 : i32 to index
      %get3A_1430 = arith.constant 64 : index
      %get3A_1431 = tpu.vector_load %arg13[%get3A_1429, %get3A_1430] {strides = array<i32>} : memref<16x128xf32, #tpu.memory_space<vmem>>, vector<1x16xf32>,
      %get3A_1432 = vector.shape_cast %get3A_1431 : vector<1x16xf32> to vector<16xf32>
      %sub3A_1433 = arith.subf %get3A_1432, %get3A_1427 : vector<16xf32>
      %mul3A_1434 = arith.mulf %gather3A_1395, %sub3A_1433 : vector<16xf32>
      %add3A_1435 = arith.addf %get3A_1427, %mul3A_1434 : vector<16xf32>
      %get3A_1436 = arith.constant 7 : i32
      %get3A_1437 = arith.index_cast %get3A_1436 : i32 to index
      %get3A_1438 = arith.constant 0 : index
      %get3A_1439 = tpu.vector_load %arg14[%get3A_1437, %get3A_1438] {strides = array<i32>} : memref<16x128xf32, #tpu.memory_space<vmem>>, vector<1x16xf32>,
      %get3A_1440 = vector.shape_cast %get3A_1439 : vector<1x16xf32> to vector<16xf32>
      %get3A_1441 = arith.constant 7 : i32
      %get3A_1442 = arith.index_cast %get3A_1441 : i32 to index
      %get3A_1443 = arith.constant 64 : index
      %get3A_1444 = tpu.vector_load %arg14[%get3A_1442, %get3A_1443] {strides = array<i32>} : memref<16x128xf32, #tpu.memory_space<vmem>>, vector<1x16xf32>,
      %get3A_1445 = vector.shape_cast %get3A_1444 : vector<1x16xf32> to vector<16xf32>
      %sub3A_1446 = arith.subf %get3A_1445, %get3A_1440 : vector<16xf32>
      %mul3A_1447 = arith.mulf %gather3A_1398, %sub3A_1446 : vector<16xf32>
      %add3A_1448 = arith.addf %get3A_1440, %mul3A_1447 : vector<16xf32>
      %mul3A_1449 = arith.mulf %sub3A_1407, %add3A_149 : vector<16xf32>
      %mul3A_1450 = arith.mulf %mul3A_1422, %add3A_1448 : vector<16xf32>
      %add3A_1451 = arith.addf %mul3A_1449, %mul3A_1450 : vector<16xf32>
      %sub3A_1452 = arith.subf %add3A_1435, %add3A_1451 : vector<16xf32>
      %mul3A_1453 = arith.mulf %sub3A_1452, %sub3A_1452 : vector<16xf32>
      %mul3A_1454 = vector.broadcast %select_n3A_1417 : f32 to vector<16xf32>
      %mul3A_1455 = arith.mulf %mul3A_1454, %mul3A_1453 : vector<16xf32>
      %add3A_1456 = arith.addf %add3A_1386, %mul3A_1455 : vector<16xf32>
      %get3A_1457 = arith.constant 7 : i32
      %get3A_1458 = arith.index_cast %get3A_1457 : i32 to index
      %get3A_1459 = arith.constant 16 : index
      %get3A_1460 = tpu.vector_load %arg13[%get3A_1458, %get3A_1459] {strides = array<i32>} : memref<16x128xf32, #tpu.memory_space<vmem>>, vector<1x16xf32>,
      %get3A_1461 = vector.shape_cast %get3A_1460 : vector<1x16xf32> to vector<16xf32>
      %get3A_1462 = arith.constant 7 : i32
      %get3A_1463 = arith.index_cast %get3A_1462 : i32 to index
      %get3A_1464 = arith.constant 80 : index
      %get3A_1465 = tpu.vector_load %arg13[%get3A_1463, %get3A_1464] {strides = array<i32>} : memref<16x128xf32, #tpu.memory_space<vmem>>, vector<1x16xf32>,
      %get3A_1466 = vector.shape_cast %get3A_1465 : vector<1x16xf32> to vector<16xf32>
      %sub3A_1467 = arith.subf %get3A_1466, %get3A_1461 : vector<16xf32>
      %mul3A_1468 = arith.mulf %gather3A_1395, %sub3A_1467 : vector<16xf32>
      %add3A_1469 = arith.addf %get3A_1461, %mul3A_1468 : vector<16xf32>
      %get3A_1470 = arith.constant 7 : i32
      %get3A_1471 = arith.index_cast %get3A_1470 : i32 to index
      %get3A_1472 = arith.constant 16 : index
      %get3A_1473 = tpu.vector_load %arg14[%get3A_1471, %get3A_1472] {strides = array<i32>} : memref<16x128xf32, #tpu.memory_space<vmem>>, vector<1x16xf32>,
      %get3A_1474 = vector.shape_cast %get3A_1473 : vector<1x16xf32> to vector<16xf32>
      %get3A_1475 = arith.constant 7 : i32
      %get3A_1476 = arith.index_cast %get3A_1475 : i32 to index
      %get3A_1477 = arith.constant 80 : index
      %get3A_1478 = tpu.vector_load %arg14[%get3A_1476, %get3A_1477] {strides = array<i32>} : memref<16x128xf32, #tpu.memory_space<vmem>>, vector<1x16xf32>,
      %get3A_1479 = vector.shape_cast %get3A_1478 : vector<1x16xf32> to vector<16xf32>
      %sub3A_1480 = arith.subf %get3A_1479, %get3A_1474 : vector<16xf32>
      %mul3A_1481 = arith.mulf %gather3A_1398, %sub3A_1480 : vector<16xf32>
      %add3A_1482 = arith.addf %get3A_1474, %mul3A_1481 : vector<16xf32>
      %mul3A_1483 = arith.mulf %sub3A_1407, %add3A_160 : vector<16xf32>
      %mul3A_1484 = arith.mulf %mul3A_1422, %add3A_1482 : vector<16xf32>
      %add3A_1485 = arith.addf %mul3A_1483, %mul3A_1484 : vector<16xf32>
      %sub3A_1486 = arith.subf %add3A_1469, %add3A_1485 : vector<16xf32>
      %mul3A_1487 = arith.mulf %sub3A_1486, %sub3A_1486 : vector<16xf32>
      %mul3A_1488 = vector.broadcast %select_n3A_1417 : f32 to vector<16xf32>
      %mul3A_1489 = arith.mulf %mul3A_1488, %mul3A_1487 : vector<16xf32>
      %add3A_1490 = arith.addf %add3A_1456, %mul3A_1489 : vector<16xf32>
      %get3A_1491 = arith.constant 7 : i32
      %get3A_1492 = arith.index_cast %get3A_1491 : i32 to index
      %get3A_1493 = arith.constant 32 : index
      %get3A_1494 = tpu.vector_load %arg13[%get3A_1492, %get3A_1493] {strides = array<i32>} : memref<16x128xf32, #tpu.memory_space<vmem>>, vector<1x16xf32>,
      %get3A_1495 = vector.shape_cast %get3A_1494 : vector<1x16xf32> to vector<16xf32>
      %get3A_1496 = arith.constant 7 : i32
      %get3A_1497 = arith.index_cast %get3A_1496 : i32 to index
      %get3A_1498 = arith.constant 96 : index
      %get3A_1499 = tpu.vector_load %arg13[%get3A_1497, %get3A_1498] {strides = array<i32>} : memref<16x128xf32, #tpu.memory_space<vmem>>, vector<1x16xf32>,
      %get3A_1500 = vector.shape_cast %get3A_1499 : vector<1x16xf32> to vector<16xf32>
      %sub3A_1501 = arith.subf %get3A_1500, %get3A_1495 : vector<16xf32>
      %mul3A_1502 = arith.mulf %gather3A_1395, %sub3A_1501 : vector<16xf32>
      %add3A_1503 = arith.addf %get3A_1495, %mul3A_1502 : vector<16xf32>
      %get3A_1504 = arith.constant 7 : i32
      %get3A_1505 = arith.index_cast %get3A_1504 : i32 to index
      %get3A_1506 = arith.constant 32 : index
      %get3A_1507 = tpu.vector_load %arg14[%get3A_1505, %get3A_1506] {strides = array<i32>} : memref<16x128xf32, #tpu.memory_space<vmem>>, vector<1x16xf32>,
      %get3A_1508 = vector.shape_cast %get3A_1507 : vector<1x16xf32> to vector<16xf32>
      %get3A_1509 = arith.constant 7 : i32
      %get3A_1510 = arith.index_cast %get3A_1509 : i32 to index
      %get3A_1511 = arith.constant 96 : index
      %get3A_1512 = tpu.vector_load %arg14[%get3A_1510, %get3A_1511] {strides = array<i32>} : memref<16x128xf32, #tpu.memory_space<vmem>>, vector<1x16xf32>,
      %get3A_1513 = vector.shape_cast %get3A_1512 : vector<1x16xf32> to vector<16xf32>
      %sub3A_1514 = arith.subf %get3A_1513, %get3A_1508 : vector<16xf32>
      %mul3A_1515 = arith.mulf %gather3A_1398, %sub3A_1514 : vector<16xf32>
      %add3A_1516 = arith.addf %get3A_1508, %mul3A_1515 : vector<16xf32>
      %mul3A_1517 = arith.mulf %sub3A_1407, %add3A_171 : vector<16xf32>
      %mul3A_1518 = arith.mulf %mul3A_1422, %add3A_1516 : vector<16xf32>
      %add3A_1519 = arith.addf %mul3A_1517, %mul3A_1518 : vector<16xf32>
      %sub3A_1520 = arith.subf %add3A_1503, %add3A_1519 : vector<16xf32>
      %mul3A_1521 = arith.mulf %sub3A_1520, %sub3A_1520 : vector<16xf32>
      %mul3A_1522 = vector.broadcast %select_n3A_1417 : f32 to vector<16xf32>
      %mul3A_1523 = arith.mulf %mul3A_1522, %mul3A_1521 : vector<16xf32>
      %add3A_1524 = arith.addf %add3A_1490, %mul3A_1523 : vector<16xf32>
      %get3A_1525 = arith.constant 7 : i32
      %get3A_1526 = arith.index_cast %get3A_1525 : i32 to index
      %get3A_1527 = arith.constant 48 : index
      %get3A_1528 = tpu.vector_load %arg13[%get3A_1526, %get3A_1527] {strides = array<i32>} : memref<16x128xf32, #tpu.memory_space<vmem>>, vector<1x16xf32>,
      %get3A_1529 = vector.shape_cast %get3A_1528 : vector<1x16xf32> to vector<16xf32>
      %get3A_1530 = arith.constant 7 : i32
      %get3A_1531 = arith.index_cast %get3A_1530 : i32 to index
      %get3A_1532 = arith.constant 112 : index
      %get3A_1533 = tpu.vector_load %arg13[%get3A_1531, %get3A_1532] {strides = array<i32>} : memref<16x128xf32, #tpu.memory_space<vmem>>, vector<1x16xf32>,
      %get3A_1534 = vector.shape_cast %get3A_1533 : vector<1x16xf32> to vector<16xf32>
      %sub3A_1535 = arith.subf %get3A_1534, %get3A_1529 : vector<16xf32>
      %mul3A_1536 = arith.mulf %gather3A_1395, %sub3A_1535 : vector<16xf32>
      %add3A_1537 = arith.addf %get3A_1529, %mul3A_1536 : vector<16xf32>
      %get3A_1538 = arith.constant 7 : i32
      %get3A_1539 = arith.index_cast %get3A_1538 : i32 to index
      %get3A_1540 = arith.constant 48 : index
      %get3A_1541 = tpu.vector_load %arg14[%get3A_1539, %get3A_1540] {strides = array<i32>} : memref<16x128xf32, #tpu.memory_space<vmem>>, vector<1x16xf32>,
      %get3A_1542 = vector.shape_cast %get3A_1541 : vector<1x16xf32> to vector<16xf32>
      %get3A_1543 = arith.constant 7 : i32
      %get3A_1544 = arith.index_cast %get3A_1543 : i32 to index
      %get3A_1545 = arith.constant 112 : index
      %get3A_1546 = tpu.vector_load %arg14[%get3A_1544, %get3A_1545] {strides = array<i32>} : memref<16x128xf32, #tpu.memory_space<vmem>>, vector<1x16xf32>,
      %get3A_1547 = vector.shape_cast %get3A_1546 : vector<1x16xf32> to vector<16xf32>
      %sub3A_1548 = arith.subf %get3A_1547, %get3A_1542 : vector<16xf32>
      %mul3A_1549 = arith.mulf %gather3A_1398, %sub3A_1548 : vector<16xf32>
      %add3A_1550 = arith.addf %get3A_1542, %mul3A_1549 : vector<16xf32>
      %mul3A_1551 = arith.mulf %sub3A_1407, %add3A_182 : vector<16xf32>
      %mul3A_1552 = arith.mulf %mul3A_1422, %add3A_1550 : vector<16xf32>
      %add3A_1553 = arith.addf %mul3A_1551, %mul3A_1552 : vector<16xf32>
      %sub3A_1554 = arith.subf %add3A_1537, %add3A_1553 : vector<16xf32>
      %mul3A_1555 = arith.mulf %sub3A_1554, %sub3A_1554 : vector<16xf32>
      %mul3A_1556 = vector.broadcast %select_n3A_1417 : f32 to vector<16xf32>
      %mul3A_1557 = arith.mulf %mul3A_1556, %mul3A_1555 : vector<16xf32>
      %add3A_1558 = arith.addf %add3A_1524, %mul3A_1557 : vector<16xf32>
      %add3A_1559 = arith.constant 8 : i32
      %add3A_1560 = arith.addi %mul3A_2, %add3A_1559 : i32
      %and3A_1561 = arith.constant 63 : i32
      %and3A_1562 = arith.andi %add3A_1560, %and3A_1561 : i32
      %broadcast_in_dim3A_1563 = arith.constant 8 : i32
      %broadcast_in_dim3A_1564 = vector.broadcast %broadcast_in_dim3A_1563 : i32 to vector<16xi32>
      %broadcast_in_dim3A_1565 = vector.shape_cast %broadcast_in_dim3A_1564 : vector<16xi32> to vector<16x1xi32>
      %gather3A_1566 = vector.shape_cast %broadcast_in_dim3A_1565 : vector<16x1xi32> to vector<16xi32>
      %gather3A_1567 = tpu.dynamic_gather %convert_element_type3A_96[%gather3A_1566] in [0] : vector<16xf32>, vector<16xi32> -> vector<16xf32>
      %broadcast_in_dim3A_1568 = vector.shape_cast %broadcast_in_dim3A_1564 : vector<16xi32> to vector<16x1xi32>
      %gather3A_1569 = vector.shape_cast %broadcast_in_dim3A_1568 : vector<16x1xi32> to vector<16xi32>
      %gather3A_1570 = tpu.dynamic_gather %convert_element_type3A_100[%gather3A_1569] in [0] : vector<16xf32>, vector<16xi32> -> vector<16xf32>
      %sub3A_1571 = arith.subi %sub3A_135, %broadcast_in_dim3A_1564 : vector<16xi32>
      %convert_element_type3A_1572 = arith.sitofp %sub3A_1571 : vector<16xi32> to vector<16xf32>
      %abs3A_1573 = math.absf %convert_element_type3A_1572 : vector<16xf32>
      %min3A_1574 = arith.constant 1.000000e+00 : f32
      %min3A_1575 = vector.broadcast %min3A_1574 : f32 to vector<16xf32>
      %min3A_1576 = arith.minimumf %abs3A_1573, %min3A_1575 : vector<16xf32>
      %sub3A_1577 = arith.constant 1.000000e+00 : f32
      %sub3A_1578 = vector.broadcast %sub3A_1577 : f32 to vector<16xf32>
      %sub3A_1579 = arith.subf %sub3A_1578, %min3A_1576 : vector<16xf32>
      %le3A_1580 = arith.constant 61 : i32
      %le3A_1581 = arith.cmpi sle, %and3A_1562, %le3A_1580 : i32
      %jit3A_1582 = arith.constant 9.900000e-01 : f32
      %jit3A_1583 = arith.constant 0.000000e+00 : f32
      %select_n3A_1584 = arith.select %le3A_1581, %jit3A_1582, %jit3A_1583 : f32
      %le3A_1585 = arith.constant 62 : i32
      %le3A_1586 = arith.cmpi sle, %and3A_1562, %le3A_1585 : i32
      %jit3A_1587 = arith.constant 1.000000e+00 : f32
      %jit3A_1588 = arith.constant 0.000000e+00 : f32
      %select_n3A_1589 = arith.select %le3A_1586, %jit3A_1587, %jit3A_1588 : f32
      %sub3A_1590 = arith.constant 1.000000e+00 : f32
      %sub3A_1591 = vector.broadcast %sub3A_1590 : f32 to vector<16xf32>
      %sub3A_1592 = arith.subf %sub3A_1591, %sub3A_1579 : vector<16xf32>
      %mul3A_1593 = vector.broadcast %select_n3A_1584 : f32 to vector<16xf32>
      %mul3A_1594 = arith.mulf %sub3A_1592, %mul3A_1593 : vector<16xf32>
      %get3A_1595 = arith.constant 8 : i32
      %get3A_1596 = arith.index_cast %get3A_1595 : i32 to index
      %get3A_1597 = arith.constant 0 : index
      %get3A_1598 = tpu.vector_load %arg13[%get3A_1596, %get3A_1597] {strides = array<i32>} : memref<16x128xf32, #tpu.memory_space<vmem>>, vector<1x16xf32>,
      %get3A_1599 = vector.shape_cast %get3A_1598 : vector<1x16xf32> to vector<16xf32>
      %get3A_1600 = arith.constant 8 : i32
      %get3A_1601 = arith.index_cast %get3A_1600 : i32 to index
      %get3A_1602 = arith.constant 64 : index
      %get3A_1603 = tpu.vector_load %arg13[%get3A_1601, %get3A_1602] {strides = array<i32>} : memref<16x128xf32, #tpu.memory_space<vmem>>, vector<1x16xf32>,
      %get3A_1604 = vector.shape_cast %get3A_1603 : vector<1x16xf32> to vector<16xf32>
      %sub3A_1605 = arith.subf %get3A_1604, %get3A_1599 : vector<16xf32>
      %mul3A_1606 = arith.mulf %gather3A_1567, %sub3A_1605 : vector<16xf32>
      %add3A_1607 = arith.addf %get3A_1599, %mul3A_1606 : vector<16xf32>
      %get3A_1608 = arith.constant 8 : i32
      %get3A_1609 = arith.index_cast %get3A_1608 : i32 to index
      %get3A_1610 = arith.constant 0 : index
      %get3A_1611 = tpu.vector_load %arg14[%get3A_1609, %get3A_1610] {strides = array<i32>} : memref<16x128xf32, #tpu.memory_space<vmem>>, vector<1x16xf32>,
      %get3A_1612 = vector.shape_cast %get3A_1611 : vector<1x16xf32> to vector<16xf32>
      %get3A_1613 = arith.constant 8 : i32
      %get3A_1614 = arith.index_cast %get3A_1613 : i32 to index
      %get3A_1615 = arith.constant 64 : index
      %get3A_1616 = tpu.vector_load %arg14[%get3A_1614, %get3A_1615] {strides = array<i32>} : memref<16x128xf32, #tpu.memory_space<vmem>>, vector<1x16xf32>,
      %get3A_1617 = vector.shape_cast %get3A_1616 : vector<1x16xf32> to vector<16xf32>
      %sub3A_1618 = arith.subf %get3A_1617, %get3A_1612 : vector<16xf32>
      %mul3A_1619 = arith.mulf %gather3A_1570, %sub3A_1618 : vector<16xf32>
      %add3A_1620 = arith.addf %get3A_1612, %mul3A_1619 : vector<16xf32>
      %mul3A_1621 = arith.mulf %sub3A_1579, %add3A_149 : vector<16xf32>
      %mul3A_1622 = arith.mulf %mul3A_1594, %add3A_1620 : vector<16xf32>
      %add3A_1623 = arith.addf %mul3A_1621, %mul3A_1622 : vector<16xf32>
      %sub3A_1624 = arith.subf %add3A_1607, %add3A_1623 : vector<16xf32>
      %mul3A_1625 = arith.mulf %sub3A_1624, %sub3A_1624 : vector<16xf32>
      %mul3A_1626 = vector.broadcast %select_n3A_1589 : f32 to vector<16xf32>
      %mul3A_1627 = arith.mulf %mul3A_1626, %mul3A_1625 : vector<16xf32>
      %add3A_1628 = arith.addf %add3A_1558, %mul3A_1627 : vector<16xf32>
      %get3A_1629 = arith.constant 8 : i32
      %get3A_1630 = arith.index_cast %get3A_1629 : i32 to index
      %get3A_1631 = arith.constant 16 : index
      %get3A_1632 = tpu.vector_load %arg13[%get3A_1630, %get3A_1631] {strides = array<i32>} : memref<16x128xf32, #tpu.memory_space<vmem>>, vector<1x16xf32>,
      %get3A_1633 = vector.shape_cast %get3A_1632 : vector<1x16xf32> to vector<16xf32>
      %get3A_1634 = arith.constant 8 : i32
      %get3A_1635 = arith.index_cast %get3A_1634 : i32 to index
      %get3A_1636 = arith.constant 80 : index
      %get3A_1637 = tpu.vector_load %arg13[%get3A_1635, %get3A_1636] {strides = array<i32>} : memref<16x128xf32, #tpu.memory_space<vmem>>, vector<1x16xf32>,
      %get3A_1638 = vector.shape_cast %get3A_1637 : vector<1x16xf32> to vector<16xf32>
      %sub3A_1639 = arith.subf %get3A_1638, %get3A_1633 : vector<16xf32>
      %mul3A_1640 = arith.mulf %gather3A_1567, %sub3A_1639 : vector<16xf32>
      %add3A_1641 = arith.addf %get3A_1633, %mul3A_1640 : vector<16xf32>
      %get3A_1642 = arith.constant 8 : i32
      %get3A_1643 = arith.index_cast %get3A_1642 : i32 to index
      %get3A_1644 = arith.constant 16 : index
      %get3A_1645 = tpu.vector_load %arg14[%get3A_1643, %get3A_1644] {strides = array<i32>} : memref<16x128xf32, #tpu.memory_space<vmem>>, vector<1x16xf32>,
      %get3A_1646 = vector.shape_cast %get3A_1645 : vector<1x16xf32> to vector<16xf32>
      %get3A_1647 = arith.constant 8 : i32
      %get3A_1648 = arith.index_cast %get3A_1647 : i32 to index
      %get3A_1649 = arith.constant 80 : index
      %get3A_1650 = tpu.vector_load %arg14[%get3A_1648, %get3A_1649] {strides = array<i32>} : memref<16x128xf32, #tpu.memory_space<vmem>>, vector<1x16xf32>,
      %get3A_1651 = vector.shape_cast %get3A_1650 : vector<1x16xf32> to vector<16xf32>
      %sub3A_1652 = arith.subf %get3A_1651, %get3A_1646 : vector<16xf32>
      %mul3A_1653 = arith.mulf %gather3A_1570, %sub3A_1652 : vector<16xf32>
      %add3A_1654 = arith.addf %get3A_1646, %mul3A_1653 : vector<16xf32>
      %mul3A_1655 = arith.mulf %sub3A_1579, %add3A_160 : vector<16xf32>
      %mul3A_1656 = arith.mulf %mul3A_1594, %add3A_1654 : vector<16xf32>
      %add3A_1657 = arith.addf %mul3A_1655, %mul3A_1656 : vector<16xf32>
      %sub3A_1658 = arith.subf %add3A_1641, %add3A_1657 : vector<16xf32>
      %mul3A_1659 = arith.mulf %sub3A_1658, %sub3A_1658 : vector<16xf32>
      %mul3A_1660 = vector.broadcast %select_n3A_1589 : f32 to vector<16xf32>
      %mul3A_1661 = arith.mulf %mul3A_1660, %mul3A_1659 : vector<16xf32>
      %add3A_1662 = arith.addf %add3A_1628, %mul3A_1661 : vector<16xf32>
      %get3A_1663 = arith.constant 8 : i32
      %get3A_1664 = arith.index_cast %get3A_1663 : i32 to index
      %get3A_1665 = arith.constant 32 : index
      %get3A_1666 = tpu.vector_load %arg13[%get3A_1664, %get3A_1665] {strides = array<i32>} : memref<16x128xf32, #tpu.memory_space<vmem>>, vector<1x16xf32>,
      %get3A_1667 = vector.shape_cast %get3A_1666 : vector<1x16xf32> to vector<16xf32>
      %get3A_1668 = arith.constant 8 : i32
      %get3A_1669 = arith.index_cast %get3A_1668 : i32 to index
      %get3A_1670 = arith.constant 96 : index
      %get3A_1671 = tpu.vector_load %arg13[%get3A_1669, %get3A_1670] {strides = array<i32>} : memref<16x128xf32, #tpu.memory_space<vmem>>, vector<1x16xf32>,
      %get3A_1672 = vector.shape_cast %get3A_1671 : vector<1x16xf32> to vector<16xf32>
      %sub3A_1673 = arith.subf %get3A_1672, %get3A_1667 : vector<16xf32>
      %mul3A_1674 = arith.mulf %gather3A_1567, %sub3A_1673 : vector<16xf32>
      %add3A_1675 = arith.addf %get3A_1667, %mul3A_1674 : vector<16xf32>
      %get3A_1676 = arith.constant 8 : i32
      %get3A_1677 = arith.index_cast %get3A_1676 : i32 to index
      %get3A_1678 = arith.constant 32 : index
      %get3A_1679 = tpu.vector_load %arg14[%get3A_1677, %get3A_1678] {strides = array<i32>} : memref<16x128xf32, #tpu.memory_space<vmem>>, vector<1x16xf32>,
      %get3A_1680 = vector.shape_cast %get3A_1679 : vector<1x16xf32> to vector<16xf32>
      %get3A_1681 = arith.constant 8 : i32
      %get3A_1682 = arith.index_cast %get3A_1681 : i32 to index
      %get3A_1683 = arith.constant 96 : index
      %get3A_1684 = tpu.vector_load %arg14[%get3A_1682, %get3A_1683] {strides = array<i32>} : memref<16x128xf32, #tpu.memory_space<vmem>>, vector<1x16xf32>,
      %get3A_1685 = vector.shape_cast %get3A_1684 : vector<1x16xf32> to vector<16xf32>
      %sub3A_1686 = arith.subf %get3A_1685, %get3A_1680 : vector<16xf32>
      %mul3A_1687 = arith.mulf %gather3A_1570, %sub3A_1686 : vector<16xf32>
      %add3A_1688 = arith.addf %get3A_1680, %mul3A_1687 : vector<16xf32>
      %mul3A_1689 = arith.mulf %sub3A_1579, %add3A_171 : vector<16xf32>
      %mul3A_1690 = arith.mulf %mul3A_1594, %add3A_1688 : vector<16xf32>
      %add3A_1691 = arith.addf %mul3A_1689, %mul3A_1690 : vector<16xf32>
      %sub3A_1692 = arith.subf %add3A_1675, %add3A_1691 : vector<16xf32>
      %mul3A_1693 = arith.mulf %sub3A_1692, %sub3A_1692 : vector<16xf32>
      %mul3A_1694 = vector.broadcast %select_n3A_1589 : f32 to vector<16xf32>
      %mul3A_1695 = arith.mulf %mul3A_1694, %mul3A_1693 : vector<16xf32>
      %add3A_1696 = arith.addf %add3A_1662, %mul3A_1695 : vector<16xf32>
      %get3A_1697 = arith.constant 8 : i32
      %get3A_1698 = arith.index_cast %get3A_1697 : i32 to index
      %get3A_1699 = arith.constant 48 : index
      %get3A_1700 = tpu.vector_load %arg13[%get3A_1698, %get3A_1699] {strides = array<i32>} : memref<16x128xf32, #tpu.memory_space<vmem>>, vector<1x16xf32>,
      %get3A_1701 = vector.shape_cast %get3A_1700 : vector<1x16xf32> to vector<16xf32>
      %get3A_1702 = arith.constant 8 : i32
      %get3A_1703 = arith.index_cast %get3A_1702 : i32 to index
      %get3A_1704 = arith.constant 112 : index
      %get3A_1705 = tpu.vector_load %arg13[%get3A_1703, %get3A_1704] {strides = array<i32>} : memref<16x128xf32, #tpu.memory_space<vmem>>, vector<1x16xf32>,
      %get3A_1706 = vector.shape_cast %get3A_1705 : vector<1x16xf32> to vector<16xf32>
      %sub3A_1707 = arith.subf %get3A_1706, %get3A_1701 : vector<16xf32>
      %mul3A_1708 = arith.mulf %gather3A_1567, %sub3A_1707 : vector<16xf32>
      %add3A_1709 = arith.addf %get3A_1701, %mul3A_1708 : vector<16xf32>
      %get3A_1710 = arith.constant 8 : i32
      %get3A_1711 = arith.index_cast %get3A_1710 : i32 to index
      %get3A_1712 = arith.constant 48 : index
      %get3A_1713 = tpu.vector_load %arg14[%get3A_1711, %get3A_1712] {strides = array<i32>} : memref<16x128xf32, #tpu.memory_space<vmem>>, vector<1x16xf32>,
      %get3A_1714 = vector.shape_cast %get3A_1713 : vector<1x16xf32> to vector<16xf32>
      %get3A_1715 = arith.constant 8 : i32
      %get3A_1716 = arith.index_cast %get3A_1715 : i32 to index
      %get3A_1717 = arith.constant 112 : index
      %get3A_1718 = tpu.vector_load %arg14[%get3A_1716, %get3A_1717] {strides = array<i32>} : memref<16x128xf32, #tpu.memory_space<vmem>>, vector<1x16xf32>,
      %get3A_1719 = vector.shape_cast %get3A_1718 : vector<1x16xf32> to vector<16xf32>
      %sub3A_1720 = arith.subf %get3A_1719, %get3A_1714 : vector<16xf32>
      %mul3A_1721 = arith.mulf %gather3A_1570, %sub3A_1720 : vector<16xf32>
      %add3A_1722 = arith.addf %get3A_1714, %mul3A_1721 : vector<16xf32>
      %mul3A_1723 = arith.mulf %sub3A_1579, %add3A_182 : vector<16xf32>
      %mul3A_1724 = arith.mulf %mul3A_1594, %add3A_1722 : vector<16xf32>
      %add3A_1725 = arith.addf %mul3A_1723, %mul3A_1724 : vector<16xf32>
      %sub3A_1726 = arith.subf %add3A_1709, %add3A_1725 : vector<16xf32>
      %mul3A_1727 = arith.mulf %sub3A_1726, %sub3A_1726 : vector<16xf32>
      %mul3A_1728 = vector.broadcast %select_n3A_1589 : f32 to vector<16xf32>
      %mul3A_1729 = arith.mulf %mul3A_1728, %mul3A_1727 : vector<16xf32>
      %add3A_1730 = arith.addf %add3A_1696, %mul3A_1729 : vector<16xf32>
      %add3A_1731 = arith.constant 9 : i32
      %add3A_1732 = arith.addi %mul3A_2, %add3A_1731 : i32
      %and3A_1733 = arith.constant 63 : i32
      %and3A_1734 = arith.andi %add3A_1732, %and3A_1733 : i32
      %broadcast_in_dim3A_1735 = arith.constant 9 : i32
      %broadcast_in_dim3A_1736 = vector.broadcast %broadcast_in_dim3A_1735 : i32 to vector<16xi32>
      %broadcast_in_dim3A_1737 = vector.shape_cast %broadcast_in_dim3A_1736 : vector<16xi32> to vector<16x1xi32>
      %gather3A_1738 = vector.shape_cast %broadcast_in_dim3A_1737 : vector<16x1xi32> to vector<16xi32>
      %gather3A_1739 = tpu.dynamic_gather %convert_element_type3A_96[%gather3A_1738] in [0] : vector<16xf32>, vector<16xi32> -> vector<16xf32>
      %broadcast_in_dim3A_1740 = vector.shape_cast %broadcast_in_dim3A_1736 : vector<16xi32> to vector<16x1xi32>
      %gather3A_1741 = vector.shape_cast %broadcast_in_dim3A_1740 : vector<16x1xi32> to vector<16xi32>
      %gather3A_1742 = tpu.dynamic_gather %convert_element_type3A_100[%gather3A_1741] in [0] : vector<16xf32>, vector<16xi32> -> vector<16xf32>
      %sub3A_1743 = arith.subi %sub3A_135, %broadcast_in_dim3A_1736 : vector<16xi32>
      %convert_element_type3A_1744 = arith.sitofp %sub3A_1743 : vector<16xi32> to vector<16xf32>
      %abs3A_1745 = math.absf %convert_element_type3A_1744 : vector<16xf32>
      %min3A_1746 = arith.constant 1.000000e+00 : f32
      %min3A_1747 = vector.broadcast %min3A_1746 : f32 to vector<16xf32>
      %min3A_1748 = arith.minimumf %abs3A_1745, %min3A_1747 : vector<16xf32>
      %sub3A_1749 = arith.constant 1.000000e+00 : f32
      %sub3A_1750 = vector.broadcast %sub3A_1749 : f32 to vector<16xf32>
      %sub3A_1751 = arith.subf %sub3A_1750, %min3A_1748 : vector<16xf32>
      %le3A_1752 = arith.constant 61 : i32
      %le3A_1753 = arith.cmpi sle, %and3A_1734, %le3A_1752 : i32
      %jit3A_1754 = arith.constant 9.900000e-01 : f32
      %jit3A_1755 = arith.constant 0.000000e+00 : f32
      %select_n3A_1756 = arith.select %le3A_1753, %jit3A_1754, %jit3A_1755 : f32
      %le3A_1757 = arith.constant 62 : i32
      %le3A_1758 = arith.cmpi sle, %and3A_1734, %le3A_1757 : i32
      %jit3A_1759 = arith.constant 1.000000e+00 : f32
      %jit3A_1760 = arith.constant 0.000000e+00 : f32
      %select_n3A_1761 = arith.select %le3A_1758, %jit3A_1759, %jit3A_1760 : f32
      %sub3A_1762 = arith.constant 1.000000e+00 : f32
      %sub3A_1763 = vector.broadcast %sub3A_1762 : f32 to vector<16xf32>
      %sub3A_1764 = arith.subf %sub3A_1763, %sub3A_1751 : vector<16xf32>
      %mul3A_1765 = vector.broadcast %select_n3A_1756 : f32 to vector<16xf32>
      %mul3A_1766 = arith.mulf %sub3A_1764, %mul3A_1765 : vector<16xf32>
      %get3A_1767 = arith.constant 9 : i32
      %get3A_1768 = arith.index_cast %get3A_1767 : i32 to index
      %get3A_1769 = arith.constant 0 : index
      %get3A_1770 = tpu.vector_load %arg13[%get3A_1768, %get3A_1769] {strides = array<i32>} : memref<16x128xf32, #tpu.memory_space<vmem>>, vector<1x16xf32>,
      %get3A_1771 = vector.shape_cast %get3A_1770 : vector<1x16xf32> to vector<16xf32>
      %get3A_1772 = arith.constant 9 : i32
      %get3A_1773 = arith.index_cast %get3A_1772 : i32 to index
      %get3A_1774 = arith.constant 64 : index
      %get3A_1775 = tpu.vector_load %arg13[%get3A_1773, %get3A_1774] {strides = array<i32>} : memref<16x128xf32, #tpu.memory_space<vmem>>, vector<1x16xf32>,
      %get3A_1776 = vector.shape_cast %get3A_1775 : vector<1x16xf32> to vector<16xf32>
      %sub3A_1777 = arith.subf %get3A_1776, %get3A_1771 : vector<16xf32>
      %mul3A_1778 = arith.mulf %gather3A_1739, %sub3A_1777 : vector<16xf32>
      %add3A_1779 = arith.addf %get3A_1771, %mul3A_1778 : vector<16xf32>
      %get3A_1780 = arith.constant 9 : i32
      %get3A_1781 = arith.index_cast %get3A_1780 : i32 to index
      %get3A_1782 = arith.constant 0 : index
      %get3A_1783 = tpu.vector_load %arg14[%get3A_1781, %get3A_1782] {strides = array<i32>} : memref<16x128xf32, #tpu.memory_space<vmem>>, vector<1x16xf32>,
      %get3A_1784 = vector.shape_cast %get3A_1783 : vector<1x16xf32> to vector<16xf32>
      %get3A_1785 = arith.constant 9 : i32
      %get3A_1786 = arith.index_cast %get3A_1785 : i32 to index
      %get3A_1787 = arith.constant 64 : index
      %get3A_1788 = tpu.vector_load %arg14[%get3A_1786, %get3A_1787] {strides = array<i32>} : memref<16x128xf32, #tpu.memory_space<vmem>>, vector<1x16xf32>,
      %get3A_1789 = vector.shape_cast %get3A_1788 : vector<1x16xf32> to vector<16xf32>
      %sub3A_1790 = arith.subf %get3A_1789, %get3A_1784 : vector<16xf32>
      %mul3A_1791 = arith.mulf %gather3A_1742, %sub3A_1790 : vector<16xf32>
      %add3A_1792 = arith.addf %get3A_1784, %mul3A_1791 : vector<16xf32>
      %mul3A_1793 = arith.mulf %sub3A_1751, %add3A_149 : vector<16xf32>
      %mul3A_1794 = arith.mulf %mul3A_1766, %add3A_1792 : vector<16xf32>
      %add3A_1795 = arith.addf %mul3A_1793, %mul3A_1794 : vector<16xf32>
      %sub3A_1796 = arith.subf %add3A_1779, %add3A_1795 : vector<16xf32>
      %mul3A_1797 = arith.mulf %sub3A_1796, %sub3A_1796 : vector<16xf32>
      %mul3A_1798 = vector.broadcast %select_n3A_1761 : f32 to vector<16xf32>
      %mul3A_1799 = arith.mulf %mul3A_1798, %mul3A_1797 : vector<16xf32>
      %add3A_1800 = arith.addf %add3A_1730, %mul3A_1799 : vector<16xf32>
      %get3A_1801 = arith.constant 9 : i32
      %get3A_1802 = arith.index_cast %get3A_1801 : i32 to index
      %get3A_1803 = arith.constant 16 : index
      %get3A_1804 = tpu.vector_load %arg13[%get3A_1802, %get3A_1803] {strides = array<i32>} : memref<16x128xf32, #tpu.memory_space<vmem>>, vector<1x16xf32>,
      %get3A_1805 = vector.shape_cast %get3A_1804 : vector<1x16xf32> to vector<16xf32>
      %get3A_1806 = arith.constant 9 : i32
      %get3A_1807 = arith.index_cast %get3A_1806 : i32 to index
      %get3A_1808 = arith.constant 80 : index
      %get3A_1809 = tpu.vector_load %arg13[%get3A_1807, %get3A_1808] {strides = array<i32>} : memref<16x128xf32, #tpu.memory_space<vmem>>, vector<1x16xf32>,
      %get3A_1810 = vector.shape_cast %get3A_1809 : vector<1x16xf32> to vector<16xf32>
      %sub3A_1811 = arith.subf %get3A_1810, %get3A_1805 : vector<16xf32>
      %mul3A_1812 = arith.mulf %gather3A_1739, %sub3A_1811 : vector<16xf32>
      %add3A_1813 = arith.addf %get3A_1805, %mul3A_1812 : vector<16xf32>
      %get3A_1814 = arith.constant 9 : i32
      %get3A_1815 = arith.index_cast %get3A_1814 : i32 to index
      %get3A_1816 = arith.constant 16 : index
      %get3A_1817 = tpu.vector_load %arg14[%get3A_1815, %get3A_1816] {strides = array<i32>} : memref<16x128xf32, #tpu.memory_space<vmem>>, vector<1x16xf32>,
      %get3A_1818 = vector.shape_cast %get3A_1817 : vector<1x16xf32> to vector<16xf32>
      %get3A_1819 = arith.constant 9 : i32
      %get3A_1820 = arith.index_cast %get3A_1819 : i32 to index
      %get3A_1821 = arith.constant 80 : index
      %get3A_1822 = tpu.vector_load %arg14[%get3A_1820, %get3A_1821] {strides = array<i32>} : memref<16x128xf32, #tpu.memory_space<vmem>>, vector<1x16xf32>,
      %get3A_1823 = vector.shape_cast %get3A_1822 : vector<1x16xf32> to vector<16xf32>
      %sub3A_1824 = arith.subf %get3A_1823, %get3A_1818 : vector<16xf32>
      %mul3A_1825 = arith.mulf %gather3A_1742, %sub3A_1824 : vector<16xf32>
      %add3A_1826 = arith.addf %get3A_1818, %mul3A_1825 : vector<16xf32>
      %mul3A_1827 = arith.mulf %sub3A_1751, %add3A_160 : vector<16xf32>
      %mul3A_1828 = arith.mulf %mul3A_1766, %add3A_1826 : vector<16xf32>
      %add3A_1829 = arith.addf %mul3A_1827, %mul3A_1828 : vector<16xf32>
      %sub3A_1830 = arith.subf %add3A_1813, %add3A_1829 : vector<16xf32>
      %mul3A_1831 = arith.mulf %sub3A_1830, %sub3A_1830 : vector<16xf32>
      %mul3A_1832 = vector.broadcast %select_n3A_1761 : f32 to vector<16xf32>
      %mul3A_1833 = arith.mulf %mul3A_1832, %mul3A_1831 : vector<16xf32>
      %add3A_1834 = arith.addf %add3A_1800, %mul3A_1833 : vector<16xf32>
      %get3A_1835 = arith.constant 9 : i32
      %get3A_1836 = arith.index_cast %get3A_1835 : i32 to index
      %get3A_1837 = arith.constant 32 : index
      %get3A_1838 = tpu.vector_load %arg13[%get3A_1836, %get3A_1837] {strides = array<i32>} : memref<16x128xf32, #tpu.memory_space<vmem>>, vector<1x16xf32>,
      %get3A_1839 = vector.shape_cast %get3A_1838 : vector<1x16xf32> to vector<16xf32>
      %get3A_1840 = arith.constant 9 : i32
      %get3A_1841 = arith.index_cast %get3A_1840 : i32 to index
      %get3A_1842 = arith.constant 96 : index
      %get3A_1843 = tpu.vector_load %arg13[%get3A_1841, %get3A_1842] {strides = array<i32>} : memref<16x128xf32, #tpu.memory_space<vmem>>, vector<1x16xf32>,
      %get3A_1844 = vector.shape_cast %get3A_1843 : vector<1x16xf32> to vector<16xf32>
      %sub3A_1845 = arith.subf %get3A_1844, %get3A_1839 : vector<16xf32>
      %mul3A_1846 = arith.mulf %gather3A_1739, %sub3A_1845 : vector<16xf32>
      %add3A_1847 = arith.addf %get3A_1839, %mul3A_1846 : vector<16xf32>
      %get3A_1848 = arith.constant 9 : i32
      %get3A_1849 = arith.index_cast %get3A_1848 : i32 to index
      %get3A_1850 = arith.constant 32 : index
      %get3A_1851 = tpu.vector_load %arg14[%get3A_1849, %get3A_1850] {strides = array<i32>} : memref<16x128xf32, #tpu.memory_space<vmem>>, vector<1x16xf32>,
      %get3A_1852 = vector.shape_cast %get3A_1851 : vector<1x16xf32> to vector<16xf32>
      %get3A_1853 = arith.constant 9 : i32
      %get3A_1854 = arith.index_cast %get3A_1853 : i32 to index
      %get3A_1855 = arith.constant 96 : index
      %get3A_1856 = tpu.vector_load %arg14[%get3A_1854, %get3A_1855] {strides = array<i32>} : memref<16x128xf32, #tpu.memory_space<vmem>>, vector<1x16xf32>,
      %get3A_1857 = vector.shape_cast %get3A_1856 : vector<1x16xf32> to vector<16xf32>
      %sub3A_1858 = arith.subf %get3A_1857, %get3A_1852 : vector<16xf32>
      %mul3A_1859 = arith.mulf %gather3A_1742, %sub3A_1858 : vector<16xf32>
      %add3A_1860 = arith.addf %get3A_1852, %mul3A_1859 : vector<16xf32>
      %mul3A_1861 = arith.mulf %sub3A_1751, %add3A_171 : vector<16xf32>
      %mul3A_1862 = arith.mulf %mul3A_1766, %add3A_1860 : vector<16xf32>
      %add3A_1863 = arith.addf %mul3A_1861, %mul3A_1862 : vector<16xf32>
      %sub3A_1864 = arith.subf %add3A_1847, %add3A_1863 : vector<16xf32>
      %mul3A_1865 = arith.mulf %sub3A_1864, %sub3A_1864 : vector<16xf32>
      %mul3A_1866 = vector.broadcast %select_n3A_1761 : f32 to vector<16xf32>
      %mul3A_1867 = arith.mulf %mul3A_1866, %mul3A_1865 : vector<16xf32>
      %add3A_1868 = arith.addf %add3A_1834, %mul3A_1867 : vector<16xf32>
      %get3A_1869 = arith.constant 9 : i32
      %get3A_1870 = arith.index_cast %get3A_1869 : i32 to index
      %get3A_1871 = arith.constant 48 : index
      %get3A_1872 = tpu.vector_load %arg13[%get3A_1870, %get3A_1871] {strides = array<i32>} : memref<16x128xf32, #tpu.memory_space<vmem>>, vector<1x16xf32>,
      %get3A_1873 = vector.shape_cast %get3A_1872 : vector<1x16xf32> to vector<16xf32>
      %get3A_1874 = arith.constant 9 : i32
      %get3A_1875 = arith.index_cast %get3A_1874 : i32 to index
      %get3A_1876 = arith.constant 112 : index
      %get3A_1877 = tpu.vector_load %arg13[%get3A_1875, %get3A_1876] {strides = array<i32>} : memref<16x128xf32, #tpu.memory_space<vmem>>, vector<1x16xf32>,
      %get3A_1878 = vector.shape_cast %get3A_1877 : vector<1x16xf32> to vector<16xf32>
      %sub3A_1879 = arith.subf %get3A_1878, %get3A_1873 : vector<16xf32>
      %mul3A_1880 = arith.mulf %gather3A_1739, %sub3A_1879 : vector<16xf32>
      %add3A_1881 = arith.addf %get3A_1873, %mul3A_1880 : vector<16xf32>
      %get3A_1882 = arith.constant 9 : i32
      %get3A_1883 = arith.index_cast %get3A_1882 : i32 to index
      %get3A_1884 = arith.constant 48 : index
      %get3A_1885 = tpu.vector_load %arg14[%get3A_1883, %get3A_1884] {strides = array<i32>} : memref<16x128xf32, #tpu.memory_space<vmem>>, vector<1x16xf32>,
      %get3A_1886 = vector.shape_cast %get3A_1885 : vector<1x16xf32> to vector<16xf32>
      %get3A_1887 = arith.constant 9 : i32
      %get3A_1888 = arith.index_cast %get3A_1887 : i32 to index
      %get3A_1889 = arith.constant 112 : index
      %get3A_1890 = tpu.vector_load %arg14[%get3A_1888, %get3A_1889] {strides = array<i32>} : memref<16x128xf32, #tpu.memory_space<vmem>>, vector<1x16xf32>,
      %get3A_1891 = vector.shape_cast %get3A_1890 : vector<1x16xf32> to vector<16xf32>
      %sub3A_1892 = arith.subf %get3A_1891, %get3A_1886 : vector<16xf32>
      %mul3A_1893 = arith.mulf %gather3A_1742, %sub3A_1892 : vector<16xf32>
      %add3A_1894 = arith.addf %get3A_1886, %mul3A_1893 : vector<16xf32>
      %mul3A_1895 = arith.mulf %sub3A_1751, %add3A_182 : vector<16xf32>
      %mul3A_1896 = arith.mulf %mul3A_1766, %add3A_1894 : vector<16xf32>
      %add3A_1897 = arith.addf %mul3A_1895, %mul3A_1896 : vector<16xf32>
      %sub3A_1898 = arith.subf %add3A_1881, %add3A_1897 : vector<16xf32>
      %mul3A_1899 = arith.mulf %sub3A_1898, %sub3A_1898 : vector<16xf32>
      %mul3A_1900 = vector.broadcast %select_n3A_1761 : f32 to vector<16xf32>
      %mul3A_1901 = arith.mulf %mul3A_1900, %mul3A_1899 : vector<16xf32>
      %add3A_1902 = arith.addf %add3A_1868, %mul3A_1901 : vector<16xf32>
      %add3A_1903 = arith.constant 10 : i32
      %add3A_1904 = arith.addi %mul3A_2, %add3A_1903 : i32
      %and3A_1905 = arith.constant 63 : i32
      %and3A_1906 = arith.andi %add3A_1904, %and3A_1905 : i32
      %broadcast_in_dim3A_1907 = arith.constant 10 : i32
      %broadcast_in_dim3A_1908 = vector.broadcast %broadcast_in_dim3A_1907 : i32 to vector<16xi32>
      %broadcast_in_dim3A_1909 = vector.shape_cast %broadcast_in_dim3A_1908 : vector<16xi32> to vector<16x1xi32>
      %gather3A_1910 = vector.shape_cast %broadcast_in_dim3A_1909 : vector<16x1xi32> to vector<16xi32>
      %gather3A_1911 = tpu.dynamic_gather %convert_element_type3A_96[%gather3A_1910] in [0] : vector<16xf32>, vector<16xi32> -> vector<16xf32>
      %broadcast_in_dim3A_1912 = vector.shape_cast %broadcast_in_dim3A_1908 : vector<16xi32> to vector<16x1xi32>
      %gather3A_1913 = vector.shape_cast %broadcast_in_dim3A_1912 : vector<16x1xi32> to vector<16xi32>
      %gather3A_1914 = tpu.dynamic_gather %convert_element_type3A_100[%gather3A_1913] in [0] : vector<16xf32>, vector<16xi32> -> vector<16xf32>
      %sub3A_1915 = arith.subi %sub3A_135, %broadcast_in_dim3A_1908 : vector<16xi32>
      %convert_element_type3A_1916 = arith.sitofp %sub3A_1915 : vector<16xi32> to vector<16xf32>
      %abs3A_1917 = math.absf %convert_element_type3A_1916 : vector<16xf32>
      %min3A_1918 = arith.constant 1.000000e+00 : f32
      %min3A_1919 = vector.broadcast %min3A_1918 : f32 to vector<16xf32>
      %min3A_1920 = arith.minimumf %abs3A_1917, %min3A_1919 : vector<16xf32>
      %sub3A_1921 = arith.constant 1.000000e+00 : f32
      %sub3A_1922 = vector.broadcast %sub3A_1921 : f32 to vector<16xf32>
      %sub3A_1923 = arith.subf %sub3A_1922, %min3A_1920 : vector<16xf32>
      %le3A_1924 = arith.constant 61 : i32
      %le3A_1925 = arith.cmpi sle, %and3A_1906, %le3A_1924 : i32
      %jit3A_1926 = arith.constant 9.900000e-01 : f32
      %jit3A_1927 = arith.constant 0.000000e+00 : f32
      %select_n3A_1928 = arith.select %le3A_1925, %jit3A_1926, %jit3A_1927 : f32
      %le3A_1929 = arith.constant 62 : i32
      %le3A_1930 = arith.cmpi sle, %and3A_1906, %le3A_1929 : i32
      %jit3A_1931 = arith.constant 1.000000e+00 : f32
      %jit3A_1932 = arith.constant 0.000000e+00 : f32
      %select_n3A_1933 = arith.select %le3A_1930, %jit3A_1931, %jit3A_1932 : f32
      %sub3A_1934 = arith.constant 1.000000e+00 : f32
      %sub3A_1935 = vector.broadcast %sub3A_1934 : f32 to vector<16xf32>
      %sub3A_1936 = arith.subf %sub3A_1935, %sub3A_1923 : vector<16xf32>
      %mul3A_1937 = vector.broadcast %select_n3A_1928 : f32 to vector<16xf32>
      %mul3A_1938 = arith.mulf %sub3A_1936, %mul3A_1937 : vector<16xf32>
      %get3A_1939 = arith.constant 10 : i32
      %get3A_1940 = arith.index_cast %get3A_1939 : i32 to index
      %get3A_1941 = arith.constant 0 : index
      %get3A_1942 = tpu.vector_load %arg13[%get3A_1940, %get3A_1941] {strides = array<i32>} : memref<16x128xf32, #tpu.memory_space<vmem>>, vector<1x16xf32>,
      %get3A_1943 = vector.shape_cast %get3A_1942 : vector<1x16xf32> to vector<16xf32>
      %get3A_1944 = arith.constant 10 : i32
      %get3A_1945 = arith.index_cast %get3A_1944 : i32 to index
      %get3A_1946 = arith.constant 64 : index
      %get3A_1947 = tpu.vector_load %arg13[%get3A_1945, %get3A_1946] {strides = array<i32>} : memref<16x128xf32, #tpu.memory_space<vmem>>, vector<1x16xf32>,
      %get3A_1948 = vector.shape_cast %get3A_1947 : vector<1x16xf32> to vector<16xf32>
      %sub3A_1949 = arith.subf %get3A_1948, %get3A_1943 : vector<16xf32>
      %mul3A_1950 = arith.mulf %gather3A_1911, %sub3A_1949 : vector<16xf32>
      %add3A_1951 = arith.addf %get3A_1943, %mul3A_1950 : vector<16xf32>
      %get3A_1952 = arith.constant 10 : i32
      %get3A_1953 = arith.index_cast %get3A_1952 : i32 to index
      %get3A_1954 = arith.constant 0 : index
      %get3A_1955 = tpu.vector_load %arg14[%get3A_1953, %get3A_1954] {strides = array<i32>} : memref<16x128xf32, #tpu.memory_space<vmem>>, vector<1x16xf32>,
      %get3A_1956 = vector.shape_cast %get3A_1955 : vector<1x16xf32> to vector<16xf32>
      %get3A_1957 = arith.constant 10 : i32
      %get3A_1958 = arith.index_cast %get3A_1957 : i32 to index
      %get3A_1959 = arith.constant 64 : index
      %get3A_1960 = tpu.vector_load %arg14[%get3A_1958, %get3A_1959] {strides = array<i32>} : memref<16x128xf32, #tpu.memory_space<vmem>>, vector<1x16xf32>,
      %get3A_1961 = vector.shape_cast %get3A_1960 : vector<1x16xf32> to vector<16xf32>
      %sub3A_1962 = arith.subf %get3A_1961, %get3A_1956 : vector<16xf32>
      %mul3A_1963 = arith.mulf %gather3A_1914, %sub3A_1962 : vector<16xf32>
      %add3A_1964 = arith.addf %get3A_1956, %mul3A_1963 : vector<16xf32>
      %mul3A_1965 = arith.mulf %sub3A_1923, %add3A_149 : vector<16xf32>
      %mul3A_1966 = arith.mulf %mul3A_1938, %add3A_1964 : vector<16xf32>
      %add3A_1967 = arith.addf %mul3A_1965, %mul3A_1966 : vector<16xf32>
      %sub3A_1968 = arith.subf %add3A_1951, %add3A_1967 : vector<16xf32>
      %mul3A_1969 = arith.mulf %sub3A_1968, %sub3A_1968 : vector<16xf32>
      %mul3A_1970 = vector.broadcast %select_n3A_1933 : f32 to vector<16xf32>
      %mul3A_1971 = arith.mulf %mul3A_1970, %mul3A_1969 : vector<16xf32>
      %add3A_1972 = arith.addf %add3A_1902, %mul3A_1971 : vector<16xf32>
      %get3A_1973 = arith.constant 10 : i32
      %get3A_1974 = arith.index_cast %get3A_1973 : i32 to index
      %get3A_1975 = arith.constant 16 : index
      %get3A_1976 = tpu.vector_load %arg13[%get3A_1974, %get3A_1975] {strides = array<i32>} : memref<16x128xf32, #tpu.memory_space<vmem>>, vector<1x16xf32>,
      %get3A_1977 = vector.shape_cast %get3A_1976 : vector<1x16xf32> to vector<16xf32>
      %get3A_1978 = arith.constant 10 : i32
      %get3A_1979 = arith.index_cast %get3A_1978 : i32 to index
      %get3A_1980 = arith.constant 80 : index
      %get3A_1981 = tpu.vector_load %arg13[%get3A_1979, %get3A_1980] {strides = array<i32>} : memref<16x128xf32, #tpu.memory_space<vmem>>, vector<1x16xf32>,
      %get3A_1982 = vector.shape_cast %get3A_1981 : vector<1x16xf32> to vector<16xf32>
      %sub3A_1983 = arith.subf %get3A_1982, %get3A_1977 : vector<16xf32>
      %mul3A_1984 = arith.mulf %gather3A_1911, %sub3A_1983 : vector<16xf32>
      %add3A_1985 = arith.addf %get3A_1977, %mul3A_1984 : vector<16xf32>
      %get3A_1986 = arith.constant 10 : i32
      %get3A_1987 = arith.index_cast %get3A_1986 : i32 to index
      %get3A_1988 = arith.constant 16 : index
      %get3A_1989 = tpu.vector_load %arg14[%get3A_1987, %get3A_1988] {strides = array<i32>} : memref<16x128xf32, #tpu.memory_space<vmem>>, vector<1x16xf32>,
      %get3A_1990 = vector.shape_cast %get3A_1989 : vector<1x16xf32> to vector<16xf32>
      %get3A_1991 = arith.constant 10 : i32
      %get3A_1992 = arith.index_cast %get3A_1991 : i32 to index
      %get3A_1993 = arith.constant 80 : index
      %get3A_1994 = tpu.vector_load %arg14[%get3A_1992, %get3A_1993] {strides = array<i32>} : memref<16x128xf32, #tpu.memory_space<vmem>>, vector<1x16xf32>,
      %get3A_1995 = vector.shape_cast %get3A_1994 : vector<1x16xf32> to vector<16xf32>
      %sub3A_1996 = arith.subf %get3A_1995, %get3A_1990 : vector<16xf32>
      %mul3A_1997 = arith.mulf %gather3A_1914, %sub3A_1996 : vector<16xf32>
      %add3A_1998 = arith.addf %get3A_1990, %mul3A_1997 : vector<16xf32>
      %mul3A_1999 = arith.mulf %sub3A_1923, %add3A_160 : vector<16xf32>
      %mul3A_2000 = arith.mulf %mul3A_1938, %add3A_1998 : vector<16xf32>
      %add3A_2001 = arith.addf %mul3A_1999, %mul3A_2000 : vector<16xf32>
      %sub3A_2002 = arith.subf %add3A_1985, %add3A_2001 : vector<16xf32>
      %mul3A_2003 = arith.mulf %sub3A_2002, %sub3A_2002 : vector<16xf32>
      %mul3A_2004 = vector.broadcast %select_n3A_1933 : f32 to vector<16xf32>
      %mul3A_2005 = arith.mulf %mul3A_2004, %mul3A_2003 : vector<16xf32>
      %add3A_2006 = arith.addf %add3A_1972, %mul3A_2005 : vector<16xf32>
      %get3A_2007 = arith.constant 10 : i32
      %get3A_2008 = arith.index_cast %get3A_2007 : i32 to index
      %get3A_2009 = arith.constant 32 : index
      %get3A_2010 = tpu.vector_load %arg13[%get3A_2008, %get3A_2009] {strides = array<i32>} : memref<16x128xf32, #tpu.memory_space<vmem>>, vector<1x16xf32>,
      %get3A_2011 = vector.shape_cast %get3A_2010 : vector<1x16xf32> to vector<16xf32>
      %get3A_2012 = arith.constant 10 : i32
      %get3A_2013 = arith.index_cast %get3A_2012 : i32 to index
      %get3A_2014 = arith.constant 96 : index
      %get3A_2015 = tpu.vector_load %arg13[%get3A_2013, %get3A_2014] {strides = array<i32>} : memref<16x128xf32, #tpu.memory_space<vmem>>, vector<1x16xf32>,
      %get3A_2016 = vector.shape_cast %get3A_2015 : vector<1x16xf32> to vector<16xf32>
      %sub3A_2017 = arith.subf %get3A_2016, %get3A_2011 : vector<16xf32>
      %mul3A_2018 = arith.mulf %gather3A_1911, %sub3A_2017 : vector<16xf32>
      %add3A_2019 = arith.addf %get3A_2011, %mul3A_2018 : vector<16xf32>
      %get3A_2020 = arith.constant 10 : i32
      %get3A_2021 = arith.index_cast %get3A_2020 : i32 to index
      %get3A_2022 = arith.constant 32 : index
      %get3A_2023 = tpu.vector_load %arg14[%get3A_2021, %get3A_2022] {strides = array<i32>} : memref<16x128xf32, #tpu.memory_space<vmem>>, vector<1x16xf32>,
      %get3A_2024 = vector.shape_cast %get3A_2023 : vector<1x16xf32> to vector<16xf32>
      %get3A_2025 = arith.constant 10 : i32
      %get3A_2026 = arith.index_cast %get3A_2025 : i32 to index
      %get3A_2027 = arith.constant 96 : index
      %get3A_2028 = tpu.vector_load %arg14[%get3A_2026, %get3A_2027] {strides = array<i32>} : memref<16x128xf32, #tpu.memory_space<vmem>>, vector<1x16xf32>,
      %get3A_2029 = vector.shape_cast %get3A_2028 : vector<1x16xf32> to vector<16xf32>
      %sub3A_2030 = arith.subf %get3A_2029, %get3A_2024 : vector<16xf32>
      %mul3A_2031 = arith.mulf %gather3A_1914, %sub3A_2030 : vector<16xf32>
      %add3A_2032 = arith.addf %get3A_2024, %mul3A_2031 : vector<16xf32>
      %mul3A_2033 = arith.mulf %sub3A_1923, %add3A_171 : vector<16xf32>
      %mul3A_2034 = arith.mulf %mul3A_1938, %add3A_2032 : vector<16xf32>
      %add3A_2035 = arith.addf %mul3A_2033, %mul3A_2034 : vector<16xf32>
      %sub3A_2036 = arith.subf %add3A_2019, %add3A_2035 : vector<16xf32>
      %mul3A_2037 = arith.mulf %sub3A_2036, %sub3A_2036 : vector<16xf32>
      %mul3A_2038 = vector.broadcast %select_n3A_1933 : f32 to vector<16xf32>
      %mul3A_2039 = arith.mulf %mul3A_2038, %mul3A_2037 : vector<16xf32>
      %add3A_2040 = arith.addf %add3A_2006, %mul3A_2039 : vector<16xf32>
      %get3A_2041 = arith.constant 10 : i32
      %get3A_2042 = arith.index_cast %get3A_2041 : i32 to index
      %get3A_2043 = arith.constant 48 : index
      %get3A_2044 = tpu.vector_load %arg13[%get3A_2042, %get3A_2043] {strides = array<i32>} : memref<16x128xf32, #tpu.memory_space<vmem>>, vector<1x16xf32>,
      %get3A_2045 = vector.shape_cast %get3A_2044 : vector<1x16xf32> to vector<16xf32>
      %get3A_2046 = arith.constant 10 : i32
      %get3A_2047 = arith.index_cast %get3A_2046 : i32 to index
      %get3A_2048 = arith.constant 112 : index
      %get3A_2049 = tpu.vector_load %arg13[%get3A_2047, %get3A_2048] {strides = array<i32>} : memref<16x128xf32, #tpu.memory_space<vmem>>, vector<1x16xf32>,
      %get3A_2050 = vector.shape_cast %get3A_2049 : vector<1x16xf32> to vector<16xf32>
      %sub3A_2051 = arith.subf %get3A_2050, %get3A_2045 : vector<16xf32>
      %mul3A_2052 = arith.mulf %gather3A_1911, %sub3A_2051 : vector<16xf32>
      %add3A_2053 = arith.addf %get3A_2045, %mul3A_2052 : vector<16xf32>
      %get3A_2054 = arith.constant 10 : i32
      %get3A_2055 = arith.index_cast %get3A_2054 : i32 to index
      %get3A_2056 = arith.constant 48 : index
      %get3A_2057 = tpu.vector_load %arg14[%get3A_2055, %get3A_2056] {strides = array<i32>} : memref<16x128xf32, #tpu.memory_space<vmem>>, vector<1x16xf32>,
      %get3A_2058 = vector.shape_cast %get3A_2057 : vector<1x16xf32> to vector<16xf32>
      %get3A_2059 = arith.constant 10 : i32
      %get3A_2060 = arith.index_cast %get3A_2059 : i32 to index
      %get3A_2061 = arith.constant 112 : index
      %get3A_2062 = tpu.vector_load %arg14[%get3A_2060, %get3A_2061] {strides = array<i32>} : memref<16x128xf32, #tpu.memory_space<vmem>>, vector<1x16xf32>,
      %get3A_2063 = vector.shape_cast %get3A_2062 : vector<1x16xf32> to vector<16xf32>
      %sub3A_2064 = arith.subf %get3A_2063, %get3A_2058 : vector<16xf32>
      %mul3A_2065 = arith.mulf %gather3A_1914, %sub3A_2064 : vector<16xf32>
      %add3A_2066 = arith.addf %get3A_2058, %mul3A_2065 : vector<16xf32>
      %mul3A_2067 = arith.mulf %sub3A_1923, %add3A_182 : vector<16xf32>
      %mul3A_2068 = arith.mulf %mul3A_1938, %add3A_2066 : vector<16xf32>
      %add3A_2069 = arith.addf %mul3A_2067, %mul3A_2068 : vector<16xf32>
      %sub3A_2070 = arith.subf %add3A_2053, %add3A_2069 : vector<16xf32>
      %mul3A_2071 = arith.mulf %sub3A_2070, %sub3A_2070 : vector<16xf32>
      %mul3A_2072 = vector.broadcast %select_n3A_1933 : f32 to vector<16xf32>
      %mul3A_2073 = arith.mulf %mul3A_2072, %mul3A_2071 : vector<16xf32>
      %add3A_2074 = arith.addf %add3A_2040, %mul3A_2073 : vector<16xf32>
      %add3A_2075 = arith.constant 11 : i32
      %add3A_2076 = arith.addi %mul3A_2, %add3A_2075 : i32
      %and3A_2077 = arith.constant 63 : i32
      %and3A_2078 = arith.andi %add3A_2076, %and3A_2077 : i32
      %broadcast_in_dim3A_2079 = arith.constant 11 : i32
      %broadcast_in_dim3A_2080 = vector.broadcast %broadcast_in_dim3A_2079 : i32 to vector<16xi32>
      %broadcast_in_dim3A_2081 = vector.shape_cast %broadcast_in_dim3A_2080 : vector<16xi32> to vector<16x1xi32>
      %gather3A_2082 = vector.shape_cast %broadcast_in_dim3A_2081 : vector<16x1xi32> to vector<16xi32>
      %gather3A_2083 = tpu.dynamic_gather %convert_element_type3A_96[%gather3A_2082] in [0] : vector<16xf32>, vector<16xi32> -> vector<16xf32>
      %broadcast_in_dim3A_2084 = vector.shape_cast %broadcast_in_dim3A_2080 : vector<16xi32> to vector<16x1xi32>
      %gather3A_2085 = vector.shape_cast %broadcast_in_dim3A_2084 : vector<16x1xi32> to vector<16xi32>
      %gather3A_2086 = tpu.dynamic_gather %convert_element_type3A_100[%gather3A_2085] in [0] : vector<16xf32>, vector<16xi32> -> vector<16xf32>
      %sub3A_2087 = arith.subi %sub3A_135, %broadcast_in_dim3A_2080 : vector<16xi32>
      %convert_element_type3A_2088 = arith.sitofp %sub3A_2087 : vector<16xi32> to vector<16xf32>
      %abs3A_2089 = math.absf %convert_element_type3A_2088 : vector<16xf32>
      %min3A_2090 = arith.constant 1.000000e+00 : f32
      %min3A_2091 = vector.broadcast %min3A_2090 : f32 to vector<16xf32>
      %min3A_2092 = arith.minimumf %abs3A_2089, %min3A_2091 : vector<16xf32>
      %sub3A_2093 = arith.constant 1.000000e+00 : f32
      %sub3A_2094 = vector.broadcast %sub3A_2093 : f32 to vector<16xf32>
      %sub3A_2095 = arith.subf %sub3A_2094, %min3A_2092 : vector<16xf32>
      %le3A_2096 = arith.constant 61 : i32
      %le3A_2097 = arith.cmpi sle, %and3A_2078, %le3A_2096 : i32
      %jit3A_2098 = arith.constant 9.900000e-01 : f32
      %jit3A_2099 = arith.constant 0.000000e+00 : f32
      %select_n3A_2100 = arith.select %le3A_2097, %jit3A_2098, %jit3A_2099 : f32
      %le3A_2101 = arith.constant 62 : i32
      %le3A_2102 = arith.cmpi sle, %and3A_2078, %le3A_2101 : i32
      %jit3A_2103 = arith.constant 1.000000e+00 : f32
      %jit3A_2104 = arith.constant 0.000000e+00 : f32
      %select_n3A_2105 = arith.select %le3A_2102, %jit3A_2103, %jit3A_2104 : f32
      %sub3A_2106 = arith.constant 1.000000e+00 : f32
      %sub3A_2107 = vector.broadcast %sub3A_2106 : f32 to vector<16xf32>
      %sub3A_2108 = arith.subf %sub3A_2107, %sub3A_2095 : vector<16xf32>
      %mul3A_2109 = vector.broadcast %select_n3A_2100 : f32 to vector<16xf32>
      %mul3A_2110 = arith.mulf %sub3A_2108, %mul3A_2109 : vector<16xf32>
      %get3A_2111 = arith.constant 11 : i32
      %get3A_2112 = arith.index_cast %get3A_2111 : i32 to index
      %get3A_2113 = arith.constant 0 : index
      %get3A_2114 = tpu.vector_load %arg13[%get3A_2112, %get3A_2113] {strides = array<i32>} : memref<16x128xf32, #tpu.memory_space<vmem>>, vector<1x16xf32>,
      %get3A_2115 = vector.shape_cast %get3A_2114 : vector<1x16xf32> to vector<16xf32>
      %get3A_2116 = arith.constant 11 : i32
      %get3A_2117 = arith.index_cast %get3A_2116 : i32 to index
      %get3A_2118 = arith.constant 64 : index
      %get3A_2119 = tpu.vector_load %arg13[%get3A_2117, %get3A_2118] {strides = array<i32>} : memref<16x128xf32, #tpu.memory_space<vmem>>, vector<1x16xf32>,
      %get3A_2120 = vector.shape_cast %get3A_2119 : vector<1x16xf32> to vector<16xf32>
      %sub3A_2121 = arith.subf %get3A_2120, %get3A_2115 : vector<16xf32>
      %mul3A_2122 = arith.mulf %gather3A_2083, %sub3A_2121 : vector<16xf32>
      %add3A_2123 = arith.addf %get3A_2115, %mul3A_2122 : vector<16xf32>
      %get3A_2124 = arith.constant 11 : i32
      %get3A_2125 = arith.index_cast %get3A_2124 : i32 to index
      %get3A_2126 = arith.constant 0 : index
      %get3A_2127 = tpu.vector_load %arg14[%get3A_2125, %get3A_2126] {strides = array<i32>} : memref<16x128xf32, #tpu.memory_space<vmem>>, vector<1x16xf32>,
      %get3A_2128 = vector.shape_cast %get3A_2127 : vector<1x16xf32> to vector<16xf32>
      %get3A_2129 = arith.constant 11 : i32
      %get3A_2130 = arith.index_cast %get3A_2129 : i32 to index
      %get3A_2131 = arith.constant 64 : index
      %get3A_2132 = tpu.vector_load %arg14[%get3A_2130, %get3A_2131] {strides = array<i32>} : memref<16x128xf32, #tpu.memory_space<vmem>>, vector<1x16xf32>,
      %get3A_2133 = vector.shape_cast %get3A_2132 : vector<1x16xf32> to vector<16xf32>
      %sub3A_2134 = arith.subf %get3A_2133, %get3A_2128 : vector<16xf32>
      %mul3A_2135 = arith.mulf %gather3A_2086, %sub3A_2134 : vector<16xf32>
      %add3A_2136 = arith.addf %get3A_2128, %mul3A_2135 : vector<16xf32>
      %mul3A_2137 = arith.mulf %sub3A_2095, %add3A_149 : vector<16xf32>
      %mul3A_2138 = arith.mulf %mul3A_2110, %add3A_2136 : vector<16xf32>
      %add3A_2139 = arith.addf %mul3A_2137, %mul3A_2138 : vector<16xf32>
      %sub3A_2140 = arith.subf %add3A_2123, %add3A_2139 : vector<16xf32>
      %mul3A_2141 = arith.mulf %sub3A_2140, %sub3A_2140 : vector<16xf32>
      %mul3A_2142 = vector.broadcast %select_n3A_2105 : f32 to vector<16xf32>
      %mul3A_2143 = arith.mulf %mul3A_2142, %mul3A_2141 : vector<16xf32>
      %add3A_2144 = arith.addf %add3A_2074, %mul3A_2143 : vector<16xf32>
      %get3A_2145 = arith.constant 11 : i32
      %get3A_2146 = arith.index_cast %get3A_2145 : i32 to index
      %get3A_2147 = arith.constant 16 : index
      %get3A_2148 = tpu.vector_load %arg13[%get3A_2146, %get3A_2147] {strides = array<i32>} : memref<16x128xf32, #tpu.memory_space<vmem>>, vector<1x16xf32>,
      %get3A_2149 = vector.shape_cast %get3A_2148 : vector<1x16xf32> to vector<16xf32>
      %get3A_2150 = arith.constant 11 : i32
      %get3A_2151 = arith.index_cast %get3A_2150 : i32 to index
      %get3A_2152 = arith.constant 80 : index
      %get3A_2153 = tpu.vector_load %arg13[%get3A_2151, %get3A_2152] {strides = array<i32>} : memref<16x128xf32, #tpu.memory_space<vmem>>, vector<1x16xf32>,
      %get3A_2154 = vector.shape_cast %get3A_2153 : vector<1x16xf32> to vector<16xf32>
      %sub3A_2155 = arith.subf %get3A_2154, %get3A_2149 : vector<16xf32>
      %mul3A_2156 = arith.mulf %gather3A_2083, %sub3A_2155 : vector<16xf32>
      %add3A_2157 = arith.addf %get3A_2149, %mul3A_2156 : vector<16xf32>
      %get3A_2158 = arith.constant 11 : i32
      %get3A_2159 = arith.index_cast %get3A_2158 : i32 to index
      %get3A_2160 = arith.constant 16 : index
      %get3A_2161 = tpu.vector_load %arg14[%get3A_2159, %get3A_2160] {strides = array<i32>} : memref<16x128xf32, #tpu.memory_space<vmem>>, vector<1x16xf32>,
      %get3A_2162 = vector.shape_cast %get3A_2161 : vector<1x16xf32> to vector<16xf32>
      %get3A_2163 = arith.constant 11 : i32
      %get3A_2164 = arith.index_cast %get3A_2163 : i32 to index
      %get3A_2165 = arith.constant 80 : index
      %get3A_2166 = tpu.vector_load %arg14[%get3A_2164, %get3A_2165] {strides = array<i32>} : memref<16x128xf32, #tpu.memory_space<vmem>>, vector<1x16xf32>,
      %get3A_2167 = vector.shape_cast %get3A_2166 : vector<1x16xf32> to vector<16xf32>
      %sub3A_2168 = arith.subf %get3A_2167, %get3A_2162 : vector<16xf32>
      %mul3A_2169 = arith.mulf %gather3A_2086, %sub3A_2168 : vector<16xf32>
      %add3A_2170 = arith.addf %get3A_2162, %mul3A_2169 : vector<16xf32>
      %mul3A_2171 = arith.mulf %sub3A_2095, %add3A_160 : vector<16xf32>
      %mul3A_2172 = arith.mulf %mul3A_2110, %add3A_2170 : vector<16xf32>
      %add3A_2173 = arith.addf %mul3A_2171, %mul3A_2172 : vector<16xf32>
      %sub3A_2174 = arith.subf %add3A_2157, %add3A_2173 : vector<16xf32>
      %mul3A_2175 = arith.mulf %sub3A_2174, %sub3A_2174 : vector<16xf32>
      %mul3A_2176 = vector.broadcast %select_n3A_2105 : f32 to vector<16xf32>
      %mul3A_2177 = arith.mulf %mul3A_2176, %mul3A_2175 : vector<16xf32>
      %add3A_2178 = arith.addf %add3A_2144, %mul3A_2177 : vector<16xf32>
      %get3A_2179 = arith.constant 11 : i32
      %get3A_2180 = arith.index_cast %get3A_2179 : i32 to index
      %get3A_2181 = arith.constant 32 : index
      %get3A_2182 = tpu.vector_load %arg13[%get3A_2180, %get3A_2181] {strides = array<i32>} : memref<16x128xf32, #tpu.memory_space<vmem>>, vector<1x16xf32>,
      %get3A_2183 = vector.shape_cast %get3A_2182 : vector<1x16xf32> to vector<16xf32>
      %get3A_2184 = arith.constant 11 : i32
      %get3A_2185 = arith.index_cast %get3A_2184 : i32 to index
      %get3A_2186 = arith.constant 96 : index
      %get3A_2187 = tpu.vector_load %arg13[%get3A_2185, %get3A_2186] {strides = array<i32>} : memref<16x128xf32, #tpu.memory_space<vmem>>, vector<1x16xf32>,
      %get3A_2188 = vector.shape_cast %get3A_2187 : vector<1x16xf32> to vector<16xf32>
      %sub3A_2189 = arith.subf %get3A_2188, %get3A_2183 : vector<16xf32>
      %mul3A_2190 = arith.mulf %gather3A_2083, %sub3A_2189 : vector<16xf32>
      %add3A_2191 = arith.addf %get3A_2183, %mul3A_2190 : vector<16xf32>
      %get3A_2192 = arith.constant 11 : i32
      %get3A_2193 = arith.index_cast %get3A_2192 : i32 to index
      %get3A_2194 = arith.constant 32 : index
      %get3A_2195 = tpu.vector_load %arg14[%get3A_2193, %get3A_2194] {strides = array<i32>} : memref<16x128xf32, #tpu.memory_space<vmem>>, vector<1x16xf32>,
      %get3A_2196 = vector.shape_cast %get3A_2195 : vector<1x16xf32> to vector<16xf32>
      %get3A_2197 = arith.constant 11 : i32
      %get3A_2198 = arith.index_cast %get3A_2197 : i32 to index
      %get3A_2199 = arith.constant 96 : index
      %get3A_2200 = tpu.vector_load %arg14[%get3A_2198, %get3A_2199] {strides = array<i32>} : memref<16x128xf32, #tpu.memory_space<vmem>>, vector<1x16xf32>,
      %get3A_2201 = vector.shape_cast %get3A_2200 : vector<1x16xf32> to vector<16xf32>
      %sub3A_2202 = arith.subf %get3A_2201, %get3A_2196 : vector<16xf32>
      %mul3A_2203 = arith.mulf %gather3A_2086, %sub3A_2202 : vector<16xf32>
      %add3A_2204 = arith.addf %get3A_2196, %mul3A_2203 : vector<16xf32>
      %mul3A_2205 = arith.mulf %sub3A_2095, %add3A_171 : vector<16xf32>
      %mul3A_2206 = arith.mulf %mul3A_2110, %add3A_2204 : vector<16xf32>
      %add3A_2207 = arith.addf %mul3A_2205, %mul3A_2206 : vector<16xf32>
      %sub3A_2208 = arith.subf %add3A_2191, %add3A_2207 : vector<16xf32>
      %mul3A_2209 = arith.mulf %sub3A_2208, %sub3A_2208 : vector<16xf32>
      %mul3A_2210 = vector.broadcast %select_n3A_2105 : f32 to vector<16xf32>
      %mul3A_2211 = arith.mulf %mul3A_2210, %mul3A_2209 : vector<16xf32>
      %add3A_2212 = arith.addf %add3A_2178, %mul3A_2211 : vector<16xf32>
      %get3A_2213 = arith.constant 11 : i32
      %get3A_2214 = arith.index_cast %get3A_2213 : i32 to index
      %get3A_2215 = arith.constant 48 : index
      %get3A_2216 = tpu.vector_load %arg13[%get3A_2214, %get3A_2215] {strides = array<i32>} : memref<16x128xf32, #tpu.memory_space<vmem>>, vector<1x16xf32>,
      %get3A_2217 = vector.shape_cast %get3A_2216 : vector<1x16xf32> to vector<16xf32>
      %get3A_2218 = arith.constant 11 : i32
      %get3A_2219 = arith.index_cast %get3A_2218 : i32 to index
      %get3A_2220 = arith.constant 112 : index
      %get3A_2221 = tpu.vector_load %arg13[%get3A_2219, %get3A_2220] {strides = array<i32>} : memref<16x128xf32, #tpu.memory_space<vmem>>, vector<1x16xf32>,
      %get3A_2222 = vector.shape_cast %get3A_2221 : vector<1x16xf32> to vector<16xf32>
      %sub3A_2223 = arith.subf %get3A_2222, %get3A_2217 : vector<16xf32>
      %mul3A_2224 = arith.mulf %gather3A_2083, %sub3A_2223 : vector<16xf32>
      %add3A_2225 = arith.addf %get3A_2217, %mul3A_2224 : vector<16xf32>
      %get3A_2226 = arith.constant 11 : i32
      %get3A_2227 = arith.index_cast %get3A_2226 : i32 to index
      %get3A_2228 = arith.constant 48 : index
      %get3A_2229 = tpu.vector_load %arg14[%get3A_2227, %get3A_2228] {strides = array<i32>} : memref<16x128xf32, #tpu.memory_space<vmem>>, vector<1x16xf32>,
      %get3A_2230 = vector.shape_cast %get3A_2229 : vector<1x16xf32> to vector<16xf32>
      %get3A_2231 = arith.constant 11 : i32
      %get3A_2232 = arith.index_cast %get3A_2231 : i32 to index
      %get3A_2233 = arith.constant 112 : index
      %get3A_2234 = tpu.vector_load %arg14[%get3A_2232, %get3A_2233] {strides = array<i32>} : memref<16x128xf32, #tpu.memory_space<vmem>>, vector<1x16xf32>,
      %get3A_2235 = vector.shape_cast %get3A_2234 : vector<1x16xf32> to vector<16xf32>
      %sub3A_2236 = arith.subf %get3A_2235, %get3A_2230 : vector<16xf32>
      %mul3A_2237 = arith.mulf %gather3A_2086, %sub3A_2236 : vector<16xf32>
      %add3A_2238 = arith.addf %get3A_2230, %mul3A_2237 : vector<16xf32>
      %mul3A_2239 = arith.mulf %sub3A_2095, %add3A_182 : vector<16xf32>
      %mul3A_2240 = arith.mulf %mul3A_2110, %add3A_2238 : vector<16xf32>
      %add3A_2241 = arith.addf %mul3A_2239, %mul3A_2240 : vector<16xf32>
      %sub3A_2242 = arith.subf %add3A_2225, %add3A_2241 : vector<16xf32>
      %mul3A_2243 = arith.mulf %sub3A_2242, %sub3A_2242 : vector<16xf32>
      %mul3A_2244 = vector.broadcast %select_n3A_2105 : f32 to vector<16xf32>
      %mul3A_2245 = arith.mulf %mul3A_2244, %mul3A_2243 : vector<16xf32>
      %add3A_2246 = arith.addf %add3A_2212, %mul3A_2245 : vector<16xf32>
      %add3A_2247 = arith.constant 12 : i32
      %add3A_2248 = arith.addi %mul3A_2, %add3A_2247 : i32
      %and3A_2249 = arith.constant 63 : i32
      %and3A_2250 = arith.andi %add3A_2248, %and3A_2249 : i32
      %broadcast_in_dim3A_2251 = arith.constant 12 : i32
      %broadcast_in_dim3A_2252 = vector.broadcast %broadcast_in_dim3A_2251 : i32 to vector<16xi32>
      %broadcast_in_dim3A_2253 = vector.shape_cast %broadcast_in_dim3A_2252 : vector<16xi32> to vector<16x1xi32>
      %gather3A_2254 = vector.shape_cast %broadcast_in_dim3A_2253 : vector<16x1xi32> to vector<16xi32>
      %gather3A_2255 = tpu.dynamic_gather %convert_element_type3A_96[%gather3A_2254] in [0] : vector<16xf32>, vector<16xi32> -> vector<16xf32>
      %broadcast_in_dim3A_2256 = vector.shape_cast %broadcast_in_dim3A_2252 : vector<16xi32> to vector<16x1xi32>
      %gather3A_2257 = vector.shape_cast %broadcast_in_dim3A_2256 : vector<16x1xi32> to vector<16xi32>
      %gather3A_2258 = tpu.dynamic_gather %convert_element_type3A_100[%gather3A_2257] in [0] : vector<16xf32>, vector<16xi32> -> vector<16xf32>
      %sub3A_2259 = arith.subi %sub3A_135, %broadcast_in_dim3A_2252 : vector<16xi32>
      %convert_element_type3A_2260 = arith.sitofp %sub3A_2259 : vector<16xi32> to vector<16xf32>
      %abs3A_2261 = math.absf %convert_element_type3A_2260 : vector<16xf32>
      %min3A_2262 = arith.constant 1.000000e+00 : f32
      %min3A_2263 = vector.broadcast %min3A_2262 : f32 to vector<16xf32>
      %min3A_2264 = arith.minimumf %abs3A_2261, %min3A_2263 : vector<16xf32>
      %sub3A_2265 = arith.constant 1.000000e+00 : f32
      %sub3A_2266 = vector.broadcast %sub3A_2265 : f32 to vector<16xf32>
      %sub3A_2267 = arith.subf %sub3A_2266, %min3A_2264 : vector<16xf32>
      %le3A_2268 = arith.constant 61 : i32
      %le3A_2269 = arith.cmpi sle, %and3A_2250, %le3A_2268 : i32
      %jit3A_2270 = arith.constant 9.900000e-01 : f32
      %jit3A_2271 = arith.constant 0.000000e+00 : f32
      %select_n3A_2272 = arith.select %le3A_2269, %jit3A_2270, %jit3A_2271 : f32
      %le3A_2273 = arith.constant 62 : i32
      %le3A_2274 = arith.cmpi sle, %and3A_2250, %le3A_2273 : i32
      %jit3A_2275 = arith.constant 1.000000e+00 : f32
      %jit3A_2276 = arith.constant 0.000000e+00 : f32
      %select_n3A_2277 = arith.select %le3A_2274, %jit3A_2275, %jit3A_2276 : f32
      %sub3A_2278 = arith.constant 1.000000e+00 : f32
      %sub3A_2279 = vector.broadcast %sub3A_2278 : f32 to vector<16xf32>
      %sub3A_2280 = arith.subf %sub3A_2279, %sub3A_2267 : vector<16xf32>
      %mul3A_2281 = vector.broadcast %select_n3A_2272 : f32 to vector<16xf32>
      %mul3A_2282 = arith.mulf %sub3A_2280, %mul3A_2281 : vector<16xf32>
      %get3A_2283 = arith.constant 12 : i32
      %get3A_2284 = arith.index_cast %get3A_2283 : i32 to index
      %get3A_2285 = arith.constant 0 : index
      %get3A_2286 = tpu.vector_load %arg13[%get3A_2284, %get3A_2285] {strides = array<i32>} : memref<16x128xf32, #tpu.memory_space<vmem>>, vector<1x16xf32>,
      %get3A_2287 = vector.shape_cast %get3A_2286 : vector<1x16xf32> to vector<16xf32>
      %get3A_2288 = arith.constant 12 : i32
      %get3A_2289 = arith.index_cast %get3A_2288 : i32 to index
      %get3A_2290 = arith.constant 64 : index
      %get3A_2291 = tpu.vector_load %arg13[%get3A_2289, %get3A_2290] {strides = array<i32>} : memref<16x128xf32, #tpu.memory_space<vmem>>, vector<1x16xf32>,
      %get3A_2292 = vector.shape_cast %get3A_2291 : vector<1x16xf32> to vector<16xf32>
      %sub3A_2293 = arith.subf %get3A_2292, %get3A_2287 : vector<16xf32>
      %mul3A_2294 = arith.mulf %gather3A_2255, %sub3A_2293 : vector<16xf32>
      %add3A_2295 = arith.addf %get3A_2287, %mul3A_2294 : vector<16xf32>
      %get3A_2296 = arith.constant 12 : i32
      %get3A_2297 = arith.index_cast %get3A_2296 : i32 to index
      %get3A_2298 = arith.constant 0 : index
      %get3A_2299 = tpu.vector_load %arg14[%get3A_2297, %get3A_2298] {strides = array<i32>} : memref<16x128xf32, #tpu.memory_space<vmem>>, vector<1x16xf32>,
      %get3A_2300 = vector.shape_cast %get3A_2299 : vector<1x16xf32> to vector<16xf32>
      %get3A_2301 = arith.constant 12 : i32
      %get3A_2302 = arith.index_cast %get3A_2301 : i32 to index
      %get3A_2303 = arith.constant 64 : index
      %get3A_2304 = tpu.vector_load %arg14[%get3A_2302, %get3A_2303] {strides = array<i32>} : memref<16x128xf32, #tpu.memory_space<vmem>>, vector<1x16xf32>,
      %get3A_2305 = vector.shape_cast %get3A_2304 : vector<1x16xf32> to vector<16xf32>
      %sub3A_2306 = arith.subf %get3A_2305, %get3A_2300 : vector<16xf32>
      %mul3A_2307 = arith.mulf %gather3A_2258, %sub3A_2306 : vector<16xf32>
      %add3A_2308 = arith.addf %get3A_2300, %mul3A_2307 : vector<16xf32>
      %mul3A_2309 = arith.mulf %sub3A_2267, %add3A_149 : vector<16xf32>
      %mul3A_2310 = arith.mulf %mul3A_2282, %add3A_2308 : vector<16xf32>
      %add3A_2311 = arith.addf %mul3A_2309, %mul3A_2310 : vector<16xf32>
      %sub3A_2312 = arith.subf %add3A_2295, %add3A_2311 : vector<16xf32>
      %mul3A_2313 = arith.mulf %sub3A_2312, %sub3A_2312 : vector<16xf32>
      %mul3A_2314 = vector.broadcast %select_n3A_2277 : f32 to vector<16xf32>
      %mul3A_2315 = arith.mulf %mul3A_2314, %mul3A_2313 : vector<16xf32>
      %add3A_2316 = arith.addf %add3A_2246, %mul3A_2315 : vector<16xf32>
      %get3A_2317 = arith.constant 12 : i32
      %get3A_2318 = arith.index_cast %get3A_2317 : i32 to index
      %get3A_2319 = arith.constant 16 : index
      %get3A_2320 = tpu.vector_load %arg13[%get3A_2318, %get3A_2319] {strides = array<i32>} : memref<16x128xf32, #tpu.memory_space<vmem>>, vector<1x16xf32>,
      %get3A_2321 = vector.shape_cast %get3A_2320 : vector<1x16xf32> to vector<16xf32>
      %get3A_2322 = arith.constant 12 : i32
      %get3A_2323 = arith.index_cast %get3A_2322 : i32 to index
      %get3A_2324 = arith.constant 80 : index
      %get3A_2325 = tpu.vector_load %arg13[%get3A_2323, %get3A_2324] {strides = array<i32>} : memref<16x128xf32, #tpu.memory_space<vmem>>, vector<1x16xf32>,
      %get3A_2326 = vector.shape_cast %get3A_2325 : vector<1x16xf32> to vector<16xf32>
      %sub3A_2327 = arith.subf %get3A_2326, %get3A_2321 : vector<16xf32>
      %mul3A_2328 = arith.mulf %gather3A_2255, %sub3A_2327 : vector<16xf32>
      %add3A_2329 = arith.addf %get3A_2321, %mul3A_2328 : vector<16xf32>
      %get3A_2330 = arith.constant 12 : i32
      %get3A_2331 = arith.index_cast %get3A_2330 : i32 to index
      %get3A_2332 = arith.constant 16 : index
      %get3A_2333 = tpu.vector_load %arg14[%get3A_2331, %get3A_2332] {strides = array<i32>} : memref<16x128xf32, #tpu.memory_space<vmem>>, vector<1x16xf32>,
      %get3A_2334 = vector.shape_cast %get3A_2333 : vector<1x16xf32> to vector<16xf32>
      %get3A_2335 = arith.constant 12 : i32
      %get3A_2336 = arith.index_cast %get3A_2335 : i32 to index
      %get3A_2337 = arith.constant 80 : index
      %get3A_2338 = tpu.vector_load %arg14[%get3A_2336, %get3A_2337] {strides = array<i32>} : memref<16x128xf32, #tpu.memory_space<vmem>>, vector<1x16xf32>,
      %get3A_2339 = vector.shape_cast %get3A_2338 : vector<1x16xf32> to vector<16xf32>
      %sub3A_2340 = arith.subf %get3A_2339, %get3A_2334 : vector<16xf32>
      %mul3A_2341 = arith.mulf %gather3A_2258, %sub3A_2340 : vector<16xf32>
      %add3A_2342 = arith.addf %get3A_2334, %mul3A_2341 : vector<16xf32>
      %mul3A_2343 = arith.mulf %sub3A_2267, %add3A_160 : vector<16xf32>
      %mul3A_2344 = arith.mulf %mul3A_2282, %add3A_2342 : vector<16xf32>
      %add3A_2345 = arith.addf %mul3A_2343, %mul3A_2344 : vector<16xf32>
      %sub3A_2346 = arith.subf %add3A_2329, %add3A_2345 : vector<16xf32>
      %mul3A_2347 = arith.mulf %sub3A_2346, %sub3A_2346 : vector<16xf32>
      %mul3A_2348 = vector.broadcast %select_n3A_2277 : f32 to vector<16xf32>
      %mul3A_2349 = arith.mulf %mul3A_2348, %mul3A_2347 : vector<16xf32>
      %add3A_2350 = arith.addf %add3A_2316, %mul3A_2349 : vector<16xf32>
      %get3A_2351 = arith.constant 12 : i32
      %get3A_2352 = arith.index_cast %get3A_2351 : i32 to index
      %get3A_2353 = arith.constant 32 : index
      %get3A_2354 = tpu.vector_load %arg13[%get3A_2352, %get3A_2353] {strides = array<i32>} : memref<16x128xf32, #tpu.memory_space<vmem>>, vector<1x16xf32>,
      %get3A_2355 = vector.shape_cast %get3A_2354 : vector<1x16xf32> to vector<16xf32>
      %get3A_2356 = arith.constant 12 : i32
      %get3A_2357 = arith.index_cast %get3A_2356 : i32 to index
      %get3A_2358 = arith.constant 96 : index
      %get3A_2359 = tpu.vector_load %arg13[%get3A_2357, %get3A_2358] {strides = array<i32>} : memref<16x128xf32, #tpu.memory_space<vmem>>, vector<1x16xf32>,
      %get3A_2360 = vector.shape_cast %get3A_2359 : vector<1x16xf32> to vector<16xf32>
      %sub3A_2361 = arith.subf %get3A_2360, %get3A_2355 : vector<16xf32>
      %mul3A_2362 = arith.mulf %gather3A_2255, %sub3A_2361 : vector<16xf32>
      %add3A_2363 = arith.addf %get3A_2355, %mul3A_2362 : vector<16xf32>
      %get3A_2364 = arith.constant 12 : i32
      %get3A_2365 = arith.index_cast %get3A_2364 : i32 to index
      %get3A_2366 = arith.constant 32 : index
      %get3A_2367 = tpu.vector_load %arg14[%get3A_2365, %get3A_2366] {strides = array<i32>} : memref<16x128xf32, #tpu.memory_space<vmem>>, vector<1x16xf32>,
      %get3A_2368 = vector.shape_cast %get3A_2367 : vector<1x16xf32> to vector<16xf32>
      %get3A_2369 = arith.constant 12 : i32
      %get3A_2370 = arith.index_cast %get3A_2369 : i32 to index
      %get3A_2371 = arith.constant 96 : index
      %get3A_2372 = tpu.vector_load %arg14[%get3A_2370, %get3A_2371] {strides = array<i32>} : memref<16x128xf32, #tpu.memory_space<vmem>>, vector<1x16xf32>,
      %get3A_2373 = vector.shape_cast %get3A_2372 : vector<1x16xf32> to vector<16xf32>
      %sub3A_2374 = arith.subf %get3A_2373, %get3A_2368 : vector<16xf32>
      %mul3A_2375 = arith.mulf %gather3A_2258, %sub3A_2374 : vector<16xf32>
      %add3A_2376 = arith.addf %get3A_2368, %mul3A_2375 : vector<16xf32>
      %mul3A_2377 = arith.mulf %sub3A_2267, %add3A_171 : vector<16xf32>
      %mul3A_2378 = arith.mulf %mul3A_2282, %add3A_2376 : vector<16xf32>
      %add3A_2379 = arith.addf %mul3A_2377, %mul3A_2378 : vector<16xf32>
      %sub3A_2380 = arith.subf %add3A_2363, %add3A_2379 : vector<16xf32>
      %mul3A_2381 = arith.mulf %sub3A_2380, %sub3A_2380 : vector<16xf32>
      %mul3A_2382 = vector.broadcast %select_n3A_2277 : f32 to vector<16xf32>
      %mul3A_2383 = arith.mulf %mul3A_2382, %mul3A_2381 : vector<16xf32>
      %add3A_2384 = arith.addf %add3A_2350, %mul3A_2383 : vector<16xf32>
      %get3A_2385 = arith.constant 12 : i32
      %get3A_2386 = arith.index_cast %get3A_2385 : i32 to index
      %get3A_2387 = arith.constant 48 : index
      %get3A_2388 = tpu.vector_load %arg13[%get3A_2386, %get3A_2387] {strides = array<i32>} : memref<16x128xf32, #tpu.memory_space<vmem>>, vector<1x16xf32>,
      %get3A_2389 = vector.shape_cast %get3A_2388 : vector<1x16xf32> to vector<16xf32>
      %get3A_2390 = arith.constant 12 : i32
      %get3A_2391 = arith.index_cast %get3A_2390 : i32 to index
      %get3A_2392 = arith.constant 112 : index
      %get3A_2393 = tpu.vector_load %arg13[%get3A_2391, %get3A_2392] {strides = array<i32>} : memref<16x128xf32, #tpu.memory_space<vmem>>, vector<1x16xf32>,
      %get3A_2394 = vector.shape_cast %get3A_2393 : vector<1x16xf32> to vector<16xf32>
      %sub3A_2395 = arith.subf %get3A_2394, %get3A_2389 : vector<16xf32>
      %mul3A_2396 = arith.mulf %gather3A_2255, %sub3A_2395 : vector<16xf32>
      %add3A_2397 = arith.addf %get3A_2389, %mul3A_2396 : vector<16xf32>
      %get3A_2398 = arith.constant 12 : i32
      %get3A_2399 = arith.index_cast %get3A_2398 : i32 to index
      %get3A_2400 = arith.constant 48 : index
      %get3A_2401 = tpu.vector_load %arg14[%get3A_2399, %get3A_2400] {strides = array<i32>} : memref<16x128xf32, #tpu.memory_space<vmem>>, vector<1x16xf32>,
      %get3A_2402 = vector.shape_cast %get3A_2401 : vector<1x16xf32> to vector<16xf32>
      %get3A_2403 = arith.constant 12 : i32
      %get3A_2404 = arith.index_cast %get3A_2403 : i32 to index
      %get3A_2405 = arith.constant 112 : index
      %get3A_2406 = tpu.vector_load %arg14[%get3A_2404, %get3A_2405] {strides = array<i32>} : memref<16x128xf32, #tpu.memory_space<vmem>>, vector<1x16xf32>,
      %get3A_2407 = vector.shape_cast %get3A_2406 : vector<1x16xf32> to vector<16xf32>
      %sub3A_2408 = arith.subf %get3A_2407, %get3A_2402 : vector<16xf32>
      %mul3A_2409 = arith.mulf %gather3A_2258, %sub3A_2408 : vector<16xf32>
      %add3A_2410 = arith.addf %get3A_2402, %mul3A_2409 : vector<16xf32>
      %mul3A_2411 = arith.mulf %sub3A_2267, %add3A_182 : vector<16xf32>
      %mul3A_2412 = arith.mulf %mul3A_2282, %add3A_2410 : vector<16xf32>
      %add3A_2413 = arith.addf %mul3A_2411, %mul3A_2412 : vector<16xf32>
      %sub3A_2414 = arith.subf %add3A_2397, %add3A_2413 : vector<16xf32>
      %mul3A_2415 = arith.mulf %sub3A_2414, %sub3A_2414 : vector<16xf32>
      %mul3A_2416 = vector.broadcast %select_n3A_2277 : f32 to vector<16xf32>
      %mul3A_2417 = arith.mulf %mul3A_2416, %mul3A_2415 : vector<16xf32>
      %add3A_2418 = arith.addf %add3A_2384, %mul3A_2417 : vector<16xf32>
      %add3A_2419 = arith.constant 13 : i32
      %add3A_2420 = arith.addi %mul3A_2, %add3A_2419 : i32
      %and3A_2421 = arith.constant 63 : i32
      %and3A_2422 = arith.andi %add3A_2420, %and3A_2421 : i32
      %broadcast_in_dim3A_2423 = arith.constant 13 : i32
      %broadcast_in_dim3A_2424 = vector.broadcast %broadcast_in_dim3A_2423 : i32 to vector<16xi32>
      %broadcast_in_dim3A_2425 = vector.shape_cast %broadcast_in_dim3A_2424 : vector<16xi32> to vector<16x1xi32>
      %gather3A_2426 = vector.shape_cast %broadcast_in_dim3A_2425 : vector<16x1xi32> to vector<16xi32>
      %gather3A_2427 = tpu.dynamic_gather %convert_element_type3A_96[%gather3A_2426] in [0] : vector<16xf32>, vector<16xi32> -> vector<16xf32>
      %broadcast_in_dim3A_2428 = vector.shape_cast %broadcast_in_dim3A_2424 : vector<16xi32> to vector<16x1xi32>
      %gather3A_2429 = vector.shape_cast %broadcast_in_dim3A_2428 : vector<16x1xi32> to vector<16xi32>
      %gather3A_2430 = tpu.dynamic_gather %convert_element_type3A_100[%gather3A_2429] in [0] : vector<16xf32>, vector<16xi32> -> vector<16xf32>
      %sub3A_2431 = arith.subi %sub3A_135, %broadcast_in_dim3A_2424 : vector<16xi32>
      %convert_element_type3A_2432 = arith.sitofp %sub3A_2431 : vector<16xi32> to vector<16xf32>
      %abs3A_2433 = math.absf %convert_element_type3A_2432 : vector<16xf32>
      %min3A_2434 = arith.constant 1.000000e+00 : f32
      %min3A_2435 = vector.broadcast %min3A_2434 : f32 to vector<16xf32>
      %min3A_2436 = arith.minimumf %abs3A_2433, %min3A_2435 : vector<16xf32>
      %sub3A_2437 = arith.constant 1.000000e+00 : f32
      %sub3A_2438 = vector.broadcast %sub3A_2437 : f32 to vector<16xf32>
      %sub3A_2439 = arith.subf %sub3A_2438, %min3A_2436 : vector<16xf32>
      %le3A_2440 = arith.constant 61 : i32
      %le3A_2441 = arith.cmpi sle, %and3A_2422, %le3A_2440 : i32
      %jit3A_2442 = arith.constant 9.900000e-01 : f32
      %jit3A_2443 = arith.constant 0.000000e+00 : f32
      %select_n3A_2444 = arith.select %le3A_2441, %jit3A_2442, %jit3A_2443 : f32
      %le3A_2445 = arith.constant 62 : i32
      %le3A_2446 = arith.cmpi sle, %and3A_2422, %le3A_2445 : i32
      %jit3A_2447 = arith.constant 1.000000e+00 : f32
      %jit3A_2448 = arith.constant 0.000000e+00 : f32
      %select_n3A_2449 = arith.select %le3A_2446, %jit3A_2447, %jit3A_2448 : f32
      %sub3A_2450 = arith.constant 1.000000e+00 : f32
      %sub3A_2451 = vector.broadcast %sub3A_2450 : f32 to vector<16xf32>
      %sub3A_2452 = arith.subf %sub3A_2451, %sub3A_2439 : vector<16xf32>
      %mul3A_2453 = vector.broadcast %select_n3A_2444 : f32 to vector<16xf32>
      %mul3A_2454 = arith.mulf %sub3A_2452, %mul3A_2453 : vector<16xf32>
      %get3A_2455 = arith.constant 13 : i32
      %get3A_2456 = arith.index_cast %get3A_2455 : i32 to index
      %get3A_2457 = arith.constant 0 : index
      %get3A_2458 = tpu.vector_load %arg13[%get3A_2456, %get3A_2457] {strides = array<i32>} : memref<16x128xf32, #tpu.memory_space<vmem>>, vector<1x16xf32>,
      %get3A_2459 = vector.shape_cast %get3A_2458 : vector<1x16xf32> to vector<16xf32>
      %get3A_2460 = arith.constant 13 : i32
      %get3A_2461 = arith.index_cast %get3A_2460 : i32 to index
      %get3A_2462 = arith.constant 64 : index
      %get3A_2463 = tpu.vector_load %arg13[%get3A_2461, %get3A_2462] {strides = array<i32>} : memref<16x128xf32, #tpu.memory_space<vmem>>, vector<1x16xf32>,
      %get3A_2464 = vector.shape_cast %get3A_2463 : vector<1x16xf32> to vector<16xf32>
      %sub3A_2465 = arith.subf %get3A_2464, %get3A_2459 : vector<16xf32>
      %mul3A_2466 = arith.mulf %gather3A_2427, %sub3A_2465 : vector<16xf32>
      %add3A_2467 = arith.addf %get3A_2459, %mul3A_2466 : vector<16xf32>
      %get3A_2468 = arith.constant 13 : i32
      %get3A_2469 = arith.index_cast %get3A_2468 : i32 to index
      %get3A_2470 = arith.constant 0 : index
      %get3A_2471 = tpu.vector_load %arg14[%get3A_2469, %get3A_2470] {strides = array<i32>} : memref<16x128xf32, #tpu.memory_space<vmem>>, vector<1x16xf32>,
      %get3A_2472 = vector.shape_cast %get3A_2471 : vector<1x16xf32> to vector<16xf32>
      %get3A_2473 = arith.constant 13 : i32
      %get3A_2474 = arith.index_cast %get3A_2473 : i32 to index
      %get3A_2475 = arith.constant 64 : index
      %get3A_2476 = tpu.vector_load %arg14[%get3A_2474, %get3A_2475] {strides = array<i32>} : memref<16x128xf32, #tpu.memory_space<vmem>>, vector<1x16xf32>,
      %get3A_2477 = vector.shape_cast %get3A_2476 : vector<1x16xf32> to vector<16xf32>
      %sub3A_2478 = arith.subf %get3A_2477, %get3A_2472 : vector<16xf32>
      %mul3A_2479 = arith.mulf %gather3A_2430, %sub3A_2478 : vector<16xf32>
      %add3A_2480 = arith.addf %get3A_2472, %mul3A_2479 : vector<16xf32>
      %mul3A_2481 = arith.mulf %sub3A_2439, %add3A_149 : vector<16xf32>
      %mul3A_2482 = arith.mulf %mul3A_2454, %add3A_2480 : vector<16xf32>
      %add3A_2483 = arith.addf %mul3A_2481, %mul3A_2482 : vector<16xf32>
      %sub3A_2484 = arith.subf %add3A_2467, %add3A_2483 : vector<16xf32>
      %mul3A_2485 = arith.mulf %sub3A_2484, %sub3A_2484 : vector<16xf32>
      %mul3A_2486 = vector.broadcast %select_n3A_2449 : f32 to vector<16xf32>
      %mul3A_2487 = arith.mulf %mul3A_2486, %mul3A_2485 : vector<16xf32>
      %add3A_2488 = arith.addf %add3A_2418, %mul3A_2487 : vector<16xf32>
      %get3A_2489 = arith.constant 13 : i32
      %get3A_2490 = arith.index_cast %get3A_2489 : i32 to index
      %get3A_2491 = arith.constant 16 : index
      %get3A_2492 = tpu.vector_load %arg13[%get3A_2490, %get3A_2491] {strides = array<i32>} : memref<16x128xf32, #tpu.memory_space<vmem>>, vector<1x16xf32>,
      %get3A_2493 = vector.shape_cast %get3A_2492 : vector<1x16xf32> to vector<16xf32>
      %get3A_2494 = arith.constant 13 : i32
      %get3A_2495 = arith.index_cast %get3A_2494 : i32 to index
      %get3A_2496 = arith.constant 80 : index
      %get3A_2497 = tpu.vector_load %arg13[%get3A_2495, %get3A_2496] {strides = array<i32>} : memref<16x128xf32, #tpu.memory_space<vmem>>, vector<1x16xf32>,
      %get3A_2498 = vector.shape_cast %get3A_2497 : vector<1x16xf32> to vector<16xf32>
      %sub3A_2499 = arith.subf %get3A_2498, %get3A_2493 : vector<16xf32>
      %mul3A_2500 = arith.mulf %gather3A_2427, %sub3A_2499 : vector<16xf32>
      %add3A_2501 = arith.addf %get3A_2493, %mul3A_2500 : vector<16xf32>
      %get3A_2502 = arith.constant 13 : i32
      %get3A_2503 = arith.index_cast %get3A_2502 : i32 to index
      %get3A_2504 = arith.constant 16 : index
      %get3A_2505 = tpu.vector_load %arg14[%get3A_2503, %get3A_2504] {strides = array<i32>} : memref<16x128xf32, #tpu.memory_space<vmem>>, vector<1x16xf32>,
      %get3A_2506 = vector.shape_cast %get3A_2505 : vector<1x16xf32> to vector<16xf32>
      %get3A_2507 = arith.constant 13 : i32
      %get3A_2508 = arith.index_cast %get3A_2507 : i32 to index
      %get3A_2509 = arith.constant 80 : index
      %get3A_2510 = tpu.vector_load %arg14[%get3A_2508, %get3A_2509] {strides = array<i32>} : memref<16x128xf32, #tpu.memory_space<vmem>>, vector<1x16xf32>,
      %get3A_2511 = vector.shape_cast %get3A_2510 : vector<1x16xf32> to vector<16xf32>
      %sub3A_2512 = arith.subf %get3A_2511, %get3A_2506 : vector<16xf32>
      %mul3A_2513 = arith.mulf %gather3A_2430, %sub3A_2512 : vector<16xf32>
      %add3A_2514 = arith.addf %get3A_2506, %mul3A_2513 : vector<16xf32>
      %mul3A_2515 = arith.mulf %sub3A_2439, %add3A_160 : vector<16xf32>
      %mul3A_2516 = arith.mulf %mul3A_2454, %add3A_2514 : vector<16xf32>
      %add3A_2517 = arith.addf %mul3A_2515, %mul3A_2516 : vector<16xf32>
      %sub3A_2518 = arith.subf %add3A_2501, %add3A_2517 : vector<16xf32>
      %mul3A_2519 = arith.mulf %sub3A_2518, %sub3A_2518 : vector<16xf32>
      %mul3A_2520 = vector.broadcast %select_n3A_2449 : f32 to vector<16xf32>
      %mul3A_2521 = arith.mulf %mul3A_2520, %mul3A_2519 : vector<16xf32>
      %add3A_2522 = arith.addf %add3A_2488, %mul3A_2521 : vector<16xf32>
      %get3A_2523 = arith.constant 13 : i32
      %get3A_2524 = arith.index_cast %get3A_2523 : i32 to index
      %get3A_2525 = arith.constant 32 : index
      %get3A_2526 = tpu.vector_load %arg13[%get3A_2524, %get3A_2525] {strides = array<i32>} : memref<16x128xf32, #tpu.memory_space<vmem>>, vector<1x16xf32>,
      %get3A_2527 = vector.shape_cast %get3A_2526 : vector<1x16xf32> to vector<16xf32>
      %get3A_2528 = arith.constant 13 : i32
      %get3A_2529 = arith.index_cast %get3A_2528 : i32 to index
      %get3A_2530 = arith.constant 96 : index
      %get3A_2531 = tpu.vector_load %arg13[%get3A_2529, %get3A_2530] {strides = array<i32>} : memref<16x128xf32, #tpu.memory_space<vmem>>, vector<1x16xf32>,
      %get3A_2532 = vector.shape_cast %get3A_2531 : vector<1x16xf32> to vector<16xf32>
      %sub3A_2533 = arith.subf %get3A_2532, %get3A_2527 : vector<16xf32>
      %mul3A_2534 = arith.mulf %gather3A_2427, %sub3A_2533 : vector<16xf32>
      %add3A_2535 = arith.addf %get3A_2527, %mul3A_2534 : vector<16xf32>
      %get3A_2536 = arith.constant 13 : i32
      %get3A_2537 = arith.index_cast %get3A_2536 : i32 to index
      %get3A_2538 = arith.constant 32 : index
      %get3A_2539 = tpu.vector_load %arg14[%get3A_2537, %get3A_2538] {strides = array<i32>} : memref<16x128xf32, #tpu.memory_space<vmem>>, vector<1x16xf32>,
      %get3A_2540 = vector.shape_cast %get3A_2539 : vector<1x16xf32> to vector<16xf32>
      %get3A_2541 = arith.constant 13 : i32
      %get3A_2542 = arith.index_cast %get3A_2541 : i32 to index
      %get3A_2543 = arith.constant 96 : index
      %get3A_2544 = tpu.vector_load %arg14[%get3A_2542, %get3A_2543] {strides = array<i32>} : memref<16x128xf32, #tpu.memory_space<vmem>>, vector<1x16xf32>,
      %get3A_2545 = vector.shape_cast %get3A_2544 : vector<1x16xf32> to vector<16xf32>
      %sub3A_2546 = arith.subf %get3A_2545, %get3A_2540 : vector<16xf32>
      %mul3A_2547 = arith.mulf %gather3A_2430, %sub3A_2546 : vector<16xf32>
      %add3A_2548 = arith.addf %get3A_2540, %mul3A_2547 : vector<16xf32>
      %mul3A_2549 = arith.mulf %sub3A_2439, %add3A_171 : vector<16xf32>
      %mul3A_2550 = arith.mulf %mul3A_2454, %add3A_2548 : vector<16xf32>
      %add3A_2551 = arith.addf %mul3A_2549, %mul3A_2550 : vector<16xf32>
      %sub3A_2552 = arith.subf %add3A_2535, %add3A_2551 : vector<16xf32>
      %mul3A_2553 = arith.mulf %sub3A_2552, %sub3A_2552 : vector<16xf32>
      %mul3A_2554 = vector.broadcast %select_n3A_2449 : f32 to vector<16xf32>
      %mul3A_2555 = arith.mulf %mul3A_2554, %mul3A_2553 : vector<16xf32>
      %add3A_2556 = arith.addf %add3A_2522, %mul3A_2555 : vector<16xf32>
      %get3A_2557 = arith.constant 13 : i32
      %get3A_2558 = arith.index_cast %get3A_2557 : i32 to index
      %get3A_2559 = arith.constant 48 : index
      %get3A_2560 = tpu.vector_load %arg13[%get3A_2558, %get3A_2559] {strides = array<i32>} : memref<16x128xf32, #tpu.memory_space<vmem>>, vector<1x16xf32>,
      %get3A_2561 = vector.shape_cast %get3A_2560 : vector<1x16xf32> to vector<16xf32>
      %get3A_2562 = arith.constant 13 : i32
      %get3A_2563 = arith.index_cast %get3A_2562 : i32 to index
      %get3A_2564 = arith.constant 112 : index
      %get3A_2565 = tpu.vector_load %arg13[%get3A_2563, %get3A_2564] {strides = array<i32>} : memref<16x128xf32, #tpu.memory_space<vmem>>, vector<1x16xf32>,
      %get3A_2566 = vector.shape_cast %get3A_2565 : vector<1x16xf32> to vector<16xf32>
      %sub3A_2567 = arith.subf %get3A_2566, %get3A_2561 : vector<16xf32>
      %mul3A_2568 = arith.mulf %gather3A_2427, %sub3A_2567 : vector<16xf32>
      %add3A_2569 = arith.addf %get3A_2561, %mul3A_2568 : vector<16xf32>
      %get3A_2570 = arith.constant 13 : i32
      %get3A_2571 = arith.index_cast %get3A_2570 : i32 to index
      %get3A_2572 = arith.constant 48 : index
      %get3A_2573 = tpu.vector_load %arg14[%get3A_2571, %get3A_2572] {strides = array<i32>} : memref<16x128xf32, #tpu.memory_space<vmem>>, vector<1x16xf32>,
      %get3A_2574 = vector.shape_cast %get3A_2573 : vector<1x16xf32> to vector<16xf32>
      %get3A_2575 = arith.constant 13 : i32
      %get3A_2576 = arith.index_cast %get3A_2575 : i32 to index
      %get3A_2577 = arith.constant 112 : index
      %get3A_2578 = tpu.vector_load %arg14[%get3A_2576, %get3A_2577] {strides = array<i32>} : memref<16x128xf32, #tpu.memory_space<vmem>>, vector<1x16xf32>,
      %get3A_2579 = vector.shape_cast %get3A_2578 : vector<1x16xf32> to vector<16xf32>
      %sub3A_2580 = arith.subf %get3A_2579, %get3A_2574 : vector<16xf32>
      %mul3A_2581 = arith.mulf %gather3A_2430, %sub3A_2580 : vector<16xf32>
      %add3A_2582 = arith.addf %get3A_2574, %mul3A_2581 : vector<16xf32>
      %mul3A_2583 = arith.mulf %sub3A_2439, %add3A_182 : vector<16xf32>
      %mul3A_2584 = arith.mulf %mul3A_2454, %add3A_2582 : vector<16xf32>
      %add3A_2585 = arith.addf %mul3A_2583, %mul3A_2584 : vector<16xf32>
      %sub3A_2586 = arith.subf %add3A_2569, %add3A_2585 : vector<16xf32>
      %mul3A_2587 = arith.mulf %sub3A_2586, %sub3A_2586 : vector<16xf32>
      %mul3A_2588 = vector.broadcast %select_n3A_2449 : f32 to vector<16xf32>
      %mul3A_2589 = arith.mulf %mul3A_2588, %mul3A_2587 : vector<16xf32>
      %add3A_2590 = arith.addf %add3A_2556, %mul3A_2589 : vector<16xf32>
      %add3A_2591 = arith.constant 14 : i32
      %add3A_2592 = arith.addi %mul3A_2, %add3A_2591 : i32
      %and3A_2593 = arith.constant 63 : i32
      %and3A_2594 = arith.andi %add3A_2592, %and3A_2593 : i32
      %broadcast_in_dim3A_2595 = arith.constant 14 : i32
      %broadcast_in_dim3A_2596 = vector.broadcast %broadcast_in_dim3A_2595 : i32 to vector<16xi32>
      %broadcast_in_dim3A_2597 = vector.shape_cast %broadcast_in_dim3A_2596 : vector<16xi32> to vector<16x1xi32>
      %gather3A_2598 = vector.shape_cast %broadcast_in_dim3A_2597 : vector<16x1xi32> to vector<16xi32>
      %gather3A_2599 = tpu.dynamic_gather %convert_element_type3A_96[%gather3A_2598] in [0] : vector<16xf32>, vector<16xi32> -> vector<16xf32>
      %broadcast_in_dim3A_2600 = vector.shape_cast %broadcast_in_dim3A_2596 : vector<16xi32> to vector<16x1xi32>
      %gather3A_2601 = vector.shape_cast %broadcast_in_dim3A_2600 : vector<16x1xi32> to vector<16xi32>
      %gather3A_2602 = tpu.dynamic_gather %convert_element_type3A_100[%gather3A_2601] in [0] : vector<16xf32>, vector<16xi32> -> vector<16xf32>
      %sub3A_2603 = arith.subi %sub3A_135, %broadcast_in_dim3A_2596 : vector<16xi32>
      %convert_element_type3A_2604 = arith.sitofp %sub3A_2603 : vector<16xi32> to vector<16xf32>
      %abs3A_2605 = math.absf %convert_element_type3A_2604 : vector<16xf32>
      %min3A_2606 = arith.constant 1.000000e+00 : f32
      %min3A_2607 = vector.broadcast %min3A_2606 : f32 to vector<16xf32>
      %min3A_2608 = arith.minimumf %abs3A_2605, %min3A_2607 : vector<16xf32>
      %sub3A_2609 = arith.constant 1.000000e+00 : f32
      %sub3A_2610 = vector.broadcast %sub3A_2609 : f32 to vector<16xf32>
      %sub3A_2611 = arith.subf %sub3A_2610, %min3A_2608 : vector<16xf32>
      %le3A_2612 = arith.constant 61 : i32
      %le3A_2613 = arith.cmpi sle, %and3A_2594, %le3A_2612 : i32
      %jit3A_2614 = arith.constant 9.900000e-01 : f32
      %jit3A_2615 = arith.constant 0.000000e+00 : f32
      %select_n3A_2616 = arith.select %le3A_2613, %jit3A_2614, %jit3A_2615 : f32
      %le3A_2617 = arith.constant 62 : i32
      %le3A_2618 = arith.cmpi sle, %and3A_2594, %le3A_2617 : i32
      %jit3A_2619 = arith.constant 1.000000e+00 : f32
      %jit3A_2620 = arith.constant 0.000000e+00 : f32
      %select_n3A_2621 = arith.select %le3A_2618, %jit3A_2619, %jit3A_2620 : f32
      %sub3A_2622 = arith.constant 1.000000e+00 : f32
      %sub3A_2623 = vector.broadcast %sub3A_2622 : f32 to vector<16xf32>
      %sub3A_2624 = arith.subf %sub3A_2623, %sub3A_2611 : vector<16xf32>
      %mul3A_2625 = vector.broadcast %select_n3A_2616 : f32 to vector<16xf32>
      %mul3A_2626 = arith.mulf %sub3A_2624, %mul3A_2625 : vector<16xf32>
      %get3A_2627 = arith.constant 14 : i32
      %get3A_2628 = arith.index_cast %get3A_2627 : i32 to index
      %get3A_2629 = arith.constant 0 : index
      %get3A_2630 = tpu.vector_load %arg13[%get3A_2628, %get3A_2629] {strides = array<i32>} : memref<16x128xf32, #tpu.memory_space<vmem>>, vector<1x16xf32>,
      %get3A_2631 = vector.shape_cast %get3A_2630 : vector<1x16xf32> to vector<16xf32>
      %get3A_2632 = arith.constant 14 : i32
      %get3A_2633 = arith.index_cast %get3A_2632 : i32 to index
      %get3A_2634 = arith.constant 64 : index
      %get3A_2635 = tpu.vector_load %arg13[%get3A_2633, %get3A_2634] {strides = array<i32>} : memref<16x128xf32, #tpu.memory_space<vmem>>, vector<1x16xf32>,
      %get3A_2636 = vector.shape_cast %get3A_2635 : vector<1x16xf32> to vector<16xf32>
      %sub3A_2637 = arith.subf %get3A_2636, %get3A_2631 : vector<16xf32>
      %mul3A_2638 = arith.mulf %gather3A_2599, %sub3A_2637 : vector<16xf32>
      %add3A_2639 = arith.addf %get3A_2631, %mul3A_2638 : vector<16xf32>
      %get3A_2640 = arith.constant 14 : i32
      %get3A_2641 = arith.index_cast %get3A_2640 : i32 to index
      %get3A_2642 = arith.constant 0 : index
      %get3A_2643 = tpu.vector_load %arg14[%get3A_2641, %get3A_2642] {strides = array<i32>} : memref<16x128xf32, #tpu.memory_space<vmem>>, vector<1x16xf32>,
      %get3A_2644 = vector.shape_cast %get3A_2643 : vector<1x16xf32> to vector<16xf32>
      %get3A_2645 = arith.constant 14 : i32
      %get3A_2646 = arith.index_cast %get3A_2645 : i32 to index
      %get3A_2647 = arith.constant 64 : index
      %get3A_2648 = tpu.vector_load %arg14[%get3A_2646, %get3A_2647] {strides = array<i32>} : memref<16x128xf32, #tpu.memory_space<vmem>>, vector<1x16xf32>,
      %get3A_2649 = vector.shape_cast %get3A_2648 : vector<1x16xf32> to vector<16xf32>
      %sub3A_2650 = arith.subf %get3A_2649, %get3A_2644 : vector<16xf32>
      %mul3A_2651 = arith.mulf %gather3A_2602, %sub3A_2650 : vector<16xf32>
      %add3A_2652 = arith.addf %get3A_2644, %mul3A_2651 : vector<16xf32>
      %mul3A_2653 = arith.mulf %sub3A_2611, %add3A_149 : vector<16xf32>
      %mul3A_2654 = arith.mulf %mul3A_2626, %add3A_2652 : vector<16xf32>
      %add3A_2655 = arith.addf %mul3A_2653, %mul3A_2654 : vector<16xf32>
      %sub3A_2656 = arith.subf %add3A_2639, %add3A_2655 : vector<16xf32>
      %mul3A_2657 = arith.mulf %sub3A_2656, %sub3A_2656 : vector<16xf32>
      %mul3A_2658 = vector.broadcast %select_n3A_2621 : f32 to vector<16xf32>
      %mul3A_2659 = arith.mulf %mul3A_2658, %mul3A_2657 : vector<16xf32>
      %add3A_2660 = arith.addf %add3A_2590, %mul3A_2659 : vector<16xf32>
      %get3A_2661 = arith.constant 14 : i32
      %get3A_2662 = arith.index_cast %get3A_2661 : i32 to index
      %get3A_2663 = arith.constant 16 : index
      %get3A_2664 = tpu.vector_load %arg13[%get3A_2662, %get3A_2663] {strides = array<i32>} : memref<16x128xf32, #tpu.memory_space<vmem>>, vector<1x16xf32>,
      %get3A_2665 = vector.shape_cast %get3A_2664 : vector<1x16xf32> to vector<16xf32>
      %get3A_2666 = arith.constant 14 : i32
      %get3A_2667 = arith.index_cast %get3A_2666 : i32 to index
      %get3A_2668 = arith.constant 80 : index
      %get3A_2669 = tpu.vector_load %arg13[%get3A_2667, %get3A_2668] {strides = array<i32>} : memref<16x128xf32, #tpu.memory_space<vmem>>, vector<1x16xf32>,
      %get3A_2670 = vector.shape_cast %get3A_2669 : vector<1x16xf32> to vector<16xf32>
      %sub3A_2671 = arith.subf %get3A_2670, %get3A_2665 : vector<16xf32>
      %mul3A_2672 = arith.mulf %gather3A_2599, %sub3A_2671 : vector<16xf32>
      %add3A_2673 = arith.addf %get3A_2665, %mul3A_2672 : vector<16xf32>
      %get3A_2674 = arith.constant 14 : i32
      %get3A_2675 = arith.index_cast %get3A_2674 : i32 to index
      %get3A_2676 = arith.constant 16 : index
      %get3A_2677 = tpu.vector_load %arg14[%get3A_2675, %get3A_2676] {strides = array<i32>} : memref<16x128xf32, #tpu.memory_space<vmem>>, vector<1x16xf32>,
      %get3A_2678 = vector.shape_cast %get3A_2677 : vector<1x16xf32> to vector<16xf32>
      %get3A_2679 = arith.constant 14 : i32
      %get3A_2680 = arith.index_cast %get3A_2679 : i32 to index
      %get3A_2681 = arith.constant 80 : index
      %get3A_2682 = tpu.vector_load %arg14[%get3A_2680, %get3A_2681] {strides = array<i32>} : memref<16x128xf32, #tpu.memory_space<vmem>>, vector<1x16xf32>,
      %get3A_2683 = vector.shape_cast %get3A_2682 : vector<1x16xf32> to vector<16xf32>
      %sub3A_2684 = arith.subf %get3A_2683, %get3A_2678 : vector<16xf32>
      %mul3A_2685 = arith.mulf %gather3A_2602, %sub3A_2684 : vector<16xf32>
      %add3A_2686 = arith.addf %get3A_2678, %mul3A_2685 : vector<16xf32>
      %mul3A_2687 = arith.mulf %sub3A_2611, %add3A_160 : vector<16xf32>
      %mul3A_2688 = arith.mulf %mul3A_2626, %add3A_2686 : vector<16xf32>
      %add3A_2689 = arith.addf %mul3A_2687, %mul3A_2688 : vector<16xf32>
      %sub3A_2690 = arith.subf %add3A_2673, %add3A_2689 : vector<16xf32>
      %mul3A_2691 = arith.mulf %sub3A_2690, %sub3A_2690 : vector<16xf32>
      %mul3A_2692 = vector.broadcast %select_n3A_2621 : f32 to vector<16xf32>
      %mul3A_2693 = arith.mulf %mul3A_2692, %mul3A_2691 : vector<16xf32>
      %add3A_2694 = arith.addf %add3A_2660, %mul3A_2693 : vector<16xf32>
      %get3A_2695 = arith.constant 14 : i32
      %get3A_2696 = arith.index_cast %get3A_2695 : i32 to index
      %get3A_2697 = arith.constant 32 : index
      %get3A_2698 = tpu.vector_load %arg13[%get3A_2696, %get3A_2697] {strides = array<i32>} : memref<16x128xf32, #tpu.memory_space<vmem>>, vector<1x16xf32>,
      %get3A_2699 = vector.shape_cast %get3A_2698 : vector<1x16xf32> to vector<16xf32>
      %get3A_2700 = arith.constant 14 : i32
      %get3A_2701 = arith.index_cast %get3A_2700 : i32 to index
      %get3A_2702 = arith.constant 96 : index
      %get3A_2703 = tpu.vector_load %arg13[%get3A_2701, %get3A_2702] {strides = array<i32>} : memref<16x128xf32, #tpu.memory_space<vmem>>, vector<1x16xf32>,
      %get3A_2704 = vector.shape_cast %get3A_2703 : vector<1x16xf32> to vector<16xf32>
      %sub3A_2705 = arith.subf %get3A_2704, %get3A_2699 : vector<16xf32>
      %mul3A_2706 = arith.mulf %gather3A_2599, %sub3A_2705 : vector<16xf32>
      %add3A_2707 = arith.addf %get3A_2699, %mul3A_2706 : vector<16xf32>
      %get3A_2708 = arith.constant 14 : i32
      %get3A_2709 = arith.index_cast %get3A_2708 : i32 to index
      %get3A_2710 = arith.constant 32 : index
      %get3A_2711 = tpu.vector_load %arg14[%get3A_2709, %get3A_2710] {strides = array<i32>} : memref<16x128xf32, #tpu.memory_space<vmem>>, vector<1x16xf32>,
      %get3A_2712 = vector.shape_cast %get3A_2711 : vector<1x16xf32> to vector<16xf32>
      %get3A_2713 = arith.constant 14 : i32
      %get3A_2714 = arith.index_cast %get3A_2713 : i32 to index
      %get3A_2715 = arith.constant 96 : index
      %get3A_2716 = tpu.vector_load %arg14[%get3A_2714, %get3A_2715] {strides = array<i32>} : memref<16x128xf32, #tpu.memory_space<vmem>>, vector<1x16xf32>,
      %get3A_2717 = vector.shape_cast %get3A_2716 : vector<1x16xf32> to vector<16xf32>
      %sub3A_2718 = arith.subf %get3A_2717, %get3A_2712 : vector<16xf32>
      %mul3A_2719 = arith.mulf %gather3A_2602, %sub3A_2718 : vector<16xf32>
      %add3A_2720 = arith.addf %get3A_2712, %mul3A_2719 : vector<16xf32>
      %mul3A_2721 = arith.mulf %sub3A_2611, %add3A_171 : vector<16xf32>
      %mul3A_2722 = arith.mulf %mul3A_2626, %add3A_2720 : vector<16xf32>
      %add3A_2723 = arith.addf %mul3A_2721, %mul3A_2722 : vector<16xf32>
      %sub3A_2724 = arith.subf %add3A_2707, %add3A_2723 : vector<16xf32>
      %mul3A_2725 = arith.mulf %sub3A_2724, %sub3A_2724 : vector<16xf32>
      %mul3A_2726 = vector.broadcast %select_n3A_2621 : f32 to vector<16xf32>
      %mul3A_2727 = arith.mulf %mul3A_2726, %mul3A_2725 : vector<16xf32>
      %add3A_2728 = arith.addf %add3A_2694, %mul3A_2727 : vector<16xf32>
      %get3A_2729 = arith.constant 14 : i32
      %get3A_2730 = arith.index_cast %get3A_2729 : i32 to index
      %get3A_2731 = arith.constant 48 : index
      %get3A_2732 = tpu.vector_load %arg13[%get3A_2730, %get3A_2731] {strides = array<i32>} : memref<16x128xf32, #tpu.memory_space<vmem>>, vector<1x16xf32>,
      %get3A_2733 = vector.shape_cast %get3A_2732 : vector<1x16xf32> to vector<16xf32>
      %get3A_2734 = arith.constant 14 : i32
      %get3A_2735 = arith.index_cast %get3A_2734 : i32 to index
      %get3A_2736 = arith.constant 112 : index
      %get3A_2737 = tpu.vector_load %arg13[%get3A_2735, %get3A_2736] {strides = array<i32>} : memref<16x128xf32, #tpu.memory_space<vmem>>, vector<1x16xf32>,
      %get3A_2738 = vector.shape_cast %get3A_2737 : vector<1x16xf32> to vector<16xf32>
      %sub3A_2739 = arith.subf %get3A_2738, %get3A_2733 : vector<16xf32>
      %mul3A_2740 = arith.mulf %gather3A_2599, %sub3A_2739 : vector<16xf32>
      %add3A_2741 = arith.addf %get3A_2733, %mul3A_2740 : vector<16xf32>
      %get3A_2742 = arith.constant 14 : i32
      %get3A_2743 = arith.index_cast %get3A_2742 : i32 to index
      %get3A_2744 = arith.constant 48 : index
      %get3A_2745 = tpu.vector_load %arg14[%get3A_2743, %get3A_2744] {strides = array<i32>} : memref<16x128xf32, #tpu.memory_space<vmem>>, vector<1x16xf32>,
      %get3A_2746 = vector.shape_cast %get3A_2745 : vector<1x16xf32> to vector<16xf32>
      %get3A_2747 = arith.constant 14 : i32
      %get3A_2748 = arith.index_cast %get3A_2747 : i32 to index
      %get3A_2749 = arith.constant 112 : index
      %get3A_2750 = tpu.vector_load %arg14[%get3A_2748, %get3A_2749] {strides = array<i32>} : memref<16x128xf32, #tpu.memory_space<vmem>>, vector<1x16xf32>,
      %get3A_2751 = vector.shape_cast %get3A_2750 : vector<1x16xf32> to vector<16xf32>
      %sub3A_2752 = arith.subf %get3A_2751, %get3A_2746 : vector<16xf32>
      %mul3A_2753 = arith.mulf %gather3A_2602, %sub3A_2752 : vector<16xf32>
      %add3A_2754 = arith.addf %get3A_2746, %mul3A_2753 : vector<16xf32>
      %mul3A_2755 = arith.mulf %sub3A_2611, %add3A_182 : vector<16xf32>
      %mul3A_2756 = arith.mulf %mul3A_2626, %add3A_2754 : vector<16xf32>
      %add3A_2757 = arith.addf %mul3A_2755, %mul3A_2756 : vector<16xf32>
      %sub3A_2758 = arith.subf %add3A_2741, %add3A_2757 : vector<16xf32>
      %mul3A_2759 = arith.mulf %sub3A_2758, %sub3A_2758 : vector<16xf32>
      %mul3A_2760 = vector.broadcast %select_n3A_2621 : f32 to vector<16xf32>
      %mul3A_2761 = arith.mulf %mul3A_2760, %mul3A_2759 : vector<16xf32>
      %add3A_2762 = arith.addf %add3A_2728, %mul3A_2761 : vector<16xf32>
      %add3A_2763 = arith.constant 15 : i32
      %add3A_2764 = arith.addi %mul3A_2, %add3A_2763 : i32
      %and3A_2765 = arith.constant 63 : i32
      %and3A_2766 = arith.andi %add3A_2764, %and3A_2765 : i32
      %broadcast_in_dim3A_2767 = arith.constant 15 : i32
      %broadcast_in_dim3A_2768 = vector.broadcast %broadcast_in_dim3A_2767 : i32 to vector<16xi32>
      %broadcast_in_dim3A_2769 = vector.shape_cast %broadcast_in_dim3A_2768 : vector<16xi32> to vector<16x1xi32>
      %gather3A_2770 = vector.shape_cast %broadcast_in_dim3A_2769 : vector<16x1xi32> to vector<16xi32>
      %gather3A_2771 = tpu.dynamic_gather %convert_element_type3A_96[%gather3A_2770] in [0] : vector<16xf32>, vector<16xi32> -> vector<16xf32>
      %broadcast_in_dim3A_2772 = vector.shape_cast %broadcast_in_dim3A_2768 : vector<16xi32> to vector<16x1xi32>
      %gather3A_2773 = vector.shape_cast %broadcast_in_dim3A_2772 : vector<16x1xi32> to vector<16xi32>
      %gather3A_2774 = tpu.dynamic_gather %convert_element_type3A_100[%gather3A_2773] in [0] : vector<16xf32>, vector<16xi32> -> vector<16xf32>
      %sub3A_2775 = arith.subi %sub3A_135, %broadcast_in_dim3A_2768 : vector<16xi32>
      %convert_element_type3A_2776 = arith.sitofp %sub3A_2775 : vector<16xi32> to vector<16xf32>
      %abs3A_2777 = math.absf %convert_element_type3A_2776 : vector<16xf32>
      %min3A_2778 = arith.constant 1.000000e+00 : f32
      %min3A_2779 = vector.broadcast %min3A_2778 : f32 to vector<16xf32>
      %min3A_2780 = arith.minimumf %abs3A_2777, %min3A_2779 : vector<16xf32>
      %sub3A_2781 = arith.constant 1.000000e+00 : f32
      %sub3A_2782 = vector.broadcast %sub3A_2781 : f32 to vector<16xf32>
      %sub3A_2783 = arith.subf %sub3A_2782, %min3A_2780 : vector<16xf32>
      %le3A_2784 = arith.constant 61 : i32
      %le3A_2785 = arith.cmpi sle, %and3A_2766, %le3A_2784 : i32
      %jit3A_2786 = arith.constant 9.900000e-01 : f32
      %jit3A_2787 = arith.constant 0.000000e+00 : f32
      %select_n3A_2788 = arith.select %le3A_2785, %jit3A_2786, %jit3A_2787 : f32
      %le3A_2789 = arith.constant 62 : i32
      %le3A_2790 = arith.cmpi sle, %and3A_2766, %le3A_2789 : i32
      %jit3A_2791 = arith.constant 1.000000e+00 : f32
      %jit3A_2792 = arith.constant 0.000000e+00 : f32
      %select_n3A_2793 = arith.select %le3A_2790, %jit3A_2791, %jit3A_2792 : f32
      %sub3A_2794 = arith.constant 1.000000e+00 : f32
      %sub3A_2795 = vector.broadcast %sub3A_2794 : f32 to vector<16xf32>
      %sub3A_2796 = arith.subf %sub3A_2795, %sub3A_2783 : vector<16xf32>
      %mul3A_2797 = vector.broadcast %select_n3A_2788 : f32 to vector<16xf32>
      %mul3A_2798 = arith.mulf %sub3A_2796, %mul3A_2797 : vector<16xf32>
      %get3A_2799 = arith.constant 15 : i32
      %get3A_2800 = arith.index_cast %get3A_2799 : i32 to index
      %get3A_2801 = arith.constant 0 : index
      %get3A_2802 = tpu.vector_load %arg13[%get3A_2800, %get3A_2801] {strides = array<i32>} : memref<16x128xf32, #tpu.memory_space<vmem>>, vector<1x16xf32>,
      %get3A_2803 = vector.shape_cast %get3A_2802 : vector<1x16xf32> to vector<16xf32>
      %get3A_2804 = arith.constant 15 : i32
      %get3A_2805 = arith.index_cast %get3A_2804 : i32 to index
      %get3A_2806 = arith.constant 64 : index
      %get3A_2807 = tpu.vector_load %arg13[%get3A_2805, %get3A_2806] {strides = array<i32>} : memref<16x128xf32, #tpu.memory_space<vmem>>, vector<1x16xf32>,
      %get3A_2808 = vector.shape_cast %get3A_2807 : vector<1x16xf32> to vector<16xf32>
      %sub3A_2809 = arith.subf %get3A_2808, %get3A_2803 : vector<16xf32>
      %mul3A_2810 = arith.mulf %gather3A_2771, %sub3A_2809 : vector<16xf32>
      %add3A_2811 = arith.addf %get3A_2803, %mul3A_2810 : vector<16xf32>
      %get3A_2812 = arith.constant 15 : i32
      %get3A_2813 = arith.index_cast %get3A_2812 : i32 to index
      %get3A_2814 = arith.constant 0 : index
      %get3A_2815 = tpu.vector_load %arg14[%get3A_2813, %get3A_2814] {strides = array<i32>} : memref<16x128xf32, #tpu.memory_space<vmem>>, vector<1x16xf32>,
      %get3A_2816 = vector.shape_cast %get3A_2815 : vector<1x16xf32> to vector<16xf32>
      %get3A_2817 = arith.constant 15 : i32
      %get3A_2818 = arith.index_cast %get3A_2817 : i32 to index
      %get3A_2819 = arith.constant 64 : index
      %get3A_2820 = tpu.vector_load %arg14[%get3A_2818, %get3A_2819] {strides = array<i32>} : memref<16x128xf32, #tpu.memory_space<vmem>>, vector<1x16xf32>,
      %get3A_2821 = vector.shape_cast %get3A_2820 : vector<1x16xf32> to vector<16xf32>
      %sub3A_2822 = arith.subf %get3A_2821, %get3A_2816 : vector<16xf32>
      %mul3A_2823 = arith.mulf %gather3A_2774, %sub3A_2822 : vector<16xf32>
      %add3A_2824 = arith.addf %get3A_2816, %mul3A_2823 : vector<16xf32>
      %mul3A_2825 = arith.mulf %sub3A_2783, %add3A_149 : vector<16xf32>
      %mul3A_2826 = arith.mulf %mul3A_2798, %add3A_2824 : vector<16xf32>
      %add3A_2827 = arith.addf %mul3A_2825, %mul3A_2826 : vector<16xf32>
      %sub3A_2828 = arith.subf %add3A_2811, %add3A_2827 : vector<16xf32>
      %mul3A_2829 = arith.mulf %sub3A_2828, %sub3A_2828 : vector<16xf32>
      %mul3A_2830 = vector.broadcast %select_n3A_2793 : f32 to vector<16xf32>
      %mul3A_2831 = arith.mulf %mul3A_2830, %mul3A_2829 : vector<16xf32>
      %add3A_2832 = arith.addf %add3A_2762, %mul3A_2831 : vector<16xf32>
      %get3A_2833 = arith.constant 15 : i32
      %get3A_2834 = arith.index_cast %get3A_2833 : i32 to index
      %get3A_2835 = arith.constant 16 : index
      %get3A_2836 = tpu.vector_load %arg13[%get3A_2834, %get3A_2835] {strides = array<i32>} : memref<16x128xf32, #tpu.memory_space<vmem>>, vector<1x16xf32>,
      %get3A_2837 = vector.shape_cast %get3A_2836 : vector<1x16xf32> to vector<16xf32>
      %get3A_2838 = arith.constant 15 : i32
      %get3A_2839 = arith.index_cast %get3A_2838 : i32 to index
      %get3A_2840 = arith.constant 80 : index
      %get3A_2841 = tpu.vector_load %arg13[%get3A_2839, %get3A_2840] {strides = array<i32>} : memref<16x128xf32, #tpu.memory_space<vmem>>, vector<1x16xf32>,
      %get3A_2842 = vector.shape_cast %get3A_2841 : vector<1x16xf32> to vector<16xf32>
      %sub3A_2843 = arith.subf %get3A_2842, %get3A_2837 : vector<16xf32>
      %mul3A_2844 = arith.mulf %gather3A_2771, %sub3A_2843 : vector<16xf32>
      %add3A_2845 = arith.addf %get3A_2837, %mul3A_2844 : vector<16xf32>
      %get3A_2846 = arith.constant 15 : i32
      %get3A_2847 = arith.index_cast %get3A_2846 : i32 to index
      %get3A_2848 = arith.constant 16 : index
      %get3A_2849 = tpu.vector_load %arg14[%get3A_2847, %get3A_2848] {strides = array<i32>} : memref<16x128xf32, #tpu.memory_space<vmem>>, vector<1x16xf32>,
      %get3A_2850 = vector.shape_cast %get3A_2849 : vector<1x16xf32> to vector<16xf32>
      %get3A_2851 = arith.constant 15 : i32
      %get3A_2852 = arith.index_cast %get3A_2851 : i32 to index
      %get3A_2853 = arith.constant 80 : index
      %get3A_2854 = tpu.vector_load %arg14[%get3A_2852, %get3A_2853] {strides = array<i32>} : memref<16x128xf32, #tpu.memory_space<vmem>>, vector<1x16xf32>,
      %get3A_2855 = vector.shape_cast %get3A_2854 : vector<1x16xf32> to vector<16xf32>
      %sub3A_2856 = arith.subf %get3A_2855, %get3A_2850 : vector<16xf32>
      %mul3A_2857 = arith.mulf %gather3A_2774, %sub3A_2856 : vector<16xf32>
      %add3A_2858 = arith.addf %get3A_2850, %mul3A_2857 : vector<16xf32>
      %mul3A_2859 = arith.mulf %sub3A_2783, %add3A_160 : vector<16xf32>
      %mul3A_2860 = arith.mulf %mul3A_2798, %add3A_2858 : vector<16xf32>
      %add3A_2861 = arith.addf %mul3A_2859, %mul3A_2860 : vector<16xf32>
      %sub3A_2862 = arith.subf %add3A_2845, %add3A_2861 : vector<16xf32>
      %mul3A_2863 = arith.mulf %sub3A_2862, %sub3A_2862 : vector<16xf32>
      %mul3A_2864 = vector.broadcast %select_n3A_2793 : f32 to vector<16xf32>
      %mul3A_2865 = arith.mulf %mul3A_2864, %mul3A_2863 : vector<16xf32>
      %add3A_2866 = arith.addf %add3A_2832, %mul3A_2865 : vector<16xf32>
      %get3A_2867 = arith.constant 15 : i32
      %get3A_2868 = arith.index_cast %get3A_2867 : i32 to index
      %get3A_2869 = arith.constant 32 : index
      %get3A_2870 = tpu.vector_load %arg13[%get3A_2868, %get3A_2869] {strides = array<i32>} : memref<16x128xf32, #tpu.memory_space<vmem>>, vector<1x16xf32>,
      %get3A_2871 = vector.shape_cast %get3A_2870 : vector<1x16xf32> to vector<16xf32>
      %get3A_2872 = arith.constant 15 : i32
      %get3A_2873 = arith.index_cast %get3A_2872 : i32 to index
      %get3A_2874 = arith.constant 96 : index
      %get3A_2875 = tpu.vector_load %arg13[%get3A_2873, %get3A_2874] {strides = array<i32>} : memref<16x128xf32, #tpu.memory_space<vmem>>, vector<1x16xf32>,
      %get3A_2876 = vector.shape_cast %get3A_2875 : vector<1x16xf32> to vector<16xf32>
      %sub3A_2877 = arith.subf %get3A_2876, %get3A_2871 : vector<16xf32>
      %mul3A_2878 = arith.mulf %gather3A_2771, %sub3A_2877 : vector<16xf32>
      %add3A_2879 = arith.addf %get3A_2871, %mul3A_2878 : vector<16xf32>
      %get3A_2880 = arith.constant 15 : i32
      %get3A_2881 = arith.index_cast %get3A_2880 : i32 to index
      %get3A_2882 = arith.constant 32 : index
      %get3A_2883 = tpu.vector_load %arg14[%get3A_2881, %get3A_2882] {strides = array<i32>} : memref<16x128xf32, #tpu.memory_space<vmem>>, vector<1x16xf32>,
      %get3A_2884 = vector.shape_cast %get3A_2883 : vector<1x16xf32> to vector<16xf32>
      %get3A_2885 = arith.constant 15 : i32
      %get3A_2886 = arith.index_cast %get3A_2885 : i32 to index
      %get3A_2887 = arith.constant 96 : index
      %get3A_2888 = tpu.vector_load %arg14[%get3A_2886, %get3A_2887] {strides = array<i32>} : memref<16x128xf32, #tpu.memory_space<vmem>>, vector<1x16xf32>,
      %get3A_2889 = vector.shape_cast %get3A_2888 : vector<1x16xf32> to vector<16xf32>
      %sub3A_2890 = arith.subf %get3A_2889, %get3A_2884 : vector<16xf32>
      %mul3A_2891 = arith.mulf %gather3A_2774, %sub3A_2890 : vector<16xf32>
      %add3A_2892 = arith.addf %get3A_2884, %mul3A_2891 : vector<16xf32>
      %mul3A_2893 = arith.mulf %sub3A_2783, %add3A_171 : vector<16xf32>
      %mul3A_2894 = arith.mulf %mul3A_2798, %add3A_2892 : vector<16xf32>
      %add3A_2895 = arith.addf %mul3A_2893, %mul3A_2894 : vector<16xf32>
      %sub3A_2896 = arith.subf %add3A_2879, %add3A_2895 : vector<16xf32>
      %mul3A_2897 = arith.mulf %sub3A_2896, %sub3A_2896 : vector<16xf32>
      %mul3A_2898 = vector.broadcast %select_n3A_2793 : f32 to vector<16xf32>
      %mul3A_2899 = arith.mulf %mul3A_2898, %mul3A_2897 : vector<16xf32>
      %add3A_2900 = arith.addf %add3A_2866, %mul3A_2899 : vector<16xf32>
      %get3A_2901 = arith.constant 15 : i32
      %get3A_2902 = arith.index_cast %get3A_2901 : i32 to index
      %get3A_2903 = arith.constant 48 : index
      %get3A_2904 = tpu.vector_load %arg13[%get3A_2902, %get3A_2903] {strides = array<i32>} : memref<16x128xf32, #tpu.memory_space<vmem>>, vector<1x16xf32>,
      %get3A_2905 = vector.shape_cast %get3A_2904 : vector<1x16xf32> to vector<16xf32>
      %get3A_2906 = arith.constant 15 : i32
      %get3A_2907 = arith.index_cast %get3A_2906 : i32 to index
      %get3A_2908 = arith.constant 112 : index
      %get3A_2909 = tpu.vector_load %arg13[%get3A_2907, %get3A_2908] {strides = array<i32>} : memref<16x128xf32, #tpu.memory_space<vmem>>, vector<1x16xf32>,
      %get3A_2910 = vector.shape_cast %get3A_2909 : vector<1x16xf32> to vector<16xf32>
      %sub3A_2911 = arith.subf %get3A_2910, %get3A_2905 : vector<16xf32>
      %mul3A_2912 = arith.mulf %gather3A_2771, %sub3A_2911 : vector<16xf32>
      %add3A_2913 = arith.addf %get3A_2905, %mul3A_2912 : vector<16xf32>
      %get3A_2914 = arith.constant 15 : i32
      %get3A_2915 = arith.index_cast %get3A_2914 : i32 to index
      %get3A_2916 = arith.constant 48 : index
      %get3A_2917 = tpu.vector_load %arg14[%get3A_2915, %get3A_2916] {strides = array<i32>} : memref<16x128xf32, #tpu.memory_space<vmem>>, vector<1x16xf32>,
      %get3A_2918 = vector.shape_cast %get3A_2917 : vector<1x16xf32> to vector<16xf32>
      %get3A_2919 = arith.constant 15 : i32
      %get3A_2920 = arith.index_cast %get3A_2919 : i32 to index
      %get3A_2921 = arith.constant 112 : index
      %get3A_2922 = tpu.vector_load %arg14[%get3A_2920, %get3A_2921] {strides = array<i32>} : memref<16x128xf32, #tpu.memory_space<vmem>>, vector<1x16xf32>,
      %get3A_2923 = vector.shape_cast %get3A_2922 : vector<1x16xf32> to vector<16xf32>
      %sub3A_2924 = arith.subf %get3A_2923, %get3A_2918 : vector<16xf32>
      %mul3A_2925 = arith.mulf %gather3A_2774, %sub3A_2924 : vector<16xf32>
      %add3A_2926 = arith.addf %get3A_2918, %mul3A_2925 : vector<16xf32>
      %mul3A_2927 = arith.mulf %sub3A_2783, %add3A_182 : vector<16xf32>
      %mul3A_2928 = arith.mulf %mul3A_2798, %add3A_2926 : vector<16xf32>
      %add3A_2929 = arith.addf %mul3A_2927, %mul3A_2928 : vector<16xf32>
      %sub3A_2930 = arith.subf %add3A_2913, %add3A_2929 : vector<16xf32>
      %mul3A_2931 = arith.mulf %sub3A_2930, %sub3A_2930 : vector<16xf32>
      %mul3A_2932 = vector.broadcast %select_n3A_2793 : f32 to vector<16xf32>
      %mul3A_2933 = arith.mulf %mul3A_2932, %mul3A_2931 : vector<16xf32>
      %add3A_2934 = arith.addf %add3A_2900, %mul3A_2933 : vector<16xf32>
      %eq3A_2935 = arith.constant 0 : i32
      %eq3A_2936 = arith.cmpi eq, %arg1, %eq3A_2935 : i32
      %convert_element_type3A_2937 = arith.extui %eq3A_2936 : i1 to i32
      %cond3A_2938 = arith.constant 0 : i32
      %cond3A_2939 = arith.cmpi ne, %convert_element_type3A_2937, %cond3A_2938 : i32
      scf.if %cond3A_2939 {
        %broadcast_in_dim3A_2958 = arith.constant 0.000000e+00 : f32
        %broadcast_in_dim3A_2959 = vector.broadcast %broadcast_in_dim3A_2958 : f32 to vector<16xf32>
        %swap3A_2960 = arith.constant 0 : i32
        %swap3A_2961 = arith.index_cast %swap3A_2960 : i32 to index
        %swap3A_2962 = arith.constant 0 : index
        %swap3A_2963 = tpu.vector_load %arg16[%swap3A_2961, %swap3A_2962] {strides = array<i32>} : memref<1x16xf32, #tpu.memory_space<vmem>>, vector<1x16xf32>,
        %swap3A_2964 = vector.shape_cast %swap3A_2963 : vector<1x16xf32> to vector<16xf32>
        %swap3A_2965 = vector.shape_cast %broadcast_in_dim3A_2959 : vector<16xf32> to vector<1x16xf32>
        tpu.vector_store %arg16[%swap3A_2961, %swap3A_2962], %swap3A_2965 {strides = array<i32>} : memref<1x16xf32, #tpu.memory_space<vmem>>, vector<1x16xf32>,
        "tpu.region"() ({
          %run_scoped3A = tpu.sem_alloc : memref<!tpu.dma_semaphore, #tpu.memory_space<semaphore_mem>>
          tpu.enqueue_dma source(%arg16 : memref<1x16xf32, #tpu.memory_space<vmem>>) target(%arg20 : memref<1x16xf32, #tpu.memory_space<vmem_shared>>) target_semaphore(%run_scoped3A : memref<!tpu.dma_semaphore, #tpu.memory_space<semaphore_mem>>)
          tpu.wait_dma2 semaphore(%run_scoped3A : memref<!tpu.dma_semaphore, #tpu.memory_space<semaphore_mem>>) src(%arg16 : memref<1x16xf32, #tpu.memory_space<vmem>>) dst(%arg20 : memref<1x16xf32, #tpu.memory_space<vmem_shared>>)
          tpu.yield
        }) : () -> ()
      } else {
      }
      %barrier3A = arith.constant 0 : index
      tpu.barrier barrier_id(%barrier3A)
      %swap3A_2940 = arith.constant 0 : i32
      %swap3A_2941 = arith.index_cast %swap3A_2940 : i32 to index
      %swap3A_2942 = arith.constant 0 : index
      %swap3A_2943 = tpu.vector_load %arg16[%swap3A_2941, %swap3A_2942] {strides = array<i32>} : memref<1x16xf32, #tpu.memory_space<vmem>>, vector<1x16xf32>,
      %swap3A_2944 = vector.shape_cast %swap3A_2943 : vector<1x16xf32> to vector<16xf32>
      %swap3A_2945 = vector.shape_cast %add3A_2934 : vector<16xf32> to vector<1x16xf32>
      tpu.vector_store %arg16[%swap3A_2941, %swap3A_2942], %swap3A_2945 {strides = array<i32>} : memref<1x16xf32, #tpu.memory_space<vmem>>, vector<1x16xf32>,
      %broadcast_in_dim3A_2946 = arith.constant 0 : i32
      %broadcast_in_dim3A_2947 = vector.broadcast %broadcast_in_dim3A_2946 : i32 to vector<1xi32>
      %swap3A_2948 = arith.constant 0 : index
      %swap3A_2949 = tpu.vector_load %arg17[%swap3A_2948] {strides = array<i32>} : memref<1xi32, #tpu.memory_space<vmem>>, vector<1xi32>,
      %swap3A_2950 = vector.shape_cast %swap3A_2949 : vector<1xi32> to vector<1xi32>
      %swap3A_2951 = vector.shape_cast %broadcast_in_dim3A_2947 : vector<1xi32> to vector<1xi32>
      tpu.vector_store %arg17[%swap3A_2948], %swap3A_2951 {strides = array<i32>} : memref<1xi32, #tpu.memory_space<vmem>>, vector<1xi32>,
      "tpu.region"() ({
        %run_scoped3A = tpu.sem_alloc : memref<!tpu.dma_semaphore, #tpu.memory_space<semaphore_mem>>
        %dma_start3A_2958 = arith.constant 0 : i32
        %dma_start3A_2959 = arith.constant 0 : i32
        %dma_start3A_2960 = tpu.memref_slice %arg20[%dma_start3A_2958, %dma_start3A_2959] : memref<1x16xf32, #tpu.memory_space<vmem_shared>> -> memref<1x16xf32, #tpu.memory_space<vmem_shared>>
        tpu.enqueue_indirect_dma source(%arg16 : memref<1x16xf32, #tpu.memory_space<vmem>>) target(%dma_start3A_2960 : memref<1x16xf32, #tpu.memory_space<vmem_shared>>) offsets(%arg17 : memref<1xi32, #tpu.memory_space<vmem>>) semaphore(%run_scoped3A : memref<!tpu.dma_semaphore, #tpu.memory_space<semaphore_mem>>) {add = true}
        %dma_wait3A_2961 = arith.constant 0 : i32
        %dma_wait3A_2962 = arith.constant 0 : i32
        %dma_wait3A_2963 = tpu.memref_slice %arg20[%dma_wait3A_2961, %dma_wait3A_2962] : memref<1x16xf32, #tpu.memory_space<vmem_shared>> -> memref<1x16xf32, #tpu.memory_space<vmem_shared>>
        tpu.wait_indirect_dma semaphore(%run_scoped3A : memref<!tpu.dma_semaphore, #tpu.memory_space<semaphore_mem>>) src(%arg16 : memref<1x16xf32, #tpu.memory_space<vmem>>) dst(%dma_wait3A_2963 : memref<1x16xf32, #tpu.memory_space<vmem_shared>>)
        tpu.yield
      }) : () -> ()
      %barrier3A_2952 = arith.constant 0 : index
      tpu.barrier barrier_id(%barrier3A_2952)
      %eq3A_2953 = arith.constant 0 : i32
      %eq3A_2954 = arith.cmpi eq, %arg1, %eq3A_2953 : i32
      %convert_element_type3A_2955 = arith.extui %eq3A_2954 : i1 to i32
      %cond3A_2956 = arith.constant 0 : i32
      %cond3A_2957 = arith.cmpi ne, %convert_element_type3A_2955, %cond3A_2956 : i32
      scf.if %cond3A_2957 {
        "tpu.region"() ({
          %run_scoped3A = tpu.sem_alloc : memref<!tpu.dma_semaphore, #tpu.memory_space<semaphore_mem>>
          tpu.enqueue_dma source(%arg20 : memref<1x16xf32, #tpu.memory_space<vmem_shared>>) target(%arg18 : memref<1x16xf32, #tpu.memory_space<vmem>>) target_semaphore(%run_scoped3A : memref<!tpu.dma_semaphore, #tpu.memory_space<semaphore_mem>>)
          tpu.wait_dma2 semaphore(%run_scoped3A : memref<!tpu.dma_semaphore, #tpu.memory_space<semaphore_mem>>) src(%arg20 : memref<1x16xf32, #tpu.memory_space<vmem_shared>>) dst(%arg18 : memref<1x16xf32, #tpu.memory_space<vmem>>)
          tpu.yield
        }) : () -> ()
        %get3A_2958 = arith.constant 0 : i32
        %get3A_2959 = arith.index_cast %get3A_2958 : i32 to index
        %get3A_2960 = arith.constant 0 : index
        %get3A_2961 = tpu.vector_load %arg18[%get3A_2959, %get3A_2960] {strides = array<i32>} : memref<1x16xf32, #tpu.memory_space<vmem>>, vector<1x16xf32>,
        %get3A_2962 = vector.shape_cast %get3A_2961 : vector<1x16xf32> to vector<16xf32>
        %iota3A_2963 = tpu.iota {dimensions = array<i32: 0>} : vector<16xi32>
        %xor3A = arith.constant 1 : i32
        %xor3A_2964 = vector.broadcast %xor3A : i32 to vector<16xi32>
        %xor3A_2965 = arith.xori %iota3A_2963, %xor3A_2964 : vector<16xi32>
        %broadcast_in_dim3A_2966 = vector.shape_cast %xor3A_2965 : vector<16xi32> to vector<16x1xi32>
        %gather3A_2967 = vector.shape_cast %broadcast_in_dim3A_2966 : vector<16x1xi32> to vector<16xi32>
        %gather3A_2968 = tpu.dynamic_gather %get3A_2962[%gather3A_2967] in [0] : vector<16xf32>, vector<16xi32> -> vector<16xf32>
        %add3A_2969 = arith.addf %get3A_2962, %gather3A_2968 : vector<16xf32>
        %xor3A_2970 = arith.constant 2 : i32
        %xor3A_2971 = vector.broadcast %xor3A_2970 : i32 to vector<16xi32>
        %xor3A_2972 = arith.xori %iota3A_2963, %xor3A_2971 : vector<16xi32>
        %broadcast_in_dim3A_2973 = vector.shape_cast %xor3A_2972 : vector<16xi32> to vector<16x1xi32>
        %gather3A_2974 = vector.shape_cast %broadcast_in_dim3A_2973 : vector<16x1xi32> to vector<16xi32>
        %gather3A_2975 = tpu.dynamic_gather %add3A_2969[%gather3A_2974] in [0] : vector<16xf32>, vector<16xi32> -> vector<16xf32>
        %add3A_2976 = arith.addf %add3A_2969, %gather3A_2975 : vector<16xf32>
        %xor3A_2977 = arith.constant 4 : i32
        %xor3A_2978 = vector.broadcast %xor3A_2977 : i32 to vector<16xi32>
        %xor3A_2979 = arith.xori %iota3A_2963, %xor3A_2978 : vector<16xi32>
        %broadcast_in_dim3A_2980 = vector.shape_cast %xor3A_2979 : vector<16xi32> to vector<16x1xi32>
        %gather3A_2981 = vector.shape_cast %broadcast_in_dim3A_2980 : vector<16x1xi32> to vector<16xi32>
        %gather3A_2982 = tpu.dynamic_gather %add3A_2976[%gather3A_2981] in [0] : vector<16xf32>, vector<16xi32> -> vector<16xf32>
        %add3A_2983 = arith.addf %add3A_2976, %gather3A_2982 : vector<16xf32>
        %xor3A_2984 = arith.constant 8 : i32
        %xor3A_2985 = vector.broadcast %xor3A_2984 : i32 to vector<16xi32>
        %xor3A_2986 = arith.xori %iota3A_2963, %xor3A_2985 : vector<16xi32>
        %broadcast_in_dim3A_2987 = vector.shape_cast %xor3A_2986 : vector<16xi32> to vector<16x1xi32>
        %gather3A_2988 = vector.shape_cast %broadcast_in_dim3A_2987 : vector<16x1xi32> to vector<16xi32>
        %gather3A_2989 = tpu.dynamic_gather %add3A_2983[%gather3A_2988] in [0] : vector<16xf32>, vector<16xi32> -> vector<16xf32>
        %add3A_2990 = arith.addf %add3A_2983, %gather3A_2989 : vector<16xf32>
        %get3A_2991 = arith.constant 0 : index
        %get3A_2992 = tpu.vector_load %arg9[%get3A_2991] {strides = array<i32>} : memref<16xi32, #tpu.memory_space<vmem>>, vector<16xi32>,
        %get3A_2993 = vector.shape_cast %get3A_2992 : vector<16xi32> to vector<16xi32>
        %convert_element_type3A_2994 = arith.sitofp %get3A_2993 : vector<16xi32> to vector<16xf32>
        %iota3A_2995 = tpu.iota {dimensions = array<i32: 0>} : vector<16xi32>
        %xor3A_2996 = arith.constant 1 : i32
        %xor3A_2997 = vector.broadcast %xor3A_2996 : i32 to vector<16xi32>
        %xor3A_2998 = arith.xori %iota3A_2995, %xor3A_2997 : vector<16xi32>
        %broadcast_in_dim3A_2999 = vector.shape_cast %xor3A_2998 : vector<16xi32> to vector<16x1xi32>
        %gather3A_3000 = vector.shape_cast %broadcast_in_dim3A_2999 : vector<16x1xi32> to vector<16xi32>
        %gather3A_3001 = tpu.dynamic_gather %convert_element_type3A_2994[%gather3A_3000] in [0] : vector<16xf32>, vector<16xi32> -> vector<16xf32>
        %add3A_3002 = arith.addf %convert_element_type3A_2994, %gather3A_3001 : vector<16xf32>
        %xor3A_3003 = arith.constant 2 : i32
        %xor3A_3004 = vector.broadcast %xor3A_3003 : i32 to vector<16xi32>
        %xor3A_3005 = arith.xori %iota3A_2995, %xor3A_3004 : vector<16xi32>
        %broadcast_in_dim3A_3006 = vector.shape_cast %xor3A_3005 : vector<16xi32> to vector<16x1xi32>
        %gather3A_3007 = vector.shape_cast %broadcast_in_dim3A_3006 : vector<16x1xi32> to vector<16xi32>
        %gather3A_3008 = tpu.dynamic_gather %add3A_3002[%gather3A_3007] in [0] : vector<16xf32>, vector<16xi32> -> vector<16xf32>
        %add3A_3009 = arith.addf %add3A_3002, %gather3A_3008 : vector<16xf32>
        %xor3A_3010 = arith.constant 4 : i32
        %xor3A_3011 = vector.broadcast %xor3A_3010 : i32 to vector<16xi32>
        %xor3A_3012 = arith.xori %iota3A_2995, %xor3A_3011 : vector<16xi32>
        %broadcast_in_dim3A_3013 = vector.shape_cast %xor3A_3012 : vector<16xi32> to vector<16x1xi32>
        %gather3A_3014 = vector.shape_cast %broadcast_in_dim3A_3013 : vector<16x1xi32> to vector<16xi32>
        %gather3A_3015 = tpu.dynamic_gather %add3A_3009[%gather3A_3014] in [0] : vector<16xf32>, vector<16xi32> -> vector<16xf32>
        %add3A_3016 = arith.addf %add3A_3009, %gather3A_3015 : vector<16xf32>
        %xor3A_3017 = arith.constant 8 : i32
        %xor3A_3018 = vector.broadcast %xor3A_3017 : i32 to vector<16xi32>
        %xor3A_3019 = arith.xori %iota3A_2995, %xor3A_3018 : vector<16xi32>
        %broadcast_in_dim3A_3020 = vector.shape_cast %xor3A_3019 : vector<16xi32> to vector<16x1xi32>
        %gather3A_3021 = vector.shape_cast %broadcast_in_dim3A_3020 : vector<16x1xi32> to vector<16xi32>
        %gather3A_3022 = tpu.dynamic_gather %add3A_3016[%gather3A_3021] in [0] : vector<16xf32>, vector<16xi32> -> vector<16xf32>
        %add3A_3023 = arith.addf %add3A_3016, %gather3A_3022 : vector<16xf32>
        %div3A_3024 = arith.divf %add3A_2990, %add3A_3023 : vector<16xf32>
        %swap3A_3025 = arith.constant 0 : index
        %swap3A_3026 = tpu.vector_load %arg19[%swap3A_3025] {strides = array<i32>} : memref<16xf32, #tpu.memory_space<vmem>>, vector<16xf32>,
        %swap3A_3027 = vector.shape_cast %swap3A_3026 : vector<16xf32> to vector<16xf32>
        %swap3A_3028 = vector.shape_cast %div3A_3024 : vector<16xf32> to vector<16xf32>
        tpu.vector_store %arg19[%swap3A_3025], %swap3A_3028 {strides = array<i32>} : memref<16xf32, #tpu.memory_space<vmem>>, vector<16xf32>,
        "tpu.region"() ({
          %run_scoped3A = tpu.sem_alloc : memref<!tpu.dma_semaphore, #tpu.memory_space<semaphore_mem>>
          tpu.enqueue_dma source(%arg19 : memref<16xf32, #tpu.memory_space<vmem>>) target(%arg7 : memref<16xf32, #tpu.memory_space<hbm>>) target_semaphore(%run_scoped3A : memref<!tpu.dma_semaphore, #tpu.memory_space<semaphore_mem>>)
          tpu.wait_dma2 semaphore(%run_scoped3A : memref<!tpu.dma_semaphore, #tpu.memory_space<semaphore_mem>>) src(%arg19 : memref<16xf32, #tpu.memory_space<vmem>>) dst(%arg7 : memref<16xf32, #tpu.memory_space<hbm>>)
          tpu.yield
        }) : () -> ()
      } else {
      }
    } else {
    }
    return
  }
}

</mosaic_0001>

<sc_bundles>
// kernel: kernel.3.cloned.1.call-start
scs
__scs_entry_jumppad:
0x0: {  	(pc) =	sbr.rel $0x88, $3  }
0x1: {  	(tag) =	ssettag $0x0;
	lr =	simm.s32 $0x1  }
0x2: {  	[smem:$0x3F9C] =	sst lr;
	_ =	strace $0xD0000000  }
0x3: {  	_ = 	snop  }
0x4: {  	_ = 	snop  }
0x5: {  	_ = 	snop  }
0x6: {  	_ = 	snop  }
0x7: {  	_ = 	snop  }
__scs_overlays_trampoline_lowered:
0x8: {  	[smem:$0x3FAB] =	sst s0  }
0x9: {  	[smem:$0x3FAC] =	sst s1  }
0xa: {  	[smem:$0x3FAD] =	sst s2  }
0xb: {  	[smem:$0x3FAE] =	sst s3  }
0xc: {  	[smem:$0x3FAF] =	sst s4  }
0xd: {  	[smem:$0x3FB0] =	sst s5  }
0xe: {  	[smem:$0x3FB1] =	sst s6  }
0xf: {  	[smem:$0x3FB2] =	sst s7  }
0x10: {  	[smem:$0x3FB3] =	sst s8  }
0x11: {  	[smem:$0x3FB4] =	sst s9;
	s0 =	simm.s32 @!p0 $0x0  }
0x12: {  	s1 =	sld [smem:$0x3F9A];
	s0 =	simm.s32 @p0 $0x1  }
0x13: {  	[smem:$0x3FB5] =	sst s0;
	s0 =	simm.s32 @!p1 $0x0  }
0x14: {  	s2 =	sld [smem:$0x3F99];
	s0 =	simm.s32 @p1 $0x1  }
0x15: {  	[smem:$0x3FB6] =	sst s0;
	s0 =	simm.s32 @!p2 $0x0  }
0x16: {  	s3 =	sld [smem:$0x3FDB];
	s0 =	simm.s32 @p2 $0x1  }
0x17: {  	s4 =	simm.s32 $0x1BF5;
	[smem:$0x3FB8] =	sst s0  }
0x18: {  	s0 =	sld [smem:$0x3F9B];
	_ =	swait.ge [sflag:s4], $0x0  }
0x19: {  	s7 =	sld [smem:$0x3F9C]  }
0x1a: {  	s8 =	sadd.s32 $0xFFFFE003, lr  }
0x1b: {  	s9 =	sadd.s32 $0xFFFFFEF7, lr;
	s5 =	simm.s32 $0xFFFFFFFF;
	p2 =	slt.u32 s8, $0xFFFFF086  }
0x1c: {  	p1 =	slt.u32 s9, $0xF7A;
	s5 =	simm.s32 @!p2 $0x0  }
0x1d: {  	s5 =	simm.s32 @p1 $0x1;
	p0 =	seq.s32 s7, s2  }
0x1e: {  	s7 =	smul.u32 @!p0 $0xF7A, s2;
	p2 =	seq.s32 @!p0 s5, $0x0  }
0x1f: {  	s9 =	smul.u32 $0xF7A, s1;
	s8 =	simm.s32 @!p0 $0x1BF5;
	p2 =	por !p2, p0  }
0x20: {  	[sflag:s8] =	ssyncset.s32 @!p0 $0xFFFFF086;
	s6 =	sadd.s32 @!p0 s3, s7;
	s7 =	simm.s32 @!p0 $0x108  }
0x21: {  	s3 =	sadd.s32 s3, s9;
	s6 =	sadd.s32 @!p0 $0x88, s6;
	s7 =	simm.s32 @p2 $0x1082  }
0x22: {  	[simem:s7], [sflag:s8] =	dma.local @!p0 [hbm:s6], $0xF7A  }
0x23: {  	s9 =	sor.u32 $0xD0000000, s2;
	s6 =	simm.s32 $0x108;
	_ =	swait.ge @!p0 [sflag:s8], $0x0  }
0x24: {  	s3 =	sadd.s32 $0x88, s3;
	s6 =	simm.s32 @!p1 $0x1082;
	[sflag:s4] =	ssyncset.s32 $0xFFFFF086  }
0x25: {  	[simem:s6], [sflag:s4] =	dma.local [hbm:s3], $0xF7A  }
0x26: {  	[smem:$0x3F9C] =	sst s1;
	(tag) =	ssettag s2;
	_ =	strace s9  }
0x27: {  	s1 =	sld [smem:$0x3FAC]  }
0x28: {  	s2 =	sld [smem:$0x3FAD]  }
0x29: {  	s4 =	sld [smem:$0x3FAF]  }
0x2a: {  	p0 =	seq.s32 s5, $0x0;
	s5 =	sld [smem:$0x3FB0]  }
0x2b: {  	s6 =	sld [smem:$0x3FB1]  }
0x2c: {  	s7 =	sld [smem:$0x3FB2]  }
0x2d: {  	s3 =	simm.s32 $0x108;
	s8 =	sld [smem:$0x3FB3]  }
0x2e: {  	s3 =	simm.s32 @!p0 $0x1082;
	s9 =	sld [smem:$0x3FB4]  }
0x2f: {  	lr =	sadd.s32 s0, s3;
	s0 =	sld [smem:$0x3FAB]  }
0x30: {  	s3 =	sld [smem:$0x3FAE]  }
0x31: {  	[smem:$0x3FB7] =	sst s10  }
0x32: {  	s10 =	sld [smem:$0x3FB5];
	_ =	sdelay $0x3  }
0x33: {  	p0 =	seq.s32 s10, $0x1;
	s10 =	sld [smem:$0x3FB7];
	_ =	sdelay $0x3  }
0x34: {  	[smem:$0x3FB7] =	sst s10  }
0x35: {  	s10 =	sld [smem:$0x3FB6];
	_ =	sdelay $0x3  }
0x36: {  	p1 =	seq.s32 s10, $0x1;
	s10 =	sld [smem:$0x3FB7];
	_ =	sdelay $0x3  }
0x37: {  	[smem:$0x3FB7] =	sst s10  }
0x38: {  	s10 =	sld [smem:$0x3FB8]  }
0x39: {  	_ = 	snop;
	(pc) =	sbr.ind lr, $3  }
0x3a: {  	_ = 	snop  }
0x3b: {  	_ = 	snop  }
0x3c: {  	p2 =	seq.s32 s10, $0x1;
	s10 =	sld [smem:$0x3FB7]  }
0x3d: {  	_ =	shalt  }
0x3e: {  	_ =	shalt  }
0x3f: {  	_ =	shalt  }
0x40: {  	_ =	shalt  }
0x41: {  	_ =	shalt  }
0x42: {  	_ =	shalt  }
0x43: {  	_ =	shalt  }
0x44: {  	_ =	shalt  }
0x45: {  	_ =	shalt  }
0x46: {  	_ =	shalt  }
0x47: {  	_ =	shalt  }
0x48: {  	_ =	shalt  }
0x49: {  	_ =	shalt  }
0x4a: {  	_ =	shalt  }
0x4b: {  	_ =	shalt  }
0x4c: {  	_ =	shalt  }
0x4d: {  	_ =	shalt  }
0x4e: {  	_ =	shalt  }
0x4f: {  	_ =	shalt  }
0x50: {  	_ =	shalt  }
0x51: {  	_ =	shalt  }
0x52: {  	_ =	shalt  }
0x53: {  	_ =	shalt  }
0x54: {  	_ =	shalt  }
0x55: {  	_ =	shalt  }
0x56: {  	_ =	shalt  }
0x57: {  	_ =	shalt  }
0x58: {  	_ =	shalt  }
0x59: {  	_ =	shalt  }
0x5a: {  	_ =	shalt  }
0x5b: {  	_ =	shalt  }
0x5c: {  	_ =	shalt  }
0x5d: {  	_ =	shalt  }
0x5e: {  	_ =	shalt  }
0x5f: {  	_ =	shalt  }
0x60: {  	_ =	shalt  }
0x61: {  	_ =	shalt  }
0x62: {  	_ =	shalt  }
0x63: {  	_ =	shalt  }
0x64: {  	_ =	shalt  }
0x65: {  	_ =	shalt  }
0x66: {  	_ =	shalt  }
0x67: {  	_ =	shalt  }
0x68: {  	_ =	shalt  }
0x69: {  	_ =	shalt  }
0x6a: {  	_ =	shalt  }
0x6b: {  	_ =	shalt  }
0x6c: {  	_ =	shalt  }
0x6d: {  	_ =	shalt  }
0x6e: {  	_ =	shalt  }
0x6f: {  	_ =	shalt  }
0x70: {  	_ =	shalt  }
0x71: {  	_ =	shalt  }
0x72: {  	_ =	shalt  }
0x73: {  	_ =	shalt  }
0x74: {  	_ =	shalt  }
0x75: {  	_ =	shalt  }
0x76: {  	_ =	shalt  }
0x77: {  	_ =	shalt  }
0x78: {  	_ =	shalt  }
0x79: {  	_ =	shalt  }
0x7a: {  	_ =	shalt  }
0x7b: {  	_ =	shalt  }
0x7c: {  	_ =	shalt  }
0x7d: {  	_ =	shalt  }
0x7e: {  	_ =	shalt  }
0x7f: {  	_ =	shalt  }
0x80: {  	_ =	shalt  }
0x81: {  	_ =	shalt  }
0x82: {  	_ =	shalt  }
0x83: {  	_ =	shalt  }
0x84: {  	_ =	shalt  }
0x85: {  	_ =	shalt  }
0x86: {  	_ =	shalt  }
0x87: {  	_ =	shalt  }
.Lfunc_end0:
.L_simem_size_0:
called_computation_lowered:
.L_overlay_start_0:
0x88: {  	s2 =	sld [smem:$0x3FD9]  }
0x89: {  	s3 =	sld [smem:$0x3FFE];
	_ =	sdelay $0x1  }
0x8a: {  	s1 =	srdreg.scid  }
0x8b: {  	s0 =	sand.u32 $0x1, s1  }
0x8c: {  	s17 =	sshll.u32 s0, $0xA;
	s2 =	sadd.s32 s3, s2  }
0x8d: {  	s2 =	sadd.s32 s2, s17  }
0x8e: {  	[smem:$0x3FC3] =	sst s2  }
0x8f: {  	_ = 	snop  }
0x90: {  	s2 =	sld [smem:$0x3FD0];
	(tm) =	ssettm $0x1  }
0x91: {  	s18 =	sld [smem:$0x3FFB];
	_ =	sdelay $0x3  }
0x92: {  	_ =	strace s18  }
0x93: {  	s3 =	sld [smem:$0x3FFC];
	_ =	sdelay $0x3  }
0x94: {  	_ =	strace s3  }
0x95: {  	s3 =	sld [smem:$0x3FFD];
	_ =	sdelay $0x3  }
0x96: {  	_ =	strace s3  }
0x97: {  	_ =	strace $0x8FFFFFFF  }
0x98: {  	s19 =	sld [smem:$0x3FDB];
	_ =	sdelay $0x1  }
0x99: {  	s4 =	simm.s32 $_scs_section_size  }
0x9a: {  	s5 =	simm.s32 $_size__tile_overlayer_lowered;
	s6 =	simm.s32 $_tile_overlayer_lowered  }
0x9b: {  	s22 =	simm.s32 $0x1BFF;
	s21 =	sshll.u32 s6, $0x1;
	s3 =	sadd.s32 s4, s19  }
0x9c: {  	s7 =	simm.s32 $0x0;
	s20 =	sshll.u32 s5, $0x1;
	s5 =	sadd.s32 s21, s3  }
0x9d: {  	[timem:s7], [sflag:s22] =	dma.local [hbm:s5], s20  }
0x9e: {  	_ =	swait.ge [sflag:s22], s20  }
0x9f: {  	s4 =	ssub.s32 $0x0, s20;
	[sflag:s22] =	ssyncset.done $0x0  }
0xa0: {  	[sflag:s22] =	ssyncadd.s32 s4;
	_ =	sdelay $0x1  }
0xa1: {  	s23 =	simm.s32 $0x1B8B  }
0xa2: {  	_ =	swait.ge [sflag:s23], $0x1  }
0xa3: {  	[sflag:s23] =	ssyncset.done $0x0  }
0xa4: {  	s25 =	simm.s32 $0x1B8E;
	s24 =	sld [smem:$0x3FFE];
	[sflag:s23] =	ssyncadd.s32 $0xFFFFFFFF  }
0xa5: {  	s26 =	simm.s32 $execute0_lowered;
	[smem:$0x3FD2] =	sst s25  }
0xa6: {  	s5 =	sshll.u32 s26, $0x1;
	_ =	strace $0x80000046;
	[dreg:$0x1] =	wrdreg $0xFFFFFFFF  }
0xa7: {  	s28 =	simm.s32 $_size_execute0_lowered;
	s3 =	sadd.s32 s3, s5;
	[dreg:$0x0] =	wrdreg $0x0  }
0xa8: {  	s5 =	sshll.u32 s28, $0x1;
	[dreg:$0x2] =	wrdreg s3  }
0xa9: {  	[dreg:$0x3] =	wrdreg s5  }
0xaa: {  	[dreg:$0x4] =	wrdreg $0xC0  }
0xab: {  	_ =	task [dreg:s7], $0x5FFFF  }
0xac: {  	[dreg:$0x1] =	wrdreg $0xFFFFFFFF  }
0xad: {  	[dreg:$0x0] =	wrdreg $0x60  }
0xae: {  	[dreg:$0x2] =	wrdreg s24  }
0xaf: {  	[dreg:$0x3] =	wrdreg s2  }
0xb0: {  	[dreg:$0x4] =	wrdreg $0x1C800  }
0xb1: {  	[dreg:$0x5] =	wrdreg $0x9  }
0xb2: {  	_ =	task.clear_ibuf [dreg:s7], $0x6FFFF;
	_ =	strace $0x90000046  }
0xb3: {  	s29 =	simm.s32 $0x9;
	_ =	strace $0x80000048  }
0xb4: {  	_ =	swait.ge [sflag:s29], $0x1  }
0xb5: {  	[sflag:s29] =	ssyncadd.s32 $0xFFFFFFFF  }
0xb6: {  	_ =	strace $0x90000048  }
0xb7: {  	_ =	sfence  }
0xb8: {  	s30 =	sld [smem:$0x0];
	_ =	sdelay $0x2  }
0xb9: {  	s31 =	sshll.u32 s1, $0xD;
	s1 =	sshrl.u32 s1, $0x2  }
0xba: {  	s3 =	sand.u32 $0x4000, s31;
	s1 =	sadd.s32 s1, s30  }
0xbb: {  	s0 =	sor.u32 s3, s0;
	s1 =	sshll.u32 s1, $0x11  }
0xbc: {  	s0 =	sor.u32 s1, s0  }
0xbd: {  	s0 =	sadd.s32 $0x8F2B, s0  }
0xbe: {  	[sflag:s0] =	ssyncadd.remote.s32 $0x1  }
0xbf: {  	_ =	sfence.sel $0xFFFF  }
0xc0: {  	[dreg:$0x0] =	wrdreg $0xFFFFFFFF;
	(pc) =	sbr.abs _section_cstart, $3  }
0xc1: {  	[dreg:$0x1] =	wrdreg $0xFFFFFFFF  }
0xc2: {  	_ =	task.clear_ibuf [dreg:s7], $0x2FFFF;
	_ =	strace $0x9FFFFFFF  }
0xc3: {  	(tm) =	ssettm $0x7FFFFFFF  }
tec
execute0_lowered:
.L_overlay_start_1:
0x0: {  	(tag) =	ssettag $0x1  }
0x1: {  	s2 =	srdreg.scid  }
0x2: {  	s2 =	sand.u32 $0x1, s2  }
0x3: {  	p1 =	seq.s32 s2, $0x1  }
.Ltmp0:
0x4: {  	s4 =	rddreg [dreg:$0x0];
	(pc) =	sbr.rel @p1 .LBB2_4-.Ltmp0, $4  }
0x5: {  	s1 =	rddreg [dreg:$0x1]  }
0x6: {  	s3 =	rddreg [dreg:$0x2];
	s6 =	simm.s32 $0x0  }
0x7: {  	s5 =	stileid.u32;
	[smem:$0x7FF] =	sst s6  }
0x8: {  	s0 =	rddreg [dreg:$0x3];
	p0 =	sne.s32 s5, $0x0;
	_ =	strace $0x80000047  }
0x9: {  	s2 =	sadd.s32 $0x1400, s4;
	s7 =	sshll.u32 s5, $0x1  }
0xa: {  	s2 =	sadd.s32 s2, s7  }
0xb: {  	[tilespmem:s6], [sflag:$0x2] =	stream.linear.gather [hbm4b:s2+s6], $0x20, $0x38;
	[tilespmem:$0x1C88] =	vst v63  }
0xc: {  	s2 =	simm.s32 $0x2  }
0xd: {  	_ =	swait.ge [sflag:s2], $0x20  }
0xe: {  	[sflag:s2] =	ssyncset.done $0x0  }
0xf: {  	s17 =	sadd.s32 $0x1600, s4;
	s8 =	simm.s32 $0x80;
	[sflag:s2] =	ssyncadd.s32 $0xFFFFFFE0  }
0x10: {  	[tilespmem:s8], [sflag:$0x2] =	stream.linear.gather [hbm4b:s17+s6], $0x80, $0x38;
	[tilespmem:$0x1C88] =	vst v63  }
0x11: {  	_ =	swait.ge [sflag:s2], $0x80  }
0x12: {  	[sflag:s2] =	ssyncset.done $0x0  }
0x13: {  	v0 =	vlaneseq.u32;
	[sflag:s2] =	ssyncadd.s32 $0xFFFFFF80  }
0x14: {  	s18 =	sshll.u32 s5, $0x4;
	v1 =	vadd.s32 $0x1, v0;
	v2 =	vld [tilespmem:$0x0]  }
0x15: {  	v1 =	vadd.s32 s18, v1;
	v3 =	vld [tilespmem:$0x10]  }
0x16: {  	v4 =	vmov s18;
	v1 =	vmin.u32 v1, $0xFF  }
0x17: {  	v7 =	vimm.s32 $0xC3824100;
	v5 =	vsub.s32 v1, v4  }
0x18: {  	vm15 =	vcmask $0xF00;
	vm0 =	vgt.s32 v5, $0x10;
	vm1 =	vgt.s32 v5, $0xF  }
0x19: {  	v7 =	vunpack.c.0.s8.s32 v7;
	v6 =	vnsel vm0, $0x10, v5;
	v5 =	vsel vm1, $0xF, v5;
	v48 =	vld [tilespmem:$0x80]  }
0x1a: {  	v0 =	vmul.u32 $0x200, v0;
	v5 =	vperm.xlane v2, v5;
	v3 =	vperm.xlane v3, v6  }
0x1b: {  	v50 =	vand.u32 $0xFF, v7;
	v4 =	vshll.u32 v4, $0x9;
	v1 =	vshll.u32 v1, $0x9  }
0x1c: {  	v0 =	vor.u32 v0, v4;
	v49 =	vshra.s32 v2, $0x1;
	v3 =	vsel vm1, v3, v5  }
0x1d: {  	v0 =	vadd.s32 v0, v49;
	v5 =	vnsel vm15, $0xC3, v50;
	v51 =	vshra.s32 v3, $0x1  }
0x1e: {  	[tilespmem:$0x100] =	vst v0;
	v0 =	vadd.s32 v1, v51;
	v1 =	vadd.s32 v5, v48  }
0x1f: {  	s19 =	sadd.s32 $0x400A00, s4;
	s20 =	simm.s32 $0x10;
	[tilespmem:$0x180] =	vst v0;
	v0 =	vshra.s32 v1, $0x1  }
0x20: {  	s9 =	simm.s32 $0x100;
	s10 =	simm.s32 $0x280;
	s21 =	sadd.s32 $0x600A00, s4;
	[tilespmem:$0x200] =	vst v0  }
0x21: {  	[tilespmem:s10], [sflag:$0x1] =	stream.indirect.gather [hbm4b:s19+s20], $0x80, s9, s20, $0xb8;
	[tilespmem:$0x1C88] =	vst v63  }
0x22: {  	s22 =	simm.s32 $0x180;
	s23 =	simm.s32 $0xA80;
	s24 =	sadd.s32 $0xA00, s4  }
0x23: {  	[tilespmem:s23], [sflag:$0x1] =	stream.indirect.gather [hbm4b:s21+s20], $0x80, s22, s20, $0xb8;
	[tilespmem:$0x1C88] =	vst v63  }
0x24: {  	s25 =	simm.s32 $0x200;
	s26 =	simm.s32 $0x1280;
	s4 =	simm.s32 $0x1  }
0x25: {  	[tilespmem:s26], [sflag:$0x1] =	stream.indirect.gather [hbm4b:s24+s20], $0x80, s25, s20, $0xb8;
	[tilespmem:$0x1C88] =	vst v63  }
0x26: {  	_ =	swait.ge [sflag:s4], $0x800  }
0x27: {  	[sflag:s4] =	ssyncset.done $0x0  }
0x28: {  	[sflag:s4] =	ssyncadd.s32 $0xFFFFF800  }
0x29: {  	_ =	swait.ge [sflag:s4], $0x800  }
0x2a: {  	[sflag:s4] =	ssyncset.done $0x0  }
0x2b: {  	[sflag:s4] =	ssyncadd.s32 $0xFFFFF800  }
0x2c: {  	_ =	swait.ge [sflag:s4], $0x800  }
0x2d: {  	[sflag:s4] =	ssyncset.done $0x0  }
0x2e: {  	s28 =	sshrl.u32 s5, $0x2;
	[sflag:s4] =	ssyncadd.s32 $0xFFFFF800  }
0x2f: {  	s29 =	sshll.u32 s28, $0x7;
	v0 =	vld [tilespmem:$0x80]  }
0x30: {  	v52 =	vld [tilespmem:s29+$0x1280]  }
0x31: {  	v54 =	vld [tilespmem:s29+$0x1290]  }
0x32: {  	v8 =	vld [tilespmem:s29+$0x12D0]  }
0x33: {  	v9 =	vld [tilespmem:s29+$0x12A0]  }
0x34: {  	v10 =	vld [tilespmem:s29+$0x12E0]  }
0x35: {  	v11 =	vld [tilespmem:$0x280]  }
0x36: {  	v13 =	vld [tilespmem:$0x2C0]  }
0x37: {  	v14 =	vld [tilespmem:$0xA80]  }
0x38: {  	v15 =	vld [tilespmem:$0xAC0]  }
0x39: {  	v17 =	vld [tilespmem:$0x290]  }
0x3a: {  	v2 =	vand.u32 $0x1, v2;
	v18 =	vld [tilespmem:$0xA90]  }
0x3b: {  	v16 =	vand.u32 $0x1, v3;
	v3 =	vcvt.s32.f32 v2;
	v2 =	vld [tilespmem:$0xAD0]  }
0x3c: {  	v19 =	vld [tilespmem:$0x2D0]  }
0x3d: {  	v20 =	vld [tilespmem:$0xAA0]  }
0x3e: {  	v22 =	vld [tilespmem:$0xAE0]  }
0x3f: {  	v23 =	vld [tilespmem:$0x2A0]  }
0x40: {  	v63 =	vld [tilespmem:$0x2E0]  }
0x41: {  	v29 =	vld [tilespmem:s29+$0x12B0]  }
0x42: {  	v24 =	vld [tilespmem:s29+$0x12F0]  }
0x43: {  	v1 =	vand.u32 $0x1, v1;
	v35 =	vld [tilespmem:$0x2B0]  }
0x44: {  	v1 =	vcvt.s32.f32 v1;
	v38 =	vld [tilespmem:$0x2F0]  }
0x45: {  	v12 =	vmov s28;
	v49 =	vld [tilespmem:$0xB10]  }
0x46: {  	s30 =	sshll.u32 s28, $0x6;
	v51 =	vld [tilespmem:$0xB50];
	v0 =	vperm.xlane v0, v12;
	v12 =	vperm.xlane v1, v12;
	v1 =	vsub.f32 v8, v54  }
0x47: {  	v26 =	vimm.s32 $0x1;
	s6 =	ssub.s32 s30, s18;
	v53 =	vld [tilespmem:s29+$0x12C0];
	v10 =	vsub.f32 v10, v9;
	v15 =	vsub.f32 v15, v14  }
0x48: {  	v55 =	vmov s6;
	v60 =	vsub.f32 v2, v18;
	v62 =	vsub.f32 v13, v11  }
0x49: {  	v6 =	vadd.s32 $0xFFFFFFFF, v55;
	v19 =	vsub.f32 v19, v17;
	v22 =	vsub.f32 v22, v20  }
0x4a: {  	v6 =	vbroadcast v6, $0x0;
	v13 =	vsub.f32 v63, v23;
	v36 =	vsub.f32 v24, v29  }
0x4b: {  	v5 =	vcvt.s32.f32 v16;
	v47 =	vsub.f32 v38, v35;
	v16 =	vsub.f32 v51, v49  }
0x4c: {  	v6 =	vadd.s32 v6, v0;
	v0 =	vsub.f32 v53, v52;
	v1 =	vmul.f32 v1, v12  }
0x4d: {  	v58 =	vmul.f32 v10, v12;
	v56 =	vcvt.s32.f32 v6;
	v45 =	vadd.s32 $0xFFFFFFFF, v6  }
0x4e: {  	v57 =	vmul.f32 v0, v12;
	v0 =	vimm.s32 $0x0;
	v1 =	vadd.f32 v1, v54  }
0x4f: {  	v2 =	vadd.f32 v58, v9;
	v12 =	vmul.f32 v36, v12;
	v48 =	vcvt.s32.f32 v45  }
0x50: {  	v46 =	vld [tilespmem:$0x310];
	v8 =	vand.u32 $0x7FFFFFFF, v56;
	v21 =	vperm.xlane v5, v0;
	v61 =	vperm.xlane v3, v0  }
0x51: {  	v53 =	vld [tilespmem:$0x350];
	v56 =	vperm.xlane v5, v26;
	v8 =	vmin.f32 v8, $1.000000000e+00;
	v4 =	vadd.f32 v57, v52  }
0x52: {  	v52 =	vand.u32 $0x7FFFFFFF, v48;
	v15 =	vmul.f32 v15, v21;
	v28 =	vmul.f32 v60, v21  }
0x53: {  	v33 =	vld [tilespmem:$0xAB0];
	v48 =	vimm.s32 $0x2;
	v7 =	vmul.f32 v62, v61;
	v30 =	vmul.f32 v19, v61  }
0x54: {  	v34 =	vld [tilespmem:$0xAF0];
	v8 =	vsub.f32 $1.000000000e+00, v8;
	v31 =	vmul.f32 v22, v21;
	v13 =	vmul.f32 v13, v61  }
0x55: {  	v39 =	vld [tilespmem:$0x300];
	v9 =	vmul.f32 v47, v61;
	v54 =	vmin.f32 v52, $1.000000000e+00;
	v60 =	vperm.xlane v3, v26  }
0x56: {  	v55 =	vld [tilespmem:$0xB20];
	v16 =	vmul.f32 v16, v56;
	v19 =	vsub.f32 v53, v46;
	v59 =	vsub.f32 $1.000000000e+00, v8  }
0x57: {  	v57 =	vld [tilespmem:$0xB60];
	v14 =	vadd.f32 v15, v14;
	v25 =	vmul.f32 v4, v8;
	v15 =	vadd.f32 v28, v18  }
0x58: {  	v41 =	vld [tilespmem:$0x340];
	v7 =	vadd.f32 v7, v11;
	v32 =	vmul.f32 v1, v8;
	v18 =	vadd.f32 v31, v20  }
0x59: {  	v42 =	vld [tilespmem:$0xB00];
	v11 =	vadd.f32 v30, v17;
	v13 =	vadd.f32 v13, v23;
	v10 =	vmul.f32 $9.900000090e-01, v59  }
0x5a: {  	v43 =	vld [tilespmem:$0xB40];
	v37 =	vmul.f32 v2, v8;
	v20 =	vsub.f32 v34, v33;
	v9 =	vadd.f32 v9, v35  }
0x5b: {  	v61 =	vld [tilespmem:$0x360];
	v16 =	vadd.f32 v16, v49;
	v14 =	vmul.f32 v14, v10;
	v15 =	vmul.f32 v15, v10  }
0x5c: {  	v44 =	vmul.f32 v20, v21;
	v59 =	vld [tilespmem:$0x320];
	v22 =	vsub.f32 v57, v55;
	v18 =	vmul.f32 v18, v10  }
0x5d: {  	v52 =	vperm.xlane v3, v48;
	v49 =	vld [tilespmem:$0x3D0];
	v14 =	vadd.f32 v14, v25;
	v15 =	vadd.f32 v15, v32  }
0x5e: {  	v63 =	vmul.f32 v19, v60;
	v50 =	vadd.f32 v44, v33;
	v44 =	vld [tilespmem:$0x390];
	v40 =	vadd.f32 v18, v37  }
0x5f: {  	v28 =	vmul.f32 v22, v56;
	v7 =	vsub.f32 v7, v14;
	v11 =	vsub.f32 v11, v15  }
0x60: {  	v31 =	vld [tilespmem:$0xB30];
	v10 =	vmul.f32 v50, v10;
	v18 =	vsub.f32 v41, v39;
	v50 =	vperm.xlane v5, v48  }
0x61: {  	v33 =	vld [tilespmem:$0xB70];
	v24 =	vsub.f32 v61, v59;
	v7 =	vmul.f32 v7, v7;
	v11 =	vmul.f32 v11, v11  }
0x62: {  	v13 =	vsub.f32 v13, v40;
	v15 =	vsub.f32 v43, v42;
	v18 =	vmul.f32 v18, v60;
	v40 =	vld [tilespmem:$0xB80]  }
0x63: {  	v43 =	vld [tilespmem:$0xBC0];
	v30 =	vmul.f32 v24, v60;
	v23 =	vsub.f32 v49, v44;
	v11 =	vadd.f32 v11, v7  }
0x64: {  	v13 =	vmul.f32 v13, v13;
	v7 =	vadd.f32 v12, v29;
	v12 =	vsub.f32 $1.000000000e+00, v54  }
0x65: {  	v51 =	vld [tilespmem:$0xBA0];
	v15 =	vmul.f32 v15, v56;
	v14 =	vadd.f32 v18, v39;
	v18 =	vadd.f32 v63, v46  }
0x66: {  	v45 =	vld [tilespmem:$0xB90];
	v39 =	vsub.f32 v33, v31;
	v8 =	vmul.f32 v7, v8;
	v58 =	vsub.f32 $1.000000000e+00, v12  }
0x67: {  	v47 =	vld [tilespmem:$0xBD0];
	v17 =	vadd.f32 v30, v59;
	v59 =	vmul.f32 v23, v52;
	v15 =	vadd.f32 v15, v42  }
0x68: {  	v36 =	vld [tilespmem:$0x370];
	v22 =	vsub.f32 v43, v40;
	v8 =	vadd.f32 v10, v8;
	v10 =	vmul.f32 $9.900000090e-01, v58  }
0x69: {  	v53 =	vld [tilespmem:$0xBE0];
	v11 =	vadd.f32 v13, v11;
	v62 =	vmul.f32 v4, v12;
	v29 =	vmul.f32 v1, v12  }
0x6a: {  	v26 =	vld [tilespmem:$0xBF0];
	v13 =	vadd.f32 v28, v55;
	v32 =	vmul.f32 v2, v12;
	v15 =	vmul.f32 v15, v10  }
0x6b: {  	v35 =	vld [tilespmem:$0x330];
	v22 =	vmul.f32 v22, v50;
	v8 =	vsub.f32 v9, v8;
	v16 =	vmul.f32 v16, v10  }
0x6c: {  	v63 =	vld [tilespmem:$0xBB0];
	v55 =	vsub.f32 v47, v45;
	v13 =	vmul.f32 v13, v10;
	v15 =	vadd.f32 v15, v62  }
0x6d: {  	v19 =	vadd.f32 v22, v40;
	v8 =	vmul.f32 v8, v8;
	v16 =	vadd.f32 v16, v29  }
0x6e: {  	v42 =	vadd.s32 $0xFFFFFFFE, v6;
	v13 =	vadd.f32 v13, v32;
	v14 =	vsub.f32 v14, v15  }
0x6f: {  	v38 =	vld [tilespmem:$0x3C0];
	v12 =	vmul.f32 v7, v12;
	v8 =	vadd.f32 v8, v11;
	v34 =	vsub.f32 v18, v16  }
0x70: {  	v37 =	vld [tilespmem:$0x380];
	v13 =	vsub.f32 v17, v13;
	v15 =	vsub.f32 v36, v35;
	v17 =	vmul.f32 v39, v56  }
0x71: {  	v57 =	vld [tilespmem:$0x3E0];
	v16 =	vsub.f32 v53, v51;
	v36 =	vsub.f32 v26, v63;
	v14 =	vmul.f32 v14, v14  }
0x72: {  	v56 =	vld [tilespmem:$0x3A0];
	v39 =	vadd.s32 $0xFFFFFFFD, v6;
	v41 =	vmul.f32 v13, v13;
	v13 =	vcvt.s32.f32 v42  }
0x73: {  	v11 =	vmul.f32 v34, v34;
	v9 =	vmul.f32 v15, v60;
	v46 =	vadd.f32 v17, v31  }
0x74: {  	v49 =	vld [tilespmem:$0xC60];
	v16 =	vmul.f32 v16, v50;
	v8 =	vadd.f32 v14, v8;
	v13 =	vand.u32 $0x7FFFFFFF, v13  }
0x75: {  	v33 =	vld [tilespmem:$0x400];
	v9 =	vadd.f32 v9, v35;
	v10 =	vmul.f32 v46, v10;
	v14 =	vsub.f32 v38, v37  }
0x76: {  	v47 =	vld [tilespmem:$0xC20];
	v62 =	vadd.f32 v16, v51;
	v46 =	vimm.s32 $0x3;
	v13 =	vmin.f32 v13, $1.000000000e+00  }
0x77: {  	v40 =	vld [tilespmem:$0x410];
	v61 =	vsub.f32 v57, v56;
	v13 =	vsub.f32 $1.000000000e+00, v13;
	v14 =	vmul.f32 v14, v52  }
0x78: {  	v38 =	vld [tilespmem:$0xC40];
	v8 =	vadd.f32 v11, v8;
	v10 =	vadd.f32 v10, v12;
	v12 =	vmul.f32 v55, v50  }
0x79: {  	v48 =	vperm.xlane v5, v46;
	v54 =	vsub.f32 $1.000000000e+00, v13;
	v14 =	vadd.f32 v14, v37;
	v37 =	vld [tilespmem:$0xC00]  }
0x7a: {  	v25 =	vmul.f32 v61, v52;
	v9 =	vsub.f32 v9, v10;
	v11 =	vadd.f32 v12, v45;
	v45 =	vld [tilespmem:$0x450]  }
0x7b: {  	v28 =	vld [tilespmem:$0x3B0];
	v8 =	vadd.f32 v41, v8;
	v58 =	vmul.f32 v4, v13;
	v60 =	vmul.f32 v1, v13  }
0x7c: {  	v53 =	vld [tilespmem:$0x460];
	v12 =	vadd.f32 v59, v44;
	v20 =	vmul.f32 $9.900000090e-01, v54;
	v9 =	vmul.f32 v9, v9  }
0x7d: {  	v31 =	vld [tilespmem:$0x3F0];
	v27 =	vmul.f32 v2, v13;
	v32 =	vadd.f32 v25, v56;
	v54 =	vsub.f32 v49, v47  }
0x7e: {  	v51 =	vld [tilespmem:$0x420];
	v19 =	vmul.f32 v19, v20;
	v11 =	vmul.f32 v11, v20;
	v8 =	vadd.f32 v9, v8  }
0x7f: {  	v35 =	vld [tilespmem:$0x440];
	v56 =	vmul.f32 v54, v48;
	v9 =	vsub.f32 v38, v37;
	v16 =	vsub.f32 v45, v40  }
0x80: {  	v13 =	vmul.f32 v7, v13;
	v38 =	vld [tilespmem:$0xC90];
	v10 =	vadd.f32 v19, v58;
	v11 =	vadd.f32 v11, v60  }
0x81: {  	v19 =	vcvt.s32.f32 v39;
	v17 =	vadd.f32 v56, v47;
	v39 =	vld [tilespmem:$0xCD0];
	v9 =	vmul.f32 v9, v48  }
0x82: {  	v10 =	vsub.f32 v14, v10;
	v14 =	vmul.f32 v62, v20;
	v30 =	vsub.f32 v12, v11  }
0x83: {  	v11 =	vsub.f32 v31, v28;
	v44 =	vand.u32 $0x7FFFFFFF, v19;
	v19 =	vsub.f32 v53, v51  }
0x84: {  	v15 =	vmin.f32 v44, $1.000000000e+00;
	v9 =	vadd.f32 v9, v37;
	v29 =	vmul.f32 v10, v10  }
0x85: {  	v43 =	vld [tilespmem:$0xC50];
	v14 =	vadd.f32 v14, v27;
	v11 =	vmul.f32 v11, v52;
	v15 =	vsub.f32 $1.000000000e+00, v15  }
0x86: {  	v41 =	vld [tilespmem:$0xC10];
	v52 =	vperm.xlane v3, v46;
	v10 =	vsub.f32 v35, v33;
	v47 =	vsub.f32 v39, v38  }
0x87: {  	v34 =	vmul.f32 v30, v30;
	v8 =	vadd.f32 v29, v8;
	v12 =	vsub.f32 v32, v14  }
0x88: {  	v61 =	vld [tilespmem:$0xC70];
	v14 =	vmul.f32 v36, v50;
	v11 =	vadd.f32 v11, v28;
	v10 =	vmul.f32 v10, v52  }
0x89: {  	v35 =	vadd.s32 $0xFFFFFFFC, v6;
	v50 =	vsub.f32 $1.000000000e+00, v15;
	v36 =	vld [tilespmem:$0xCC0];
	v8 =	vadd.f32 v34, v8  }
0x8a: {  	v12 =	vmul.f32 v12, v12;
	v42 =	vadd.f32 v14, v63;
	v10 =	vadd.f32 v10, v33;
	v33 =	vld [tilespmem:$0xC80]  }
0x8b: {  	v59 =	vld [tilespmem:$0xC30];
	v55 =	vmul.f32 v4, v15;
	v16 =	vmul.f32 v16, v52;
	v14 =	vsub.f32 v43, v41  }
0x8c: {  	v49 =	vld [tilespmem:$0x4E0];
	v57 =	vmul.f32 v1, v15;
	v8 =	vadd.f32 v12, v8;
	v12 =	vmul.f32 v42, v20  }
0x8d: {  	v31 =	vld [tilespmem:$0x4C0];
	v58 =	vmul.f32 v19, v52;
	v16 =	vadd.f32 v16, v40;
	v14 =	vmul.f32 v14, v48  }
0x8e: {  	v37 =	vld [tilespmem:$0x490];
	v40 =	vimm.s32 $0x4;
	v12 =	vadd.f32 v12, v13;
	v13 =	vmul.f32 $9.900000090e-01, v50  }
0x8f: {  	v42 =	vperm.xlane v5, v40;
	v14 =	vadd.f32 v14, v41;
	v41 =	vld [tilespmem:$0x4D0];
	v21 =	vsub.f32 v36, v33  }
0x90: {  	v60 =	vmul.f32 v2, v15;
	v28 =	vld [tilespmem:$0x470];
	v32 =	vsub.f32 v61, v59;
	v9 =	vmul.f32 v9, v13  }
0x91: {  	v63 =	vld [tilespmem:$0x430];
	v11 =	vsub.f32 v11, v12;
	v14 =	vmul.f32 v14, v13;
	v21 =	vmul.f32 v21, v42  }
0x92: {  	v29 =	vld [tilespmem:$0x480];
	v15 =	vmul.f32 v7, v15;
	v27 =	vadd.f32 v58, v51;
	v9 =	vadd.f32 v9, v55  }
0x93: {  	v11 =	vmul.f32 v11, v11;
	v14 =	vadd.f32 v14, v57;
	v55 =	vld [tilespmem:$0xCB0];
	v20 =	vadd.f32 v21, v33  }
0x94: {  	v17 =	vmul.f32 v17, v13;
	v57 =	vld [tilespmem:$0xCF0];
	v23 =	vsub.f32 v41, v37;
	v9 =	vsub.f32 v10, v9  }
0x95: {  	v45 =	vld [tilespmem:$0xCE0];
	v44 =	vperm.xlane v3, v40;
	v8 =	vadd.f32 v11, v8;
	v62 =	vsub.f32 v16, v14  }
0x96: {  	v43 =	vld [tilespmem:$0xCA0];
	v10 =	vadd.f32 v17, v60;
	v17 =	vsub.f32 v28, v63;
	v16 =	vmul.f32 v32, v48  }
0x97: {  	v11 =	vsub.f32 v31, v29;
	v48 =	vld [tilespmem:$0x4A0];
	v31 =	vadd.s32 $0xFFFFFFFB, v6;
	v9 =	vmul.f32 v9, v9  }
0x98: {  	v30 =	vmul.f32 v62, v62;
	v10 =	vsub.f32 v27, v10;
	v12 =	vmul.f32 v17, v52  }
0x99: {  	v16 =	vadd.f32 v16, v59;
	v11 =	vmul.f32 v11, v44;
	v28 =	vsub.f32 v57, v55  }
0x9a: {  	v8 =	vadd.f32 v9, v8;
	v34 =	vmul.f32 v10, v10;
	v10 =	vcvt.s32.f32 v35  }
0x9b: {  	v12 =	vadd.f32 v12, v63;
	v13 =	vmul.f32 v16, v13;
	v16 =	vsub.f32 v45, v43  }
0x9c: {  	v39 =	vld [tilespmem:$0xD20];
	v51 =	vmul.f32 v23, v44;
	v11 =	vadd.f32 v11, v29;
	v53 =	vsub.f32 v49, v48  }
0x9d: {  	v41 =	vld [tilespmem:$0xD60];
	v8 =	vadd.f32 v30, v8;
	v10 =	vand.u32 $0x7FFFFFFF, v10;
	v13 =	vadd.f32 v13, v15  }
0x9e: {  	v60 =	vld [tilespmem:$0x4F0];
	v15 =	vmul.f32 v47, v42;
	v16 =	vmul.f32 v16, v42;
	v10 =	vmin.f32 v10, $1.000000000e+00  }
0x9f: {  	v59 =	vld [tilespmem:$0x4B0];
	v56 =	vmul.f32 v53, v44;
	v8 =	vadd.f32 v34, v8;
	v10 =	vsub.f32 $1.000000000e+00, v10  }
0xa0: {  	v32 =	vld [tilespmem:$0x510];
	v12 =	vsub.f32 v12, v13;
	v9 =	vadd.f32 v15, v38;
	v38 =	vimm.s32 $0x5  }
0xa1: {  	v15 =	vadd.f32 v51, v37;
	v37 =	vld [tilespmem:$0x550];
	v40 =	vperm.xlane v5, v38;
	v46 =	vsub.f32 $1.000000000e+00, v10  }
0xa2: {  	v54 =	vadd.f32 v16, v43;
	v50 =	vmul.f32 v4, v10;
	v12 =	vmul.f32 v12, v12  }
0xa3: {  	v61 =	vadd.f32 v56, v48;
	v52 =	vmul.f32 v1, v10;
	v19 =	vmul.f32 $9.900000090e-01, v46  }
0xa4: {  	v58 =	vmul.f32 v2, v10;
	v8 =	vadd.f32 v12, v8;
	v12 =	vsub.f32 v60, v59  }
0xa5: {  	v33 =	vld [tilespmem:$0xD10];
	v10 =	vmul.f32 v7, v10;
	v46 =	vsub.f32 v41, v39;
	v20 =	vmul.f32 v20, v19  }
0xa6: {  	v62 =	vld [tilespmem:$0x500];
	v16 =	vsub.f32 v37, v32;
	v9 =	vmul.f32 v9, v19;
	v12 =	vmul.f32 v12, v44  }
0xa7: {  	v35 =	vld [tilespmem:$0xD50];
	v44 =	vperm.xlane v3, v38;
	v48 =	vmul.f32 v46, v40;
	v13 =	vadd.f32 v20, v50  }
0xa8: {  	v63 =	vld [tilespmem:$0x540];
	v9 =	vadd.f32 v9, v52;
	v20 =	vcvt.s32.f32 v31;
	v12 =	vadd.f32 v12, v59  }
0xa9: {  	v29 =	vld [tilespmem:$0xD00];
	v16 =	vmul.f32 v16, v44;
	v11 =	vsub.f32 v11, v13;
	v13 =	vmul.f32 v54, v19  }
0xaa: {  	v45 =	vld [tilespmem:$0x560];
	v9 =	vsub.f32 v15, v9;
	v15 =	vmul.f32 v28, v42;
	v36 =	vand.u32 $0x7FFFFFFF, v20  }
0xab: {  	v30 =	vld [tilespmem:$0xD40];
	v17 =	vadd.f32 v48, v39;
	v14 =	vmin.f32 v36, $1.000000000e+00;
	v13 =	vadd.f32 v13, v58  }
0xac: {  	v31 =	vld [tilespmem:$0x590];
	v11 =	vmul.f32 v11, v11;
	v34 =	vadd.f32 v15, v55;
	v15 =	vsub.f32 v35, v33  }
0xad: {  	v16 =	vadd.f32 v16, v32;
	v9 =	vmul.f32 v9, v9;
	v14 =	vsub.f32 $1.000000000e+00, v14;
	v35 =	vld [tilespmem:$0x5D0]  }
0xae: {  	v53 =	vld [tilespmem:$0xD70];
	v8 =	vadd.f32 v11, v8;
	v13 =	vsub.f32 v61, v13;
	v15 =	vmul.f32 v15, v40  }
0xaf: {  	v43 =	vld [tilespmem:$0x520];
	v42 =	vsub.f32 $1.000000000e+00, v14;
	v47 =	vmul.f32 v4, v14;
	v49 =	vmul.f32 v1, v14  }
0xb0: {  	v51 =	vld [tilespmem:$0xD30];
	v11 =	vsub.f32 v63, v62;
	v52 =	vmul.f32 v2, v14;
	v14 =	vmul.f32 v7, v14  }
0xb1: {  	v63 =	vld [tilespmem:$0xD80];
	v8 =	vadd.f32 v9, v8;
	v13 =	vmul.f32 v13, v13;
	v9 =	vsub.f32 v30, v29  }
0xb2: {  	v11 =	vmul.f32 v11, v44;
	v15 =	vadd.f32 v15, v33;
	v30 =	vld [tilespmem:$0xDC0];
	v23 =	vsub.f32 v35, v31  }
0xb3: {  	v8 =	vadd.f32 v13, v8;
	v13 =	vmul.f32 v34, v19;
	v9 =	vmul.f32 v9, v40  }
0xb4: {  	v32 =	vld [tilespmem:$0xD90];
	v11 =	vadd.f32 v11, v62;
	v19 =	vsub.f32 v45, v43;
	v34 =	vimm.s32 $0x6  }
0xb5: {  	v33 =	vld [tilespmem:$0xDD0];
	v10 =	vadd.f32 v13, v10;
	v13 =	vmul.f32 $9.900000090e-01, v42;
	v9 =	vadd.f32 v9, v29  }
0xb6: {  	v57 =	vld [tilespmem:$0x570];
	v62 =	vsub.f32 v53, v51;
	v36 =	vperm.xlane v5, v34;
	v38 =	vperm.xlane v3, v34  }
0xb7: {  	v55 =	vld [tilespmem:$0x530];
	v50 =	vmul.f32 v19, v44;
	v21 =	vsub.f32 v30, v63;
	v9 =	vmul.f32 v9, v13  }
0xb8: {  	v29 =	vadd.s32 $0xFFFFFFFA, v6;
	v42 =	vld [tilespmem:$0x5A0];
	v10 =	vsub.f32 v12, v10;
	v15 =	vmul.f32 v15, v13  }
0xb9: {  	v56 =	vadd.f32 v50, v43;
	v43 =	vld [tilespmem:$0x5E0];
	v21 =	vmul.f32 v21, v36;
	v9 =	vadd.f32 v9, v47  }
0xba: {  	v58 =	vld [tilespmem:$0x580];
	v41 =	vsub.f32 v33, v32;
	v10 =	vmul.f32 v10, v10;
	v15 =	vadd.f32 v15, v49  }
0xbb: {  	v61 =	vld [tilespmem:$0x5C0];
	v17 =	vmul.f32 v17, v13;
	v20 =	vadd.f32 v21, v63;
	v9 =	vsub.f32 v11, v9  }
0xbc: {  	v45 =	vmul.f32 v23, v38;
	v8 =	vadd.f32 v10, v8;
	v54 =	vsub.f32 v16, v15  }
0xbd: {  	v37 =	vld [tilespmem:$0xDA0];
	v11 =	vadd.f32 v17, v52;
	v17 =	vsub.f32 v57, v55;
	v16 =	vmul.f32 v62, v40  }
0xbe: {  	v39 =	vld [tilespmem:$0xDE0];
	v10 =	vcvt.s32.f32 v29;
	v47 =	vsub.f32 v43, v42;
	v9 =	vmul.f32 v9, v9  }
0xbf: {  	v59 =	vmul.f32 v54, v54;
	v60 =	vsub.f32 v56, v11;
	v12 =	vmul.f32 v17, v44  }
0xc0: {  	v16 =	vadd.f32 v16, v51;
	v10 =	vand.u32 $0x7FFFFFFF, v10;
	v11 =	vsub.f32 v61, v58  }
0xc1: {  	v49 =	vld [tilespmem:$0xDB0];
	v61 =	vadd.s32 $0xFFFFFFF9, v6;
	v10 =	vmin.f32 v10, $1.000000000e+00;
	v50 =	vmul.f32 v47, v38  }
0xc2: {  	v51 =	vld [tilespmem:$0xDF0];
	v8 =	vadd.f32 v9, v8;
	v28 =	vmul.f32 v60, v60;
	v10 =	vsub.f32 $1.000000000e+00, v10  }
0xc3: {  	v12 =	vadd.f32 v12, v55;
	v13 =	vmul.f32 v16, v13;
	v16 =	vsub.f32 v39, v37  }
0xc4: {  	v35 =	vld [tilespmem:$0xE60];
	v11 =	vmul.f32 v11, v38;
	v55 =	vadd.f32 v50, v42;
	v8 =	vadd.f32 v59, v8  }
0xc5: {  	v33 =	vld [tilespmem:$0xE20];
	v40 =	vsub.f32 $1.000000000e+00, v10;
	v13 =	vadd.f32 v13, v14;
	v44 =	vmul.f32 v4, v10  }
0xc6: {  	v53 =	vld [tilespmem:$0x5B0];
	v14 =	vmul.f32 v41, v36;
	v11 =	vadd.f32 v11, v58;
	v16 =	vmul.f32 v16, v36  }
0xc7: {  	v62 =	vld [tilespmem:$0x610];
	v46 =	vmul.f32 v1, v10;
	v52 =	vmul.f32 v2, v10;
	v58 =	vsub.f32 v51, v49  }
0xc8: {  	v54 =	vld [tilespmem:$0x5F0];
	v19 =	vmul.f32 $9.900000090e-01, v40;
	v9 =	vadd.f32 v14, v32;
	v32 =	vimm.s32 $0x7  }
0xc9: {  	v12 =	vsub.f32 v12, v13;
	v14 =	vadd.f32 v45, v31;
	v31 =	vld [tilespmem:$0x650];
	v34 =	vperm.xlane v5, v32  }
0xca: {  	v40 =	vsub.f32 v35, v33;
	v20 =	vmul.f32 v20, v19;
	v9 =	vmul.f32 v9, v19  }
0xcb: {  	v63 =	vld [tilespmem:$0xE10];
	v8 =	vadd.f32 v28, v8;
	v48 =	vadd.f32 v16, v37;
	v12 =	vmul.f32 v12, v12  }
0xcc: {  	v57 =	vld [tilespmem:$0x640];
	v42 =	vmul.f32 v40, v34;
	v13 =	vadd.f32 v20, v44;
	v9 =	vadd.f32 v9, v46  }
0xcd: {  	v29 =	vld [tilespmem:$0xE50];
	v10 =	vmul.f32 v7, v10;
	v8 =	vadd.f32 v12, v8;
	v12 =	vsub.f32 v54, v53  }
0xce: {  	v56 =	vld [tilespmem:$0x600];
	v20 =	vcvt.s32.f32 v61;
	v16 =	vsub.f32 v31, v62;
	v17 =	vadd.f32 v42, v33  }
0xcf: {  	v47 =	vld [tilespmem:$0xE70];
	v11 =	vsub.f32 v11, v13;
	v13 =	vmul.f32 v48, v19;
	v9 =	vsub.f32 v14, v9  }
0xd0: {  	v60 =	vld [tilespmem:$0xE40];
	v14 =	vmul.f32 v58, v36;
	v12 =	vmul.f32 v12, v38;
	v30 =	vand.u32 $0x7FFFFFFF, v20  }
0xd1: {  	v39 =	vld [tilespmem:$0x660];
	v38 =	vperm.xlane v3, v32;
	v15 =	vmin.f32 v30, $1.000000000e+00;
	v13 =	vadd.f32 v13, v52  }
0xd2: {  	v59 =	vld [tilespmem:$0xE00];
	v11 =	vmul.f32 v11, v11;
	v28 =	vadd.f32 v14, v49;
	v15 =	vsub.f32 $1.000000000e+00, v15  }
0xd3: {  	v61 =	vld [tilespmem:$0x690];
	v9 =	vmul.f32 v9, v9;
	v12 =	vadd.f32 v12, v53;
	v14 =	vsub.f32 v29, v63  }
0xd4: {  	v16 =	vmul.f32 v16, v38;
	v29 =	vld [tilespmem:$0x6D0];
	v8 =	vadd.f32 v11, v8;
	v13 =	vsub.f32 v55, v13  }
0xd5: {  	v37 =	vld [tilespmem:$0x620];
	v36 =	vsub.f32 $1.000000000e+00, v15;
	v11 =	vsub.f32 v57, v56;
	v14 =	vmul.f32 v14, v34  }
0xd6: {  	v45 =	vld [tilespmem:$0xE30];
	v41 =	vmul.f32 v4, v15;
	v43 =	vmul.f32 v1, v15;
	v16 =	vadd.f32 v16, v62  }
0xd7: {  	v46 =	vmul.f32 v2, v15;
	v57 =	vld [tilespmem:$0xE80];
	v8 =	vadd.f32 v9, v8;
	v13 =	vmul.f32 v13, v13  }
0xd8: {  	v62 =	vld [tilespmem:$0xE90];
	v15 =	vmul.f32 v7, v15;
	v9 =	vsub.f32 v60, v59;
	v14 =	vadd.f32 v14, v63  }
0xd9: {  	v11 =	vmul.f32 v11, v38;
	v60 =	vld [tilespmem:$0xEC0];
	v23 =	vsub.f32 v29, v61;
	v8 =	vadd.f32 v13, v8  }
0xda: {  	v63 =	vld [tilespmem:$0xED0];
	v13 =	vmul.f32 v28, v19;
	v9 =	vmul.f32 v9, v34;
	v28 =	vimm.s32 $0x8  }
0xdb: {  	v11 =	vadd.f32 v11, v56;
	v19 =	vsub.f32 v39, v37;
	v30 =	vperm.xlane v5, v28  }
0xdc: {  	v10 =	vadd.f32 v13, v10;
	v13 =	vmul.f32 $9.900000090e-01, v36;
	v9 =	vadd.f32 v9, v59  }
0xdd: {  	v51 =	vld [tilespmem:$0x670];
	v56 =	vsub.f32 v47, v45;
	v32 =	vperm.xlane v3, v28;
	v44 =	vmul.f32 v19, v38  }
0xde: {  	v49 =	vld [tilespmem:$0x630];
	v59 =	vadd.s32 $0xFFFFFFF8, v6;
	v21 =	vsub.f32 v60, v57;
	v9 =	vmul.f32 v9, v13  }
0xdf: {  	v36 =	vld [tilespmem:$0x6A0];
	v35 =	vsub.f32 v63, v62;
	v10 =	vsub.f32 v12, v10;
	v14 =	vmul.f32 v14, v13  }
0xe0: {  	v50 =	vadd.f32 v44, v37;
	v37 =	vld [tilespmem:$0x6E0];
	v21 =	vmul.f32 v21, v30;
	v9 =	vadd.f32 v9, v41  }
0xe1: {  	v39 =	vmul.f32 v23, v32;
	v10 =	vmul.f32 v10, v10;
	v14 =	vadd.f32 v14, v43  }
0xe2: {  	v52 =	vld [tilespmem:$0x680];
	v17 =	vmul.f32 v17, v13;
	v20 =	vadd.f32 v21, v57;
	v9 =	vsub.f32 v11, v9  }
0xe3: {  	v55 =	vld [tilespmem:$0x6C0];
	v57 =	vimm.s32 $0x9;
	v8 =	vadd.f32 v10, v8;
	v48 =	vsub.f32 v16, v14  }
0xe4: {  	v11 =	vadd.f32 v17, v46;
	v17 =	vsub.f32 v51, v49;
	v16 =	vmul.f32 v56, v34  }
0xe5: {  	v31 =	vld [tilespmem:$0xEA0];
	v10 =	vcvt.s32.f32 v59;
	v26 =	vperm.xlane v3, v57;
	v41 =	vsub.f32 v37, v36  }
0xe6: {  	v33 =	vld [tilespmem:$0xEE0];
	v9 =	vmul.f32 v9, v9;
	v53 =	vmul.f32 v48, v48;
	v54 =	vsub.f32 v50, v11  }
0xe7: {  	v12 =	vmul.f32 v17, v38;
	v16 =	vadd.f32 v16, v45;
	v10 =	vand.u32 $0x7FFFFFFF, v10  }
0xe8: {  	v27 =	vld [tilespmem:$0xF60];
	v11 =	vsub.f32 v55, v52;
	v10 =	vmin.f32 v10, $1.000000000e+00;
	v44 =	vmul.f32 v41, v32  }
0xe9: {  	v47 =	vld [tilespmem:$0xEF0];
	v8 =	vadd.f32 v9, v8;
	v58 =	vmul.f32 v54, v54;
	v10 =	vsub.f32 $1.000000000e+00, v10  }
0xea: {  	v45 =	vld [tilespmem:$0xEB0];
	v12 =	vadd.f32 v12, v49;
	v13 =	vmul.f32 v16, v13;
	v11 =	vmul.f32 v11, v32  }
0xeb: {  	v60 =	vld [tilespmem:$0xF50];
	v16 =	vsub.f32 v33, v31;
	v54 =	vadd.s32 $0xFFFFFFF7, v6;
	v49 =	vadd.f32 v44, v36  }
0xec: {  	v43 =	vld [tilespmem:$0x6B0];
	v18 =	vcvt.s32.f32 v54;
	v8 =	vadd.f32 v53, v8;
	v34 =	vsub.f32 $1.000000000e+00, v10  }
0xed: {  	v55 =	vld [tilespmem:$0xF40];
	v13 =	vadd.f32 v13, v15;
	v38 =	vmul.f32 v4, v10;
	v15 =	vmul.f32 v35, v30  }
0xee: {  	v11 =	vadd.f32 v11, v52;
	v16 =	vmul.f32 v16, v30;
	v52 =	vld [tilespmem:$0xF00];
	v19 =	vmul.f32 $9.900000090e-01, v34  }
0xef: {  	v56 =	vld [tilespmem:$0x710];
	v40 =	vmul.f32 v1, v10;
	v46 =	vmul.f32 v2, v10;
	v53 =	vsub.f32 v47, v45  }
0xf0: {  	v48 =	vld [tilespmem:$0x6F0];
	v8 =	vadd.f32 v58, v8;
	v9 =	vadd.f32 v15, v62;
	v20 =	vmul.f32 v20, v19  }
0xf1: {  	v59 =	vand.u32 $0x7FFFFFFF, v18;
	v12 =	vsub.f32 v12, v13;
	v42 =	vadd.f32 v16, v31;
	v58 =	vld [tilespmem:$0xF10]  }
0xf2: {  	v15 =	vadd.f32 v39, v61;
	v61 =	vld [tilespmem:$0x750];
	v9 =	vmul.f32 v9, v19;
	v13 =	vadd.f32 v20, v38  }
0xf3: {  	v51 =	vld [tilespmem:$0x740];
	v62 =	vperm.xlane v5, v57;
	v12 =	vmul.f32 v12, v12;
	v21 =	vsub.f32 v55, v52  }
0xf4: {  	v50 =	vld [tilespmem:$0x700];
	v9 =	vadd.f32 v9, v40;
	v11 =	vsub.f32 v11, v13;
	v13 =	vmul.f32 v42, v19  }
0xf5: {  	v8 =	vadd.f32 v12, v8;
	v12 =	vsub.f32 v48, v43;
	v38 =	vld [tilespmem:$0xF30];
	v21 =	vmul.f32 v21, v62  }
0xf6: {  	v40 =	vld [tilespmem:$0xF70];
	v9 =	vsub.f32 v15, v9;
	v11 =	vmul.f32 v11, v11;
	v13 =	vadd.f32 v13, v46  }
0xf7: {  	v63 =	vld [tilespmem:$0xF20];
	v29 =	vsub.f32 v60, v58;
	v18 =	vsub.f32 v61, v56;
	v12 =	vmul.f32 v12, v32  }
0xf8: {  	v57 =	vld [tilespmem:$0x7D0];
	v9 =	vmul.f32 v9, v9;
	v8 =	vadd.f32 v11, v8;
	v13 =	vsub.f32 v49, v13  }
0xf9: {  	v10 =	vmul.f32 v7, v10;
	v15 =	vadd.f32 v21, v52;
	v52 =	vld [tilespmem:$0x790];
	v12 =	vadd.f32 v12, v43  }
0xfa: {  	v31 =	vld [tilespmem:$0x760];
	v8 =	vadd.f32 v9, v8;
	v13 =	vmul.f32 v13, v13;
	v9 =	vmul.f32 v53, v30  }
0xfb: {  	v33 =	vmul.f32 v18, v26;
	v48 =	vsub.f32 v40, v38;
	v11 =	vsub.f32 v51, v50;
	v30 =	vld [tilespmem:$0x720]  }
0xfc: {  	v8 =	vadd.f32 v13, v8;
	v9 =	vadd.f32 v9, v45;
	v13 =	vmin.f32 v59, $1.000000000e+00  }
0xfd: {  	v51 =	vadd.s32 $0xFFFFFFF6, v6;
	v11 =	vmul.f32 v11, v26;
	v13 =	vsub.f32 $1.000000000e+00, v13  }
0xfe: {  	v17 =	vsub.f32 v57, v52;
	v9 =	vmul.f32 v9, v19;
	v19 =	vsub.f32 v27, v63  }
0xff: {  	v28 =	vsub.f32 $1.000000000e+00, v13;
	v32 =	vmul.f32 v4, v13;
	v35 =	vmul.f32 v1, v13  }
0x100: {  	v61 =	vld [tilespmem:$0xFE0];
	v36 =	vsub.f32 v31, v30;
	v41 =	vmul.f32 v2, v13;
	v13 =	vmul.f32 v7, v13  }
0x101: {  	v59 =	vld [tilespmem:$0xFA0];
	v9 =	vadd.f32 v9, v10;
	v10 =	vmul.f32 v29, v62;
	v34 =	vmul.f32 v19, v62  }
0x102: {  	v49 =	vld [tilespmem:$0xF80];
	v11 =	vadd.f32 v11, v50;
	v19 =	vcvt.s32.f32 v51;
	v23 =	vmul.f32 $9.900000090e-01, v28  }
0x103: {  	v50 =	vld [tilespmem:$0xFC0];
	v39 =	vmul.f32 v36, v26;
	v9 =	vsub.f32 v12, v9;
	v10 =	vadd.f32 v10, v58  }
0x104: {  	v29 =	vld [tilespmem:$0x7E0];
	v37 =	vadd.f32 v34, v63;
	v58 =	vimm.s32 $0xA;
	v15 =	vmul.f32 v15, v23  }
0x105: {  	v63 =	vld [tilespmem:$0x7A0];
	v14 =	vadd.f32 v39, v30;
	v60 =	vperm.xlane v5, v58;
	v28 =	vperm.xlane v3, v58  }
0x106: {  	v30 =	vsub.f32 v61, v59;
	v10 =	vmul.f32 v10, v23;
	v9 =	vmul.f32 v9, v9  }
0x107: {  	v44 =	vld [tilespmem:$0x770];
	v12 =	vadd.f32 v15, v32;
	v15 =	vadd.f32 v33, v56;
	v56 =	vand.u32 $0x7FFFFFFF, v19  }
0x108: {  	v47 =	vld [tilespmem:$0x7C0];
	v33 =	vmul.f32 v30, v60;
	v10 =	vadd.f32 v10, v35;
	v8 =	vadd.f32 v9, v8  }
0x109: {  	v42 =	vld [tilespmem:$0x730];
	v16 =	vmin.f32 v56, $1.000000000e+00;
	v9 =	vsub.f32 v50, v49;
	v11 =	vsub.f32 v11, v12  }
0x10a: {  	v55 =	vld [tilespmem:$0xFD0];
	v32 =	vmul.f32 v17, v28;
	v16 =	vsub.f32 $1.000000000e+00, v16;
	v19 =	vsub.f32 v29, v63  }
0x10b: {  	v45 =	vld [tilespmem:$0x780];
	v12 =	vmul.f32 v37, v23;
	v17 =	vadd.f32 v33, v59;
	v10 =	vsub.f32 v15, v10  }
0x10c: {  	v40 =	vld [tilespmem:$0x7B0];
	v9 =	vmul.f32 v9, v60;
	v15 =	vadd.f32 v32, v52;
	v43 =	vmul.f32 v11, v11  }
0x10d: {  	v53 =	vld [tilespmem:$0xF90];
	v12 =	vadd.f32 v12, v41;
	v31 =	vmul.f32 v4, v16;
	v34 =	vmul.f32 v1, v16  }
0x10e: {  	v51 =	vld [tilespmem:$0x810];
	v11 =	vsub.f32 v44, v42;
	v35 =	vmul.f32 v19, v28;
	v37 =	vmul.f32 v2, v16  }
0x10f: {  	v50 =	vld [tilespmem:$0x1040];
	v46 =	vmul.f32 v10, v10;
	v8 =	vadd.f32 v43, v8;
	v12 =	vsub.f32 v14, v12  }
0x110: {  	v10 =	vsub.f32 v47, v45;
	v9 =	vadd.f32 v9, v49;
	v47 =	vld [tilespmem:$0x1000];
	v14 =	vmul.f32 v48, v62  }
0x111: {  	v36 =	vld [tilespmem:$0xFB0];
	v62 =	vsub.f32 $1.000000000e+00, v16;
	v8 =	vadd.f32 v46, v8;
	v12 =	vmul.f32 v12, v12  }
0x112: {  	v52 =	vld [tilespmem:$0x1010];
	v49 =	vadd.s32 $0xFFFFFFF5, v6;
	v54 =	vadd.f32 v14, v38;
	v14 =	vsub.f32 v55, v53  }
0x113: {  	v11 =	vmul.f32 v11, v26;
	v41 =	vadd.f32 v35, v63;
	v38 =	vld [tilespmem:$0xFF0];
	v8 =	vadd.f32 v12, v8  }
0x114: {  	v55 =	vld [tilespmem:$0x850];
	v12 =	vmul.f32 v54, v23;
	v14 =	vmul.f32 v14, v60;
	v54 =	vimm.s32 $0xB  }
0x115: {  	v63 =	vld [tilespmem:$0x860];
	v10 =	vmul.f32 v10, v28;
	v21 =	vsub.f32 v50, v47;
	v56 =	vperm.xlane v5, v54  }
0x116: {  	v12 =	vadd.f32 v12, v13;
	v13 =	vmul.f32 $9.900000090e-01, v62;
	v14 =	vadd.f32 v14, v53;
	v53 =	vld [tilespmem:$0x1050]  }
0x117: {  	v16 =	vmul.f32 v7, v16;
	v11 =	vadd.f32 v11, v42;
	v10 =	vadd.f32 v10, v45;
	v62 =	vld [tilespmem:$0x820]  }
0x118: {  	v43 =	vld [tilespmem:$0x800];
	v46 =	vsub.f32 v38, v36;
	v21 =	vmul.f32 v21, v56;
	v9 =	vmul.f32 v9, v13  }
0x119: {  	v42 =	vld [tilespmem:$0x7F0];
	v23 =	vsub.f32 v55, v51;
	v11 =	vsub.f32 v11, v12;
	v14 =	vmul.f32 v14, v13  }
0x11a: {  	v45 =	vld [tilespmem:$0x840];
	v58 =	vperm.xlane v3, v54;
	v20 =	vadd.f32 v21, v47;
	v9 =	vadd.f32 v9, v31  }
0x11b: {  	v11 =	vmul.f32 v11, v11;
	v14 =	vadd.f32 v14, v34;
	v61 =	vsub.f32 v53, v52  }
0x11c: {  	v17 =	vmul.f32 v17, v13;
	v29 =	vsub.f32 v63, v62;
	v9 =	vsub.f32 v10, v9  }
0x11d: {  	v57 =	vld [tilespmem:$0x1020];
	v27 =	vmul.f32 v23, v58;
	v8 =	vadd.f32 v11, v8;
	v39 =	vsub.f32 v15, v14  }
0x11e: {  	v59 =	vld [tilespmem:$0x1060];
	v10 =	vadd.f32 v17, v37;
	v17 =	vsub.f32 v42, v40;
	v15 =	vmul.f32 v46, v60  }
0x11f: {  	v11 =	vsub.f32 v45, v43;
	v32 =	vmul.f32 v29, v58;
	v9 =	vmul.f32 v9, v9  }
0x120: {  	v44 =	vmul.f32 v39, v39;
	v10 =	vsub.f32 v41, v10;
	v12 =	vmul.f32 v17, v28  }
0x121: {  	v15 =	vadd.f32 v15, v36;
	v11 =	vmul.f32 v11, v58;
	v37 =	vadd.f32 v32, v62  }
0x122: {  	v33 =	vld [tilespmem:$0x1070];
	v8 =	vadd.f32 v9, v8;
	v48 =	vmul.f32 v10, v10;
	v10 =	vcvt.s32.f32 v49  }
0x123: {  	v35 =	vld [tilespmem:$0x830];
	v12 =	vadd.f32 v12, v40;
	v13 =	vmul.f32 v15, v13;
	v15 =	vsub.f32 v59, v57  }
0x124: {  	v47 =	vld [tilespmem:$0x10D0];
	v11 =	vadd.f32 v11, v43;
	v8 =	vadd.f32 v44, v8;
	v10 =	vand.u32 $0x7FFFFFFF, v10  }
0x125: {  	v45 =	vld [tilespmem:$0x1090];
	v13 =	vadd.f32 v13, v16;
	v16 =	vmul.f32 v61, v56;
	v10 =	vmin.f32 v10, $1.000000000e+00  }
0x126: {  	v31 =	vld [tilespmem:$0x1030];
	v15 =	vmul.f32 v15, v56;
	v8 =	vadd.f32 v48, v8;
	v10 =	vsub.f32 $1.000000000e+00, v10  }
0x127: {  	v36 =	vld [tilespmem:$0x870];
	v12 =	vsub.f32 v12, v13;
	v9 =	vadd.f32 v16, v52  }
0x128: {  	v50 =	vimm.s32 $0xC;
	v53 =	vld [tilespmem:$0x10E0];
	v30 =	vadd.f32 v15, v57;
	v16 =	vadd.f32 v27, v51  }
0x129: {  	v51 =	vld [tilespmem:$0x10A0];
	v52 =	vperm.xlane v5, v50;
	v60 =	vsub.f32 $1.000000000e+00, v10;
	v26 =	vmul.f32 v4, v10  }
0x12a: {  	v15 =	vsub.f32 v47, v45;
	v28 =	vmul.f32 v1, v10;
	v12 =	vmul.f32 v12, v12  }
0x12b: {  	v40 =	vsub.f32 v33, v31;
	v34 =	vmul.f32 v2, v10;
	v19 =	vmul.f32 $9.900000090e-01, v60  }
0x12c: {  	v15 =	vmul.f32 v15, v52;
	v8 =	vadd.f32 v12, v8;
	v12 =	vsub.f32 v36, v35  }
0x12d: {  	v38 =	vld [tilespmem:$0x880];
	v43 =	vadd.s32 $0xFFFFFFF4, v6;
	v20 =	vmul.f32 v20, v19;
	v9 =	vmul.f32 v9, v19  }
0x12e: {  	v63 =	vld [tilespmem:$0x10B0];
	v15 =	vadd.f32 v15, v45;
	v12 =	vmul.f32 v12, v58;
	v58 =	vsub.f32 v53, v51  }
0x12f: {  	v49 =	vld [tilespmem:$0x8D0];
	v10 =	vmul.f32 v7, v10;
	v13 =	vadd.f32 v20, v26;
	v9 =	vadd.f32 v9, v28  }
0x130: {  	v44 =	vld [tilespmem:$0x890];
	v20 =	vcvt.s32.f32 v43;
	v12 =	vadd.f32 v12, v35;
	v60 =	vmul.f32 v58, v52  }
0x131: {  	v42 =	vld [tilespmem:$0x10C0];
	v43 =	vimm.s32 $0xD;
	v11 =	vsub.f32 v11, v13;
	v13 =	vmul.f32 v30, v19  }
0x132: {  	v26 =	vld [tilespmem:$0x10F0];
	v9 =	vsub.f32 v16, v9;
	v16 =	vmul.f32 v40, v56;
	v48 =	vand.u32 $0x7FFFFFFF, v20  }
0x133: {  	v41 =	vld [tilespmem:$0x1080];
	v45 =	vperm.xlane v5, v43;
	v17 =	vadd.f32 v60, v51;
	v14 =	vmin.f32 v48, $1.000000000e+00  }
0x134: {  	v39 =	vld [tilespmem:$0x8C0];
	v11 =	vmul.f32 v11, v11;
	v13 =	vadd.f32 v13, v34;
	v46 =	vadd.f32 v16, v31  }
0x135: {  	v47 =	vperm.xlane v3, v43;
	v14 =	vsub.f32 $1.000000000e+00, v14;
	v16 =	vsub.f32 v49, v44  }
0x136: {  	v55 =	vld [tilespmem:$0x8A0];
	v9 =	vmul.f32 v9, v9;
	v8 =	vadd.f32 v11, v8;
	v13 =	vsub.f32 v37, v13  }
0x137: {  	v57 =	vld [tilespmem:$0x8E0];
	v56 =	vperm.xlane v3, v50;
	v35 =	vsub.f32 v26, v63;
	v54 =	vsub.f32 $1.000000000e+00, v14  }
0x138: {  	v36 =	vld [tilespmem:$0x1100];
	v8 =	vadd.f32 v9, v8;
	v13 =	vmul.f32 v13, v13;
	v9 =	vsub.f32 v42, v41  }
0x139: {  	v11 =	vsub.f32 v39, v38;
	v59 =	vmul.f32 v4, v14;
	v16 =	vmul.f32 v16, v56;
	v39 =	vld [tilespmem:$0x1140]  }
0x13a: {  	v40 =	vld [tilespmem:$0x910];
	v8 =	vadd.f32 v13, v8;
	v13 =	vmul.f32 v46, v19;
	v9 =	vmul.f32 v9, v52  }
0x13b: {  	v61 =	vmul.f32 v1, v14;
	v11 =	vmul.f32 v11, v56;
	v16 =	vadd.f32 v16, v44;
	v44 =	vld [tilespmem:$0x950]  }
0x13c: {  	v10 =	vadd.f32 v13, v10;
	v13 =	vmul.f32 $9.900000090e-01, v54;
	v9 =	vadd.f32 v9, v41  }
0x13d: {  	v28 =	vld [tilespmem:$0x8B0];
	v25 =	vmul.f32 v2, v14;
	v14 =	vmul.f32 v7, v14;
	v19 =	vsub.f32 v57, v55  }
0x13e: {  	v30 =	vld [tilespmem:$0x8F0];
	v11 =	vadd.f32 v11, v38;
	v21 =	vsub.f32 v39, v36;
	v9 =	vmul.f32 v9, v13  }
0x13f: {  	v31 =	vld [tilespmem:$0x900];
	v62 =	vmul.f32 v19, v56;
	v10 =	vsub.f32 v12, v10;
	v15 =	vmul.f32 v15, v13  }
0x140: {  	v42 =	vld [tilespmem:$0x1150];
	v21 =	vmul.f32 v21, v45;
	v23 =	vsub.f32 v44, v40;
	v9 =	vadd.f32 v9, v59  }
0x141: {  	v41 =	vld [tilespmem:$0x1110];
	v29 =	vadd.f32 v62, v55;
	v10 =	vmul.f32 v10, v10;
	v15 =	vadd.f32 v15, v61  }
0x142: {  	v34 =	vld [tilespmem:$0x940];
	v17 =	vmul.f32 v17, v13;
	v20 =	vadd.f32 v21, v36;
	v9 =	vsub.f32 v11, v9  }
0x143: {  	v38 =	vadd.s32 $0xFFFFFFF3, v6;
	v59 =	vld [tilespmem:$0x1130];
	v8 =	vadd.f32 v10, v8;
	v27 =	vsub.f32 v16, v15  }
0x144: {  	v54 =	vmul.f32 v23, v47;
	v61 =	vld [tilespmem:$0x1170];
	v11 =	vadd.f32 v17, v25;
	v17 =	vsub.f32 v30, v28  }
0x145: {  	v51 =	vld [tilespmem:$0x920];
	v16 =	vmul.f32 v35, v52;
	v10 =	vcvt.s32.f32 v38;
	v35 =	vimm.s32 $0xE  }
0x146: {  	v48 =	vld [tilespmem:$0x1160];
	v50 =	vsub.f32 v42, v41;
	v44 =	vperm.xlane v3, v35;
	v9 =	vmul.f32 v9, v9  }
0x147: {  	v46 =	vld [tilespmem:$0x1120];
	v32 =	vmul.f32 v27, v27;
	v33 =	vsub.f32 v29, v11;
	v12 =	vmul.f32 v17, v56  }
0x148: {  	v52 =	vld [tilespmem:$0x960];
	v16 =	vadd.f32 v16, v63;
	v10 =	vand.u32 $0x7FFFFFFF, v10;
	v11 =	vsub.f32 v34, v31  }
0x149: {  	v10 =	vmin.f32 v10, $1.000000000e+00;
	v34 =	vsub.f32 v61, v59;
	v8 =	vadd.f32 v9, v8  }
0x14a: {  	v57 =	vld [tilespmem:$0x970];
	v37 =	vmul.f32 v33, v33;
	v10 =	vsub.f32 $1.000000000e+00, v10;
	v12 =	vadd.f32 v12, v28  }
0x14b: {  	v55 =	vld [tilespmem:$0x930];
	v13 =	vmul.f32 v16, v13;
	v11 =	vmul.f32 v11, v47;
	v28 =	vadd.s32 $0xFFFFFFF2, v6  }
0x14c: {  	v63 =	vld [tilespmem:$0x1180];
	v16 =	vsub.f32 v48, v46;
	v6 =	vadd.s32 $0xFFFFFFF1, v6;
	v30 =	vcvt.s32.f32 v28  }
0x14d: {  	v29 =	vld [tilespmem:$0x11C0];
	v21 =	vsub.f32 v52, v51;
	v39 =	vmul.f32 v34, v45;
	v6 =	vcvt.s32.f32 v6  }
0x14e: {  	v34 =	vimm.s32 $0xF;
	v8 =	vadd.f32 v32, v8;
	v49 =	vsub.f32 $1.000000000e+00, v10  }
0x14f: {  	v13 =	vadd.f32 v13, v14;
	v53 =	vmul.f32 v4, v10;
	v14 =	vmul.f32 v50, v45  }
0x150: {  	v11 =	vadd.f32 v11, v31;
	v16 =	vmul.f32 v16, v45;
	v56 =	vmul.f32 v1, v10  }
0x151: {  	v62 =	vmul.f32 v2, v10;
	v32 =	vsub.f32 v57, v55;
	v10 =	vmul.f32 v7, v10  }
0x152: {  	v27 =	vld [tilespmem:$0x1190];
	v60 =	vmul.f32 v21, v47;
	v25 =	vsub.f32 v29, v63;
	v8 =	vadd.f32 v37, v8  }
0x153: {  	v45 =	vld [tilespmem:$0x11A0];
	v19 =	vmul.f32 $9.900000090e-01, v49;
	v12 =	vsub.f32 v12, v13;
	v9 =	vadd.f32 v14, v41  }
0x154: {  	v6 =	vand.u32 $0x7FFFFFFF, v6;
	v58 =	vadd.f32 v16, v46;
	v14 =	vadd.f32 v54, v40;
	v40 =	vld [tilespmem:$0x11D0]  }
0x155: {  	v37 =	vperm.xlane v5, v35;
	v46 =	vld [tilespmem:$0x11E0];
	v6 =	vmin.f32 v6, $1.000000000e+00;
	v20 =	vmul.f32 v20, v19  }
0x156: {  	v43 =	vld [tilespmem:$0x9D0];
	v17 =	vadd.f32 v60, v51;
	v9 =	vmul.f32 v9, v19;
	v12 =	vmul.f32 v12, v12  }
0x157: {  	v36 =	vld [tilespmem:$0x990];
	v6 =	vsub.f32 $1.000000000e+00, v6;
	v42 =	vmul.f32 v25, v37;
	v13 =	vadd.f32 v20, v53  }
0x158: {  	v61 =	vld [tilespmem:$0x11F0];
	v3 =	vperm.xlane v3, v34;
	v9 =	vadd.f32 v9, v56;
	v8 =	vadd.f32 v12, v8  }
0x159: {  	v33 =	vld [tilespmem:$0x9C0];
	v5 =	vperm.xlane v5, v34;
	v22 =	vadd.f32 v42, v63;
	v20 =	vsub.f32 v40, v27  }
0x15a: {  	v31 =	vld [tilespmem:$0x980];
	v56 =	vsub.f32 v46, v45;
	v11 =	vsub.f32 v11, v13;
	v13 =	vmul.f32 v58, v19  }
0x15b: {  	v52 =	vld [tilespmem:$0x9E0];
	v9 =	vsub.f32 v14, v9;
	v14 =	vmul.f32 v32, v47;
	v54 =	vmul.f32 v20, v37  }
0x15c: {  	v28 =	vld [tilespmem:$0xA00];
	v42 =	vsub.f32 $1.000000000e+00, v6;
	v60 =	vmul.f32 v56, v37;
	v11 =	vmul.f32 v11, v11  }
0x15d: {  	s31 =	sand.u32 $0x3, s5;
	v51 =	vld [tilespmem:$0x9A0];
	v12 =	vadd.f32 v13, v62;
	v9 =	vmul.f32 v9, v9;
	v14 =	vadd.f32 v14, v55  }
0x15e: {  	s5 =	simm.f32 $0.0e+00;
	p1 =	seq.s32 s31, $0x3;
	v63 =	vld [tilespmem:$0x9B0];
	v13 =	vand.u32 $0x7FFFFFFF, v30;
	v55 =	vsub.f32 v43, v36;
	v57 =	vadd.f32 v54, v27  }
0x15f: {  	s5 =	simm.s32 @!p1 $0x3F7D70A4;
	v58 =	vld [tilespmem:$0x11B0];
	v13 =	vmin.f32 v13, $1.000000000e+00;
	v12 =	vsub.f32 v17, v12;
	v17 =	vsub.f32 v33, v31  }
0x160: {  	v32 =	vld [tilespmem:$0x1240];
	v18 =	vadd.f32 v60, v45;
	v45 =	vmul.f32 s5, v42;
	v13 =	vsub.f32 $1.000000000e+00, v13  }
0x161: {  	v56 =	vld [tilespmem:$0xA70];
	v8 =	vadd.f32 v11, v8;
	v38 =	vmul.f32 v12, v12;
	v48 =	vmul.f32 v17, v44  }
0x162: {  	v30 =	vld [tilespmem:$0x1200];
	v12 =	vadd.f32 v39, v59;
	v49 =	vmul.f32 v4, v13;
	v59 =	vmul.f32 v55, v44  }
0x163: {  	v27 =	vld [tilespmem:$0x9F0];
	v8 =	vadd.f32 v9, v8;
	v62 =	vmul.f32 v1, v13;
	v29 =	vmul.f32 v2, v13  }
0x164: {  	v43 =	vld [tilespmem:$0x1260];
	v41 =	vsub.f32 $1.000000000e+00, v13;
	v13 =	vmul.f32 v7, v13;
	v4 =	vmul.f32 v4, v6  }
0x165: {  	v55 =	vld [tilespmem:$0xA30];
	v1 =	vmul.f32 v1, v6;
	v2 =	vmul.f32 v2, v6  }
0x166: {  	v39 =	vld [tilespmem:$0x1250];
	v15 =	vmul.f32 s5, v41;
	v8 =	vadd.f32 v38, v8;
	v11 =	vadd.f32 v48, v31  }
0x167: {  	v47 =	vmul.f32 v12, v19;
	v12 =	vadd.f32 v59, v36;
	v31 =	vsub.f32 v61, v58;
	v38 =	vld [tilespmem:$0x1210]  }
0x168: {  	v21 =	vsub.f32 v27, v63;
	v19 =	vsub.f32 v32, v30;
	v41 =	vld [tilespmem:$0x1220];
	v50 =	vmul.f32 v22, v15  }
0x169: {  	v33 =	vld [tilespmem:$0xA40];
	v9 =	vadd.f32 v47, v10;
	v10 =	vsub.f32 v52, v51;
	v35 =	vmul.f32 v31, v37  }
0x16a: {  	v36 =	vld [tilespmem:$0xA10];
	v40 =	vmul.f32 v21, v44;
	v19 =	vmul.f32 v19, v5;
	v61 =	vsub.f32 v56, v55  }
0x16b: {  	v47 =	vld [tilespmem:$0x1270];
	v53 =	vadd.f32 v50, v49;
	v9 =	vsub.f32 v14, v9;
	v14 =	vmul.f32 v57, v15  }
0x16c: {  	v10 =	vmul.f32 v10, v44;
	v44 =	vld [tilespmem:$0x1230];
	v46 =	vadd.f32 v19, v30;
	v50 =	vsub.f32 v39, v38  }
0x16d: {  	v37 =	vld [tilespmem:$0xA50];
	v54 =	vsub.f32 v43, v41;
	v9 =	vmul.f32 v9, v9;
	v14 =	vadd.f32 v14, v62  }
0x16e: {  	v18 =	vmul.f32 v18, v15;
	v49 =	vld [tilespmem:$0xA20];
	v11 =	vsub.f32 v11, v53;
	v10 =	vadd.f32 v10, v51  }
0x16f: {  	v51 =	vld [tilespmem:$0xA60];
	v53 =	vmul.f32 v50, v5;
	v8 =	vadd.f32 v9, v8;
	v12 =	vsub.f32 v12, v14  }
0x170: {  	v11 =	vmul.f32 v11, v11;
	v9 =	vadd.f32 v18, v29;
	v18 =	vsub.f32 v33, v28  }
0x171: {  	v6 =	vmul.f32 v7, v6;
	v19 =	vsub.f32 v47, v44;
	v57 =	vadd.f32 v53, v38  }
0x172: {  	v8 =	vadd.f32 v11, v8;
	v12 =	vmul.f32 v12, v12;
	v9 =	vsub.f32 v10, v9  }
0x173: {  	v11 =	vadd.f32 v35, v58;
	v48 =	vmul.f32 v18, v3;
	v10 =	vsub.f32 v37, v36  }
0x174: {  	v58 =	vmul.f32 v54, v5;
	v5 =	vmul.f32 v19, v5;
	v59 =	vsub.f32 v51, v49  }
0x175: {  	v8 =	vadd.f32 v12, v8;
	v9 =	vmul.f32 v9, v9;
	v11 =	vmul.f32 v11, v15  }
0x176: {  	v12 =	vadd.f32 v40, v63;
	v15 =	vmul.f32 v46, v45;
	v52 =	vadd.f32 v48, v28  }
0x177: {  	v10 =	vmul.f32 v10, v3;
	v5 =	vadd.f32 v5, v44;
	v11 =	vadd.f32 v11, v13  }
0x178: {  	v60 =	vmul.f32 v59, v3;
	v8 =	vadd.f32 v9, v8;
	v4 =	vadd.f32 v15, v4  }
0x179: {  	v13 =	vadd.f32 v58, v41;
	v11 =	vsub.f32 v12, v11;
	v12 =	vmul.f32 v57, v45  }
0x17a: {  	v3 =	vmul.f32 v61, v3;
	v10 =	vadd.f32 v10, v36;
	v62 =	vadd.f32 v60, v49  }
0x17b: {  	v4 =	vsub.f32 v52, v4;
	v13 =	vmul.f32 v13, v45;
	v1 =	vadd.f32 v12, v1  }
0x17c: {  	v5 =	vmul.f32 v5, v45;
	v3 =	vadd.f32 v3, v55;
	v11 =	vmul.f32 v11, v11  }
0x17d: {  	s5 =	simm.f32 $0.0e+00;
	v4 =	vmul.f32 v4, v4;
	v2 =	vadd.f32 v13, v2;
	v1 =	vsub.f32 v10, v1  }
0x17e: {  	s5 =	simm.s32 @!p1 $0x3F800000;
	v5 =	vadd.f32 v5, v6;
	v63 =	vadd.f32 v11, v8  }
0x17f: {  	v4 =	vmul.f32 s5, v4;
	v2 =	vsub.f32 v62, v2;
	v1 =	vmul.f32 v1, v1  }
0x180: {  	v3 =	vsub.f32 v3, v5  }
0x181: {  	v4 =	vadd.f32 v4, v63;
	v2 =	vmul.f32 v2, v2;
	v1 =	vmul.f32 s5, v1;
	_ =	sdelay $0x1  }
.Ltmp1:
0x182: {  	v3 =	vmul.f32 v3, v3;
	v2 =	vmul.f32 s5, v2;
	v1 =	vadd.f32 v1, v4;
	(pc) =	sbr.rel @!p0 .LBB2_2-.Ltmp1, $3  }
0x183: {  	_ = 	snop  }
0x184: {  	v1 =	vadd.f32 v2, v1;
	v2 =	vmul.f32 s5, v3;
	_ =	sdelay $0x1  }
0x185: {  	v1 =	vadd.f32 v2, v1  }
0x186: {  	[bflag:$0x0] =	sbarrier.arrive $0xFFFF  }
0x187: {  	s1 =	simm.s32 $0x1B00;
	[tilespmem:$0x1A80] =	vst v1  }
0x188: {  	s5 =	simm.s32 $0x1A80;
	[tilespmem:s1+$0x0] =	vst.msk $0x1, v0  }
0x189: {  	[spmem:s3] =	stream.indirect.scatter.add.f32 [tilespmem:s5], [sflag:$0x2], $0x10, s1, s4, $0xb8;
	[tilespmem:$0x1C88] =	vst v63  }
.Ltmp2:
0x18a: {  	_ =	swait.ge [sflag:s2], $0x10;
	(pc) =	sbr.rel .LBB2_4-.Ltmp2, $3  }
0x18b: {  	[sflag:s2] =	ssyncset.done $0x0  }
0x18c: {  	[sflag:s2] =	ssyncadd.s32 $0xFFFFFFF0  }
0x18d: {  	[bflag:$0x0] =	sbarrier.arrive $0xFFFF;
	_ =	sdelay $0x1  }
.LBB2_2:
0x18e: {  	v2 =	vimm.f32 $0.0e+00  }
0x18f: {  	s5 =	simm.s32 $0x1A80;
	[tilespmem:$0x1A80] =	vst v2  }
0x190: {  	[spmem:s3] =	stream.linear.scatter [tilespmem:s5], [sflag:$0x2], $0x80, $0x38;
	[tilespmem:$0x1C88] =	vst v63  }
0x191: {  	_ =	swait.ge [sflag:s2], $0x80  }
0x192: {  	[sflag:s2] =	ssyncset.done $0x0  }
0x193: {  	[sflag:s2] =	ssyncadd.s32 $0xFFFFFF80  }
0x194: {  	[bflag:$0x0] =	sbarrier.arrive $0xFFFF  }
0x195: {  	s6 =	simm.s32 $0x1B00;
	[tilespmem:$0x1A80] =	vst v1  }
0x196: {  	[tilespmem:s6+$0x0] =	vst.msk $0x1, v0  }
0x197: {  	[spmem:s3] =	stream.indirect.scatter.add.f32 [tilespmem:s5], [sflag:$0x2], $0x10, s6, s4, $0xb8;
	[tilespmem:$0x1C88] =	vst v63  }
0x198: {  	_ =	swait.ge [sflag:s2], $0x10  }
0x199: {  	[sflag:s2] =	ssyncset.done $0x0  }
0x19a: {  	[sflag:s2] =	ssyncadd.s32 $0xFFFFFFF0  }
0x19b: {  	s29 =	simm.s32 $0x1B80;
	[bflag:$0x0] =	sbarrier.arrive $0xFFFF  }
0x19c: {  	[tilespmem:s29], [sflag:$0x2] =	stream.linear.gather [spmem:s3], $0x80, $0x38;
	[tilespmem:$0x1C88] =	vst v63  }
0x19d: {  	_ =	swait.ge [sflag:s2], $0x80  }
0x19e: {  	[sflag:s2] =	ssyncset.done $0x0  }
0x19f: {  	v53 =	vimm.s32 $0xEFCDAB89;
	v54 =	vimm.s32 $0x67452301;
	[sflag:s2] =	ssyncadd.s32 $0xFFFFFF80  }
0x1a0: {  	v1 =	vunpack.c.l.s4.s8 v54;
	v0 =	vunpack.c.l.s4.s8 v53;
	v55 =	vld [tilespmem:$0x80];
	_ =	sdelay $0x1  }
0x1a1: {  	v1 =	vunpack.c.0.s8.s32 v1;
	v0 =	vunpack.c.0.s8.s32 v0  }
0x1a2: {  	v3 =	vimm.s32 $0xDCFE98BA;
	v4 =	vimm.s32 $0x54761032  }
0x1a3: {  	v56 =	vunpack.c.l.s4.s8 v3;
	v57 =	vunpack.c.l.s4.s8 v4;
	v0 =	vcombine.low v1, v0  }
0x1a4: {  	v2 =	vcvt.s32.f32 v55  }
0x1a5: {  	v3 =	vunpack.c.0.s8.s32 v57;
	v1 =	vunpack.c.0.s8.s32 v56;
	v0 =	vand.u32 $0xF, v0  }
0x1a6: {  	v58 =	vimm.s32 $0xBA98FEDC;
	v5 =	vimm.s32 $0x32107654;
	v6 =	vperm.xlane v2, v0  }
0x1a7: {  	v59 =	vunpack.c.l.s4.s8 v58;
	v60 =	vunpack.c.l.s4.s8 v5;
	v1 =	vcombine.low v3, v1  }
0x1a8: {  	v2 =	vadd.f32 v2, v6  }
0x1a9: {  	v4 =	vunpack.c.0.s8.s32 v60;
	v3 =	vunpack.c.0.s8.s32 v59;
	v1 =	vand.u32 $0xF, v1  }
0x1aa: {  	v61 =	vimm.s32 $0xFEDCBA98;
	v6 =	vperm.xlane v2, v1  }
0x1ab: {  	v62 =	vimm.s32 $0x76543210;
	v5 =	vunpack.c.l.s4.s8 v61;
	v3 =	vcombine.low v4, v3;
	v7 =	vld [tilespmem:$0x1B80]  }
0x1ac: {  	v4 =	vunpack.c.l.s4.s8 v62;
	v2 =	vadd.f32 v6, v2  }
0x1ad: {  	v5 =	vunpack.c.0.s8.s32 v5;
	v3 =	vand.u32 $0xF, v3  }
0x1ae: {  	v4 =	vunpack.c.0.s8.s32 v4;
	v6 =	vperm.xlane v2, v3  }
0x1af: {  	v5 =	vand.u32 $0xF, v5  }
0x1b0: {  	v4 =	vcombine.low v5, v4;
	v0 =	vperm.xlane v7, v0;
	v2 =	vadd.f32 v6, v2;
	_ =	sdelay $0x1  }
0x1b1: {  	v0 =	vadd.f32 v0, v7;
	v5 =	vperm.xlane v2, v4;
	_ =	sdelay $0x1  }
0x1b2: {  	v1 =	vperm.xlane v0, v1;
	v2 =	vadd.f32 v5, v2;
	_ =	sdelay $0x1  }
0x1b3: {  	v0 =	vadd.f32 v1, v0;
	(erf) = vrcp.f32 v2;
	_ =	sdelay $0x1  }
0x1b4: {  	v1 =	vperm.xlane v0, v3;
	_ =	sdelay $0x1  }
0x1b5: {  	v0 =	vadd.f32 v1, v0;
	_ =	sdelay $0x1  }
0x1b6: {  	v1 =	vperm.xlane v0, v4;
	_ =	sdelay $0x1  }
0x1b7: {  	v0 =	vadd.f32 v1, v0  }
0x1b8: {  	v63 =	vpop (erf)  }
0x1b9: {  	v0 =	vmul.f32 v63, v0;
	_ =	sdelay $0x1  }
0x1ba: {  	s30 =	simm.s32 $0x0;
	s31 =	simm.s32 $0x1C00;
	[tilespmem:$0x1C00] =	vst v0  }
0x1bb: {  	[hbm4b:s1+s30] =	stream.linear.scatter [tilespmem:s31], [sflag:$0x2], $0x80, $0x38;
	[tilespmem:$0x1C88] =	vst v63  }
0x1bc: {  	_ =	swait.ge [sflag:s2], $0x80  }
0x1bd: {  	[sflag:s2] =	ssyncset.done $0x0  }
0x1be: {  	[sflag:s2] =	ssyncadd.s32 $0xFFFFFF80  }
.LBB2_4:
0x1bf: {  	_ =	sfence.sel $0x180000  }
0x1c0: {  	[bflag:$0x0] =	sbarrier.arrive $0xFFFF  }
0x1c1: {  	_ =	strace $0x90000047  }
0x1c2: {  	s0 =	sadd.s32 @!p0 $0x100000, s0;
	[bflag:$0x2] =	sbarrier.arrive $0xFFFF  }
0x1c3: {  	[sflag:s0] =	ssyncadd.tile.s32 @!p0 $0x1;
	_ =	shalt  }
.Lfunc_end2:
_tile_overlayer_lowered:
.L_overlay_start_2:
0x1c4: {  	(tag) =	ssettag $0x2  }
0x1c5: {  	s0 =	rddreg [dreg:$0x0];
	s2 =	stileid.u32  }
0x1c6: {  	s1 =	rddreg [dreg:$0x1];
	p0 =	sne.s32 s2, $0x0  }
0x1c7: {  	s3 =	rddreg [dreg:$0x2];
	[bflag:$0x3] =	sbarrier.arrive $0xFFFF;
	s2 =	simm.s32 @!p0 $0x1C02  }
0x1c8: {  	[timem:s3], [sflag:s2] =	dma.local @!p0 [hbm:s0], s1  }
0x1c9: {  	s0 =	simm.s32 @!p0 $0x2  }
0x1ca: {  	_ =	swait.ge @!p0 [sflag:s0], s1  }
0x1cb: {  	s1 =	ssub.s32 @!p0 $0x0, s1;
	[sflag:s0] =	ssyncset.done @!p0 $0x0  }
0x1cc: {  	[sflag:s0] =	ssyncadd.s32 @!p0 s1  }
0x1cd: {  	[bflag:$0x3] =	sbarrier.arrive $0xFFFF  }
0x1ce: {  	_ =	shalt  }

</sc_bundles>
